<compile_context>
chip_gen: v7x
topology: tpu7x:2x2x1
jax: 0.10.2.dev20260603
libtpu: 0.0.44.dev20260713+nightly
codegen_flags: <defaults>
</compile_context>

<pallas_src>
import functools

import jax
import jax.numpy as jnp
from jax import lax
from jax.experimental import pallas as pl
from jax.experimental.pallas import tpu as pltpu
from jax.experimental.pallas import tpu_sc as plsc

NC = 2
NS = 16
NW = NC * NS
CH = 128
LW = 128


def _sc_mesh():
    return plsc.VectorSubcoreMesh(
        core_axis_name="c", subcore_axis_name="s", num_cores=NC, num_subcores=NS
    )


WB = 128


def _seg_sum_partials(table, src3, dste3, dsto3, acc_rows):
    nchunks = src3.shape[1]
    rpt = acc_rows // NS

    @functools.partial(
        pl.kernel,
        mesh=_sc_mesh(),
        out_type=jax.ShapeDtypeStruct((NC, acc_rows, LW), jnp.float32),
        scratch_types=[
            pltpu.VMEM((CH,), jnp.int32),
            pltpu.VMEM((CH,), jnp.int32),
            pltpu.VMEM((CH,), jnp.int32),
            pltpu.VMEM((CH, LW), jnp.float32),
            pltpu.VMEM((CH, LW), jnp.float32),
            pltpu.VMEM((CH, LW), jnp.float32),
            pltpu.VMEM((8, LW), jnp.float32),
            pltpu.VMEM_SHARED((acc_rows, LW), jnp.float32),
            pltpu.SemaphoreType.DMA,
        ],
    )
    def k(table_h, src_h, dste_h, dsto_h, out_h, src0_v, dstE_v, dstO_v,
          rowsA_v, cbufE_v, cbufO_v, zb_v, acc_s, sem0):
        c = lax.axis_index("c")
        s = lax.axis_index("s")
        wid = c * NS + s

        z16 = jnp.zeros((16,), jnp.float32)

        def zrow(i, carry):
            for u in range(8):
                cbufE_v[i, pl.ds(u * 16, 16)] = z16
                cbufO_v[i, pl.ds(u * 16, 16)] = z16
            return carry

        lax.fori_loop(0, CH, zrow, 0)
        for i in range(8):
            for u in range(8):
                zb_v[i, pl.ds(u * 16, 16)] = z16

        def zcp(k2, carry):
            pltpu.sync_copy(zb_v, acc_s.at[pl.ds(s * rpt + k2 * 8, 8)])
            return carry

        lax.fori_loop(0, rpt // 8, zcp, 0)
        plsc.subcore_barrier()

        def body(j, carry):
            pltpu.sync_copy(src_h.at[wid, j], src0_v)
            pltpu.sync_copy(dste_h.at[wid, j], dstE_v)
            pltpu.sync_copy(dsto_h.at[wid, j], dstO_v)
            pltpu.async_copy(table_h.at[src0_v], rowsA_v, sem0).wait()

            def crow(i, carry2):
                for u in range(4):
                    v = rowsA_v[i, pl.ds(u * 16, 16)]
                    cbufE_v[i, pl.ds(u * 16, 16)] = v
                    cbufO_v[i, pl.ds(64 + u * 16, 16)] = v
                return carry2

            lax.fori_loop(0, CH, crow, 0)
            pltpu.sync_copy(cbufE_v, acc_s.at[dstE_v], add=True)
            pltpu.sync_copy(cbufO_v, acc_s.at[dstO_v], add=True)
            return carry

        lax.fori_loop(0, nchunks, body, 0)
        plsc.subcore_barrier()

        pltpu.sync_copy(acc_s.at[pl.ds(s * rpt, rpt)],
                        out_h.at[c, pl.ds(s * rpt, rpt)])

    return k(table, src3, dste3, dsto3)


def _gather_rows(table, idx3):
    nchunks = idx3.shape[1]
    tot = NW * nchunks * CH

    @functools.partial(
        pl.kernel,
        mesh=_sc_mesh(),
        out_type=jax.ShapeDtypeStruct((tot, LW), table.dtype),
        scratch_types=[
            pltpu.VMEM((CH,), jnp.int32),
            pltpu.VMEM((CH, LW), table.dtype),
            pltpu.SemaphoreType.DMA,
        ],
    )
    def k(table_h, idx_h, out_h, idx0_v, rowsA_v, sem0):
        c = lax.axis_index("c")
        s = lax.axis_index("s")
        wid = c * NS + s
        base = wid * nchunks * CH

        def body(j, carry):
            pltpu.sync_copy(idx_h.at[wid, j], idx0_v)
            pltpu.async_copy(table_h.at[idx0_v], rowsA_v, sem0).wait()
            pltpu.sync_copy(rowsA_v, out_h.at[pl.ds(base + j * CH, CH)])
            return carry

        lax.fori_loop(0, nchunks, body, 0)

    return k(table, idx3)


def _gather_words(table, idx3):
    nchunks = idx3.shape[1]
    tot = NW * nchunks * CH

    @functools.partial(
        pl.kernel,
        mesh=_sc_mesh(),
        out_type=jax.ShapeDtypeStruct((tot,), table.dtype),
        scratch_types=[
            pltpu.VMEM((CH,), jnp.int32),
            pltpu.VMEM((CH,), table.dtype),
            pltpu.SemaphoreType.DMA,
        ],
    )
    def k(table_h, idx_h, out_h, idx0_v, valsA_v, sem0):
        c = lax.axis_index("c")
        s = lax.axis_index("s")
        wid = c * NS + s
        base = wid * nchunks * CH

        def body(j, carry):
            pltpu.sync_copy(idx_h.at[wid, j], idx0_v)
            pltpu.async_copy(table_h.at[idx0_v], valsA_v, sem0).wait()
            pltpu.sync_copy(valsA_v, out_h.at[pl.ds(base + j * CH, CH)])
            return carry

        lax.fori_loop(0, nchunks, body, 0)

    return k(table, idx3)



BM = 1280


def _mm_body(x_ref, w_ref, o_ref):
    o_ref[...] = jnp.dot(x_ref[...], w_ref[...],
                         preferred_element_type=jnp.float32)


def _tc_matmul(x, w):
    n, d = x.shape
    h = w.shape[1]
    return pl.pallas_call(
        _mm_body,
        grid=(n // BM,),
        in_specs=[
            pl.BlockSpec((BM, d), lambda i: (i, 0)),
            pl.BlockSpec((d, h), lambda i: (0, 0)),
        ],
        out_specs=pl.BlockSpec((BM, h), lambda i: (i, 0)),
        out_shape=jax.ShapeDtypeStruct((n, h), jnp.float32),
    )(x, w)


def _make_postagg_body(n_valid):
    def body(hp_ref, p_ref, aux_ref, w_ref, t_ref, st_ref):
        i = pl.program_id(0)
        h = w_ref.shape[0]
        agg = p_ref[0] + p_ref[1]
        hp = hp_ref[...][:, :h]
        a = jnp.maximum(hp * aux_ref[0:1, :] + agg + aux_ref[1:2, :], 0.0)
        t = jnp.maximum(
            jnp.dot(a, w_ref[...], preferred_element_type=jnp.float32)
            + aux_ref[2:3, :], 0.0)
        t_ref[...] = t

        @pl.when(i == 0)
        def _():
            st_ref[...] = jnp.zeros_like(st_ref)

        row = i * BM + lax.broadcasted_iota(jnp.int32, (BM, 1), 0)
        mask = row < n_valid
        tm = jnp.where(mask, t, 0.0)
        tc = jnp.where(mask, t - _BN_SHIFT, 0.0)
        s1 = jnp.sum(tm, axis=0)
        s2 = jnp.sum(tc * tc, axis=0)
        st_ref[...] += jnp.concatenate(
            [s1[None], s2[None], jnp.zeros((6, t.shape[1]), jnp.float32)],
            axis=0)
    return body


def _tc_postagg(hp, parts, aux, w2t, n_valid):
    n = hp.shape[0]
    h = w2t.shape[1]
    return pl.pallas_call(
        _make_postagg_body(n_valid),
        grid=(n // BM,),
        in_specs=[
            pl.BlockSpec((BM, LW), lambda i: (i, 0)),
            pl.BlockSpec((NC, BM, h), lambda i: (0, i, 0)),
            pl.BlockSpec((8, h), lambda i: (0, 0)),
            pl.BlockSpec((h, h), lambda i: (0, 0)),
        ],
        out_specs=[
            pl.BlockSpec((BM, h), lambda i: (i, 0)),
            pl.BlockSpec((8, h), lambda i: (0, 0)),
        ],
        out_shape=[
            jax.ShapeDtypeStruct((n, h), jnp.float32),
            jax.ShapeDtypeStruct((8, h), jnp.float32),
        ],
    )(hp, parts, aux, w2t)


_BN_SHIFT = 0.7


def _bn_cols(t, st_ref, aux_ref, n_rows):
    mean = st_ref[0:1, :] / n_rows
    mc = mean - _BN_SHIFT
    var = st_ref[1:2, :] / n_rows - mc * mc
    inv = lax.rsqrt(var + 1e-5)
    return (t - mean) * (inv * aux_ref[0:1, :]) + aux_ref[1:2, :]


def _make_bnmm_body(n_rows):
    def body(t_ref, st_ref, aux_ref, w_ref, o_ref):
        hn = _bn_cols(t_ref[...], st_ref, aux_ref, n_rows)
        o_ref[...] = jnp.dot(hn, w_ref[...], preferred_element_type=jnp.float32)
    return body


def _tc_bn_matmul(t, st, aux, w, n_valid):
    n, h = t.shape
    ho = w.shape[1]
    return pl.pallas_call(
        _make_bnmm_body(float(n_valid)),
        grid=(n // BM,),
        in_specs=[
            pl.BlockSpec((BM, h), lambda i: (i, 0)),
            pl.BlockSpec((8, h), lambda i: (0, 0)),
            pl.BlockSpec((8, h), lambda i: (0, 0)),
            pl.BlockSpec((h, ho), lambda i: (0, 0)),
        ],
        out_specs=pl.BlockSpec((BM, ho), lambda i: (i, 0)),
        out_shape=jax.ShapeDtypeStruct((n, ho), jnp.float32),
    )(t, st, aux, w)


def _make_head_body(n_rows):
    def body(t_ref, st_ref, aux_ref, auxw_ref, wa_ref, wb_ref, o_ref):
        hn = _bn_cols(t_ref[...], st_ref, aux_ref, n_rows)
        l = jnp.maximum(
            jnp.dot(hn, wa_ref[...], preferred_element_type=jnp.float32)
            + aux_ref[2:3, :], 0.0)
        o_ref[...] = jnp.maximum(
            jnp.dot(l, wb_ref[...], preferred_element_type=jnp.float32)
            + auxw_ref[0:1, :], 0.0)
    return body


def _tc_bn_head(t, st, aux, auxw, wa, wb, n_valid):
    n, h = t.shape
    return pl.pallas_call(
        _make_head_body(float(n_valid)),
        grid=(n // BM,),
        in_specs=[
            pl.BlockSpec((BM, h), lambda i: (i, 0)),
            pl.BlockSpec((8, h), lambda i: (0, 0)),
            pl.BlockSpec((8, h), lambda i: (0, 0)),
            pl.BlockSpec((8, LW), lambda i: (0, 0)),
            pl.BlockSpec((h, h), lambda i: (0, 0)),
            pl.BlockSpec((h, LW), lambda i: (0, 0)),
        ],
        out_specs=pl.BlockSpec((BM, LW), lambda i: (i, 0)),
        out_shape=jax.ShapeDtypeStruct((n, LW), jnp.float32),
    )(t, st, aux, auxw, wa, wb)


def _pair_body(r_ref, auxa_ref, w1_ref, w2_ref, auxb_ref, o_ref):
    z = r_ref[:, 0, :] * r_ref[:, 1, :]
    f = jnp.maximum(
        jnp.dot(z, w1_ref[...], preferred_element_type=jnp.float32)
        + auxa_ref[0:1, :], 0.0)
    o_ref[...] = jnp.dot(f, w2_ref[...],
                         preferred_element_type=jnp.float32) + auxb_ref[0:1, :]


def _tc_pair_head(rows3, auxa, w1, w2, auxb):
    b = rows3.shape[0]
    h = w1.shape[1]
    out = w2.shape[1]
    bb = 2048
    return pl.pallas_call(
        _pair_body,
        grid=(b // bb,),
        in_specs=[
            pl.BlockSpec((bb, 2, LW), lambda i: (i, 0, 0)),
            pl.BlockSpec((8, h), lambda i: (0, 0)),
            pl.BlockSpec((LW, h), lambda i: (0, 0)),
            pl.BlockSpec((h, out), lambda i: (0, 0)),
            pl.BlockSpec((8, out), lambda i: (0, 0)),
        ],
        out_specs=pl.BlockSpec((bb, out), lambda i: (i, 0)),
        out_shape=jax.ShapeDtypeStruct((b, out), jnp.float32),
    )(rows3, auxa, w1, w2, auxb)


def _aux(h, *rows):
    out = jnp.zeros((8, h), jnp.float32)
    for i, r in enumerate(rows):
        out = out.at[i, :r.shape[0]].set(r)
    return out


def _pad_cols(w, width=LW):
    return jnp.pad(w, ((0, 0), (0, width - w.shape[1])))


def kernel(x, params, edge_index, ppi_list, idx):
    n, d = x.shape
    e = edge_index.shape[1]
    b = idx.shape[0]
    g0, g1 = params['gin']
    h = g0['W1'].shape[0]

    rpt = -(-(n + 1) // NS)
    rpt = -(-rpt // WB) * WB
    npad = rpt * NS
    xp = jnp.pad(x, ((0, npad - n), (0, 0)))

    nct = -(-e // (NW * CH))
    nct = -(-nct // 8) * 8
    epad = NW * CH * nct - e
    src3 = jnp.concatenate(
        [edge_index[0], jnp.full((epad,), n, edge_index.dtype)]
    ).astype(jnp.int32).reshape(NW, nct, CH)
    dst = jnp.concatenate(
        [edge_index[1], jnp.full((epad,), n, edge_index.dtype)]
    ).astype(jnp.int32)
    prt = -(-(npad // 2 + 1) // NS)
    prt = -(-prt // 8) * 8
    acc_rows = prt * NS
    trash = npad // 2
    half = dst // 2
    even = (dst % 2) == 0
    dste3 = jnp.where(even, half, trash).reshape(NW, nct, CH)
    dsto3 = jnp.where(even, trash, half).reshape(NW, nct, CH)

    ones = jnp.ones((h,), jnp.float32)

    def seg(tab):
        p = _seg_sum_partials(tab, src3, dste3, dsto3, acc_rows)
        return p[:, :npad // 2].reshape(NC, npad, h)

    hp1 = _tc_matmul(xp, _pad_cols(g0['W1'].T))
    parts1 = seg(hp1)
    t1, st1 = _tc_postagg(
        hp1, parts1,
        _aux(h, (1.0 + g0['eps']) * ones, g0['b1'], g0['b2']),
        g0['W2'].T, n)

    hp2 = _tc_bn_matmul(t1, st1, _aux(h, g0['gamma'], g0['beta']),
                        _pad_cols(g1['W1'].T), n)
    parts2 = seg(hp2)
    t2, st2 = _tc_postagg(
        hp2, parts2,
        _aux(h, (1.0 + g1['eps']) * ones, g1['b1'], g1['b2']),
        g1['W2'].T, n)

    hfin = _tc_bn_head(t2, st2,
                       _aux(h, g1['gamma'], g1['beta'], params['lin_b1']),
                       _aux(LW, params['lin_b2']),
                       params['lin_W1'].T, _pad_cols(params['lin_W2'].T), n)

    idx3 = idx.astype(jnp.int32).reshape(NW, -1, CH)
    ppi128 = jnp.pad(ppi_list.astype(jnp.int32), ((0, 0), (0, LW - 2)))
    prows = _gather_rows(ppi128, idx3)
    ids = prows[:, :2].reshape(-1)
    rows = _gather_rows(hfin, ids.reshape(NW, -1, CH))
    out = _tc_pair_head(rows.reshape(b, 2, LW),
                        _aux(h, params['fc_b1']),
                        jnp.pad(params['fc_W1'].T, ((0, LW - h), (0, 0))),
                        params['fc_W2'].T,
                        _aux(params['fc_W2'].shape[0], params['fc_b2']))
    return out

# --- scband reference (transcript-rebuilt; emitter-appended) ---
"""Pipeline reference for scband-ppi-model-8581344657806 (READ-ONLY COPY).

The authoritative reference and input builder live on the scoring server;
editing this copy changes nothing except your own understanding.
"""

import jax, jax.numpy as jnp
import numpy as np

N = 10000
E = 320000
D = 128
H = 64
OUT = 121
P = 50000
B = 16384


def _w(k, out_dim, in_dim):
    return jax.random.normal(k, (out_dim, in_dim), dtype=jnp.float32) * 0.05


def setup_inputs(seed: int = 0) -> dict:
    key = jax.random.key(seed)
    ks = jax.random.split(key, 16)
    x = jax.random.normal(ks[0], (N, D), dtype=jnp.float32)
    edge_index = jax.random.randint(ks[1], (2, E), 0, N)
    ppi_list = jax.random.randint(ks[2], (P, 2), 0, N)
    idx = jax.random.randint(ks[3], (B,), 0, P)
    gin = []
    in_dims = [D, H]
    for i in range(2):
        k1, k2 = jax.random.split(ks[4 + i], 2)
        gin.append({
            'eps': jnp.float32(0.0),
            'W1': _w(k1, H, in_dims[i]), 'b1': jnp.zeros((H,), jnp.float32),
            'W2': _w(k2, H, H), 'b2': jnp.zeros((H,), jnp.float32),
            'gamma': jnp.ones((H,), jnp.float32), 'beta': jnp.zeros((H,), jnp.float32),
        })
    params = {
        'gin': gin,
        'lin_W1': _w(ks[8], H, H), 'lin_b1': jnp.zeros((H,), jnp.float32),
        'lin_W2': _w(ks[9], H, H), 'lin_b2': jnp.zeros((H,), jnp.float32),
        'fc_W1': _w(ks[10], H, H), 'fc_b1': jnp.zeros((H,), jnp.float32),
        'fc_W2': _w(ks[11], OUT, H), 'fc_b2': jnp.zeros((OUT,), jnp.float32),
    }
    return {'x': x, 'params': params, 'edge_index': edge_index, 'ppi_list': ppi_list, 'idx': idx}


def _bn(h, gamma, beta):
    mean = jnp.mean(h, axis=0)
    var = jnp.mean((h - mean) ** 2, axis=0)
    return (h - mean) / jnp.sqrt(var + 1e-5) * gamma + beta


def _forward(x, params, src, dst, pair_ids):
    h = x
    for lp in params['gin']:
        agg = jax.ops.segment_sum(h[src], dst, num_segments=N)
        h = (1.0 + lp['eps']) * h + agg
        h = jnp.maximum(h @ lp['W1'].T + lp['b1'], 0.0)
        h = jnp.maximum(h @ lp['W2'].T + lp['b2'], 0.0)
        h = _bn(h, lp['gamma'], lp['beta'])
        # dropout: identity (eval / deterministic)
    h = jnp.maximum(h @ params['lin_W1'].T + params['lin_b1'], 0.0)
    h = h @ params['lin_W2'].T + params['lin_b2']
    h = jnp.maximum(h, 0.0)  # F.relu(self.linear(x))
    x1 = h[pair_ids[:, 0]]
    x2 = h[pair_ids[:, 1]]
    z = x1 * x2
    z = jnp.maximum(z @ params['fc_W1'].T + params['fc_b1'], 0.0)
    z = z @ params['fc_W2'].T + params['fc_b2']
    return z


def reference(x, params, edge_index, ppi_list, idx):
    src = edge_index[0]
    dst = edge_index[1]
    pair_ids = ppi_list[idx]
    return _forward(x, params, src, dst, pair_ids)

if __name__ == "__main__":
    import jax
    _d = setup_inputs()
    print(jax.jit(kernel)(*tuple(_d.values())))

</pallas_src>

<mosaic_0001>
#map = affine_map<(d0, d1) -> (0, 0)>
#map1 = affine_map<(d0, d1) -> (0, 0, 0)>
module attributes {stable_mosaic.version = 14 : i64} {
  func.func @k(%arg0: i32, %arg1: i32, %arg2: memref<10240x128xf32, #tpu.memory_space<hbm>>, %arg3: memref<32x8x128xi32, #tpu.memory_space<hbm>>, %arg4: memref<32768x128xf32, #tpu.memory_space<hbm>>, %arg5: memref<128xi32, #tpu.memory_space<vmem>>, %arg6: memref<128x128xf32, #tpu.memory_space<vmem>>, %arg7: memref<!tpu.dma_semaphore, #tpu.memory_space<semaphore_mem>>) attributes {dimension_semantics = [#tpu.dimension_semantics<core_parallel>, #tpu.dimension_semantics<subcore_parallel>], iteration_bounds = array<i64: 2, 16>, scalar_prefetch = 0 : i64, scratch_operands = 3 : i64, tpu.core_type = #tpu.core_type<sc_vector_subcore>, window_params = [{transform_indices = #map}, {transform_indices = #map1}, {transform_indices = #map}]} {
    %mul3A = arith.constant 16 : i32
    %mul3A_0 = arith.muli %arg0, %mul3A : i32
    %add3A = arith.addi %mul3A_0, %arg1 : i32
    %mul3A_1 = arith.constant 8 : i32
    %mul3A_2 = arith.muli %add3A, %mul3A_1 : i32
    %mul3A_3 = arith.constant 128 : i32
    %mul3A_4 = arith.muli %mul3A_2, %mul3A_3 : i32
    %scan3A = arith.constant 0 : i32
    %scan3A_5 = arith.constant 0 : i32
    %scan3A_6 = arith.constant 8 : i32
    %scan3A_7 = arith.addi %scan3A_5, %scan3A_6 : i32
    %scan3A_8 = arith.constant 1 : i32
    scf.for %scan3A_10 = %scan3A_5 to %scan3A_7 step %scan3A_8  : i32 {
      "tpu.region"() ({
        %run_scoped3A = tpu.sem_alloc : memref<!tpu.dma_semaphore, #tpu.memory_space<semaphore_mem>>
        %dma_start3A_18 = arith.constant 0 : i32
        %dma_start3A_19 = tpu.memref_slice %arg3[%add3A, %scan3A_10, %dma_start3A_18] : memref<32x8x128xi32, #tpu.memory_space<hbm>> -> memref<1x1x128xi32, #tpu.memory_space<hbm>>
        %dma_start3A_20 = tpu.memref_squeeze %dma_start3A_19 : memref<1x1x128xi32, #tpu.memory_space<hbm>> -> memref<128xi32, #tpu.memory_space<hbm>>
        %dma_start3A_21 = arith.constant 0 : i32
        %dma_start3A_22 = tpu.memref_slice %arg3[%add3A, %scan3A_10, %dma_start3A_21] : memref<32x8x128xi32, #tpu.memory_space<hbm>> -> memref<1x1x128xi32, #tpu.memory_space<hbm>>
        %dma_start3A_23 = tpu.memref_squeeze %dma_start3A_22 : memref<1x1x128xi32, #tpu.memory_space<hbm>> -> memref<128xi32, #tpu.memory_space<hbm>>
        tpu.enqueue_dma source(%dma_start3A_23 : memref<128xi32, #tpu.memory_space<hbm>>) target(%arg5 : memref<128xi32, #tpu.memory_space<vmem>>) target_semaphore(%run_scoped3A : memref<!tpu.dma_semaphore, #tpu.memory_space<semaphore_mem>>)
        %dma_wait3A_24 = arith.constant 0 : i32
        %dma_wait3A_25 = tpu.memref_slice %arg3[%add3A, %scan3A_10, %dma_wait3A_24] : memref<32x8x128xi32, #tpu.memory_space<hbm>> -> memref<1x1x128xi32, #tpu.memory_space<hbm>>
        %dma_wait3A_26 = tpu.memref_squeeze %dma_wait3A_25 : memref<1x1x128xi32, #tpu.memory_space<hbm>> -> memref<128xi32, #tpu.memory_space<hbm>>
        %dma_wait3A_27 = arith.constant 0 : i32
        %dma_wait3A_28 = tpu.memref_slice %arg3[%add3A, %scan3A_10, %dma_wait3A_27] : memref<32x8x128xi32, #tpu.memory_space<hbm>> -> memref<1x1x128xi32, #tpu.memory_space<hbm>>
        %dma_wait3A_29 = tpu.memref_squeeze %dma_wait3A_28 : memref<1x1x128xi32, #tpu.memory_space<hbm>> -> memref<128xi32, #tpu.memory_space<hbm>>
        tpu.wait_dma2 semaphore(%run_scoped3A : memref<!tpu.dma_semaphore, #tpu.memory_space<semaphore_mem>>) src(%dma_wait3A_29 : memref<128xi32, #tpu.memory_space<hbm>>) dst(%arg5 : memref<128xi32, #tpu.memory_space<vmem>>)
        tpu.yield
      }) : () -> ()
      %dma_start3A = arith.constant 0 : i32
      %dma_start3A_11 = arith.constant 0 : i32
      %dma_start3A_12 = tpu.memref_slice %arg2[%dma_start3A, %dma_start3A_11] : memref<10240x128xf32, #tpu.memory_space<hbm>> -> memref<10240x128xf32, #tpu.memory_space<hbm>>
      tpu.enqueue_indirect_dma source(%dma_start3A_12 : memref<10240x128xf32, #tpu.memory_space<hbm>>) target(%arg6 : memref<128x128xf32, #tpu.memory_space<vmem>>) offsets(%arg5 : memref<128xi32, #tpu.memory_space<vmem>>) semaphore(%arg7 : memref<!tpu.dma_semaphore, #tpu.memory_space<semaphore_mem>>)
      %dma_wait3A = arith.constant 0 : i32
      %dma_wait3A_13 = arith.constant 0 : i32
      %dma_wait3A_14 = tpu.memref_slice %arg2[%dma_wait3A, %dma_wait3A_13] : memref<10240x128xf32, #tpu.memory_space<hbm>> -> memref<10240x128xf32, #tpu.memory_space<hbm>>
      tpu.wait_indirect_dma semaphore(%arg7 : memref<!tpu.dma_semaphore, #tpu.memory_space<semaphore_mem>>) src(%dma_wait3A_14 : memref<10240x128xf32, #tpu.memory_space<hbm>>) dst(%arg6 : memref<128x128xf32, #tpu.memory_space<vmem>>)
      %mul3A_15 = arith.constant 128 : i32
      %mul3A_16 = arith.muli %scan3A_10, %mul3A_15 : i32
      %add3A_17 = arith.addi %mul3A_4, %mul3A_16 : i32
      "tpu.region"() ({
        %run_scoped3A = tpu.sem_alloc : memref<!tpu.dma_semaphore, #tpu.memory_space<semaphore_mem>>
        %dma_start3A_18 = arith.constant 0 : i32
        %dma_start3A_19 = tpu.memref_slice %arg4[%add3A_17, %dma_start3A_18] : memref<32768x128xf32, #tpu.memory_space<hbm>> -> memref<128x128xf32, #tpu.memory_space<hbm>>
        %dma_start3A_20 = arith.constant 0 : i32
        %dma_start3A_21 = tpu.memref_slice %arg4[%add3A_17, %dma_start3A_20] : memref<32768x128xf32, #tpu.memory_space<hbm>> -> memref<128x128xf32, #tpu.memory_space<hbm>>
        tpu.enqueue_dma source(%arg6 : memref<128x128xf32, #tpu.memory_space<vmem>>) target(%dma_start3A_21 : memref<128x128xf32, #tpu.memory_space<hbm>>) target_semaphore(%run_scoped3A : memref<!tpu.dma_semaphore, #tpu.memory_space<semaphore_mem>>)
        %dma_wait3A_22 = arith.constant 0 : i32
        %dma_wait3A_23 = tpu.memref_slice %arg4[%add3A_17, %dma_wait3A_22] : memref<32768x128xf32, #tpu.memory_space<hbm>> -> memref<128x128xf32, #tpu.memory_space<hbm>>
        %dma_wait3A_24 = arith.constant 0 : i32
        %dma_wait3A_25 = tpu.memref_slice %arg4[%add3A_17, %dma_wait3A_24] : memref<32768x128xf32, #tpu.memory_space<hbm>> -> memref<128x128xf32, #tpu.memory_space<hbm>>
        tpu.wait_dma2 semaphore(%run_scoped3A : memref<!tpu.dma_semaphore, #tpu.memory_space<semaphore_mem>>) src(%arg6 : memref<128x128xf32, #tpu.memory_space<vmem>>) dst(%dma_wait3A_25 : memref<128x128xf32, #tpu.memory_space<hbm>>)
        tpu.yield
      }) : () -> ()
    }
    %scan3A_9 = arith.constant 8 : i32
    return
  }
}

#map = affine_map<(d0, d1) -> (0, 0)>
#map1 = affine_map<(d0, d1) -> (0, 0, 0)>
module attributes {stable_mosaic.version = 14 : i64} {
  func.func @k(%arg0: i32, %arg1: i32, %arg2: memref<10240x128xf32, #tpu.memory_space<hbm>>, %arg3: memref<32x80x128xi32, #tpu.memory_space<hbm>>, %arg4: memref<32x80x128xi32, #tpu.memory_space<hbm>>, %arg5: memref<32x80x128xi32, #tpu.memory_space<hbm>>, %arg6: memref<2x5248x128xf32, #tpu.memory_space<hbm>>, %arg7: memref<128xi32, #tpu.memory_space<vmem>>, %arg8: memref<128xi32, #tpu.memory_space<vmem>>, %arg9: memref<128xi32, #tpu.memory_space<vmem>>, %arg10: memref<128x128xf32, #tpu.memory_space<vmem>>, %arg11: memref<128x128xf32, #tpu.memory_space<vmem>>, %arg12: memref<128x128xf32, #tpu.memory_space<vmem>>, %arg13: memref<8x128xf32, #tpu.memory_space<vmem>>, %arg14: memref<5248x128xf32, #tpu.memory_space<vmem_shared>>, %arg15: memref<!tpu.dma_semaphore, #tpu.memory_space<semaphore_mem>>) attributes {dimension_semantics = [#tpu.dimension_semantics<core_parallel>, #tpu.dimension_semantics<subcore_parallel>], iteration_bounds = array<i64: 2, 16>, scalar_prefetch = 0 : i64, scratch_operands = 9 : i64, tpu.core_type = #tpu.core_type<sc_vector_subcore>, window_params = [{transform_indices = #map}, {transform_indices = #map1}, {transform_indices = #map1}, {transform_indices = #map1}, {transform_indices = #map1}]} {
    %mul3A = arith.constant 16 : i32
    %mul3A_0 = arith.muli %arg0, %mul3A : i32
    %add3A = arith.addi %mul3A_0, %arg1 : i32
    %broadcast_in_dim3A = arith.constant 0.000000e+00 : f32
    %broadcast_in_dim3A_1 = vector.broadcast %broadcast_in_dim3A : f32 to vector<16xf32>
    %scan3A = arith.constant 0 : i32
    %scan3A_2 = arith.constant 0 : i32
    %scan3A_3 = arith.constant 128 : i32
    %scan3A_4 = arith.addi %scan3A_2, %scan3A_3 : i32
    %scan3A_5 = arith.constant 1 : i32
    scf.for %scan3A_407 = %scan3A_2 to %scan3A_4 step %scan3A_5  : i32 {
      %swap3A_408 = arith.index_cast %scan3A_407 : i32 to index
      %swap3A_409 = arith.constant 0 : index
      %swap3A_410 = tpu.vector_load %arg11[%swap3A_408, %swap3A_409] {strides = array<i32>} : memref<128x128xf32, #tpu.memory_space<vmem>>, vector<1x16xf32>,
      %swap3A_411 = vector.shape_cast %swap3A_410 : vector<1x16xf32> to vector<16xf32>
      %swap3A_412 = vector.shape_cast %broadcast_in_dim3A_1 : vector<16xf32> to vector<1x16xf32>
      tpu.vector_store %arg11[%swap3A_408, %swap3A_409], %swap3A_412 {strides = array<i32>} : memref<128x128xf32, #tpu.memory_space<vmem>>, vector<1x16xf32>,
      %swap3A_413 = arith.index_cast %scan3A_407 : i32 to index
      %swap3A_414 = arith.constant 0 : index
      %swap3A_415 = tpu.vector_load %arg12[%swap3A_413, %swap3A_414] {strides = array<i32>} : memref<128x128xf32, #tpu.memory_space<vmem>>, vector<1x16xf32>,
      %swap3A_416 = vector.shape_cast %swap3A_415 : vector<1x16xf32> to vector<16xf32>
      %swap3A_417 = vector.shape_cast %broadcast_in_dim3A_1 : vector<16xf32> to vector<1x16xf32>
      tpu.vector_store %arg12[%swap3A_413, %swap3A_414], %swap3A_417 {strides = array<i32>} : memref<128x128xf32, #tpu.memory_space<vmem>>, vector<1x16xf32>,
      %swap3A_418 = arith.index_cast %scan3A_407 : i32 to index
      %swap3A_419 = arith.constant 16 : index
      %swap3A_420 = tpu.vector_load %arg11[%swap3A_418, %swap3A_419] {strides = array<i32>} : memref<128x128xf32, #tpu.memory_space<vmem>>, vector<1x16xf32>,
      %swap3A_421 = vector.shape_cast %swap3A_420 : vector<1x16xf32> to vector<16xf32>
      %swap3A_422 = vector.shape_cast %broadcast_in_dim3A_1 : vector<16xf32> to vector<1x16xf32>
      tpu.vector_store %arg11[%swap3A_418, %swap3A_419], %swap3A_422 {strides = array<i32>} : memref<128x128xf32, #tpu.memory_space<vmem>>, vector<1x16xf32>,
      %swap3A_423 = arith.index_cast %scan3A_407 : i32 to index
      %swap3A_424 = arith.constant 16 : index
      %swap3A_425 = tpu.vector_load %arg12[%swap3A_423, %swap3A_424] {strides = array<i32>} : memref<128x128xf32, #tpu.memory_space<vmem>>, vector<1x16xf32>,
      %swap3A_426 = vector.shape_cast %swap3A_425 : vector<1x16xf32> to vector<16xf32>
      %swap3A_427 = vector.shape_cast %broadcast_in_dim3A_1 : vector<16xf32> to vector<1x16xf32>
      tpu.vector_store %arg12[%swap3A_423, %swap3A_424], %swap3A_427 {strides = array<i32>} : memref<128x128xf32, #tpu.memory_space<vmem>>, vector<1x16xf32>,
      %swap3A_428 = arith.index_cast %scan3A_407 : i32 to index
      %swap3A_429 = arith.constant 32 : index
      %swap3A_430 = tpu.vector_load %arg11[%swap3A_428, %swap3A_429] {strides = array<i32>} : memref<128x128xf32, #tpu.memory_space<vmem>>, vector<1x16xf32>,
      %swap3A_431 = vector.shape_cast %swap3A_430 : vector<1x16xf32> to vector<16xf32>
      %swap3A_432 = vector.shape_cast %broadcast_in_dim3A_1 : vector<16xf32> to vector<1x16xf32>
      tpu.vector_store %arg11[%swap3A_428, %swap3A_429], %swap3A_432 {strides = array<i32>} : memref<128x128xf32, #tpu.memory_space<vmem>>, vector<1x16xf32>,
      %swap3A_433 = arith.index_cast %scan3A_407 : i32 to index
      %swap3A_434 = arith.constant 32 : index
      %swap3A_435 = tpu.vector_load %arg12[%swap3A_433, %swap3A_434] {strides = array<i32>} : memref<128x128xf32, #tpu.memory_space<vmem>>, vector<1x16xf32>,
      %swap3A_436 = vector.shape_cast %swap3A_435 : vector<1x16xf32> to vector<16xf32>
      %swap3A_437 = vector.shape_cast %broadcast_in_dim3A_1 : vector<16xf32> to vector<1x16xf32>
      tpu.vector_store %arg12[%swap3A_433, %swap3A_434], %swap3A_437 {strides = array<i32>} : memref<128x128xf32, #tpu.memory_space<vmem>>, vector<1x16xf32>,
      %swap3A_438 = arith.index_cast %scan3A_407 : i32 to index
      %swap3A_439 = arith.constant 48 : index
      %swap3A_440 = tpu.vector_load %arg11[%swap3A_438, %swap3A_439] {strides = array<i32>} : memref<128x128xf32, #tpu.memory_space<vmem>>, vector<1x16xf32>,
      %swap3A_441 = vector.shape_cast %swap3A_440 : vector<1x16xf32> to vector<16xf32>
      %swap3A_442 = vector.shape_cast %broadcast_in_dim3A_1 : vector<16xf32> to vector<1x16xf32>
      tpu.vector_store %arg11[%swap3A_438, %swap3A_439], %swap3A_442 {strides = array<i32>} : memref<128x128xf32, #tpu.memory_space<vmem>>, vector<1x16xf32>,
      %swap3A_443 = arith.index_cast %scan3A_407 : i32 to index
      %swap3A_444 = arith.constant 48 : index
      %swap3A_445 = tpu.vector_load %arg12[%swap3A_443, %swap3A_444] {strides = array<i32>} : memref<128x128xf32, #tpu.memory_space<vmem>>, vector<1x16xf32>,
      %swap3A_446 = vector.shape_cast %swap3A_445 : vector<1x16xf32> to vector<16xf32>
      %swap3A_447 = vector.shape_cast %broadcast_in_dim3A_1 : vector<16xf32> to vector<1x16xf32>
      tpu.vector_store %arg12[%swap3A_443, %swap3A_444], %swap3A_447 {strides = array<i32>} : memref<128x128xf32, #tpu.memory_space<vmem>>, vector<1x16xf32>,
      %swap3A_448 = arith.index_cast %scan3A_407 : i32 to index
      %swap3A_449 = arith.constant 64 : index
      %swap3A_450 = tpu.vector_load %arg11[%swap3A_448, %swap3A_449] {strides = array<i32>} : memref<128x128xf32, #tpu.memory_space<vmem>>, vector<1x16xf32>,
      %swap3A_451 = vector.shape_cast %swap3A_450 : vector<1x16xf32> to vector<16xf32>
      %swap3A_452 = vector.shape_cast %broadcast_in_dim3A_1 : vector<16xf32> to vector<1x16xf32>
      tpu.vector_store %arg11[%swap3A_448, %swap3A_449], %swap3A_452 {strides = array<i32>} : memref<128x128xf32, #tpu.memory_space<vmem>>, vector<1x16xf32>,
      %swap3A_453 = arith.index_cast %scan3A_407 : i32 to index
      %swap3A_454 = arith.constant 64 : index
      %swap3A_455 = tpu.vector_load %arg12[%swap3A_453, %swap3A_454] {strides = array<i32>} : memref<128x128xf32, #tpu.memory_space<vmem>>, vector<1x16xf32>,
      %swap3A_456 = vector.shape_cast %swap3A_455 : vector<1x16xf32> to vector<16xf32>
      %swap3A_457 = vector.shape_cast %broadcast_in_dim3A_1 : vector<16xf32> to vector<1x16xf32>
      tpu.vector_store %arg12[%swap3A_453, %swap3A_454], %swap3A_457 {strides = array<i32>} : memref<128x128xf32, #tpu.memory_space<vmem>>, vector<1x16xf32>,
      %swap3A_458 = arith.index_cast %scan3A_407 : i32 to index
      %swap3A_459 = arith.constant 80 : index
      %swap3A_460 = tpu.vector_load %arg11[%swap3A_458, %swap3A_459] {strides = array<i32>} : memref<128x128xf32, #tpu.memory_space<vmem>>, vector<1x16xf32>,
      %swap3A_461 = vector.shape_cast %swap3A_460 : vector<1x16xf32> to vector<16xf32>
      %swap3A_462 = vector.shape_cast %broadcast_in_dim3A_1 : vector<16xf32> to vector<1x16xf32>
      tpu.vector_store %arg11[%swap3A_458, %swap3A_459], %swap3A_462 {strides = array<i32>} : memref<128x128xf32, #tpu.memory_space<vmem>>, vector<1x16xf32>,
      %swap3A_463 = arith.index_cast %scan3A_407 : i32 to index
      %swap3A_464 = arith.constant 80 : index
      %swap3A_465 = tpu.vector_load %arg12[%swap3A_463, %swap3A_464] {strides = array<i32>} : memref<128x128xf32, #tpu.memory_space<vmem>>, vector<1x16xf32>,
      %swap3A_466 = vector.shape_cast %swap3A_465 : vector<1x16xf32> to vector<16xf32>
      %swap3A_467 = vector.shape_cast %broadcast_in_dim3A_1 : vector<16xf32> to vector<1x16xf32>
      tpu.vector_store %arg12[%swap3A_463, %swap3A_464], %swap3A_467 {strides = array<i32>} : memref<128x128xf32, #tpu.memory_space<vmem>>, vector<1x16xf32>,
      %swap3A_468 = arith.index_cast %scan3A_407 : i32 to index
      %swap3A_469 = arith.constant 96 : index
      %swap3A_470 = tpu.vector_load %arg11[%swap3A_468, %swap3A_469] {strides = array<i32>} : memref<128x128xf32, #tpu.memory_space<vmem>>, vector<1x16xf32>,
      %swap3A_471 = vector.shape_cast %swap3A_470 : vector<1x16xf32> to vector<16xf32>
      %swap3A_472 = vector.shape_cast %broadcast_in_dim3A_1 : vector<16xf32> to vector<1x16xf32>
      tpu.vector_store %arg11[%swap3A_468, %swap3A_469], %swap3A_472 {strides = array<i32>} : memref<128x128xf32, #tpu.memory_space<vmem>>, vector<1x16xf32>,
      %swap3A_473 = arith.index_cast %scan3A_407 : i32 to index
      %swap3A_474 = arith.constant 96 : index
      %swap3A_475 = tpu.vector_load %arg12[%swap3A_473, %swap3A_474] {strides = array<i32>} : memref<128x128xf32, #tpu.memory_space<vmem>>, vector<1x16xf32>,
      %swap3A_476 = vector.shape_cast %swap3A_475 : vector<1x16xf32> to vector<16xf32>
      %swap3A_477 = vector.shape_cast %broadcast_in_dim3A_1 : vector<16xf32> to vector<1x16xf32>
      tpu.vector_store %arg12[%swap3A_473, %swap3A_474], %swap3A_477 {strides = array<i32>} : memref<128x128xf32, #tpu.memory_space<vmem>>, vector<1x16xf32>,
      %swap3A_478 = arith.index_cast %scan3A_407 : i32 to index
      %swap3A_479 = arith.constant 112 : index
      %swap3A_480 = tpu.vector_load %arg11[%swap3A_478, %swap3A_479] {strides = array<i32>} : memref<128x128xf32, #tpu.memory_space<vmem>>, vector<1x16xf32>,
      %swap3A_481 = vector.shape_cast %swap3A_480 : vector<1x16xf32> to vector<16xf32>
      %swap3A_482 = vector.shape_cast %broadcast_in_dim3A_1 : vector<16xf32> to vector<1x16xf32>
      tpu.vector_store %arg11[%swap3A_478, %swap3A_479], %swap3A_482 {strides = array<i32>} : memref<128x128xf32, #tpu.memory_space<vmem>>, vector<1x16xf32>,
      %swap3A_483 = arith.index_cast %scan3A_407 : i32 to index
      %swap3A_484 = arith.constant 112 : index
      %swap3A_485 = tpu.vector_load %arg12[%swap3A_483, %swap3A_484] {strides = array<i32>} : memref<128x128xf32, #tpu.memory_space<vmem>>, vector<1x16xf32>,
      %swap3A_486 = vector.shape_cast %swap3A_485 : vector<1x16xf32> to vector<16xf32>
      %swap3A_487 = vector.shape_cast %broadcast_in_dim3A_1 : vector<16xf32> to vector<1x16xf32>
      tpu.vector_store %arg12[%swap3A_483, %swap3A_484], %swap3A_487 {strides = array<i32>} : memref<128x128xf32, #tpu.memory_space<vmem>>, vector<1x16xf32>,
    }
    %scan3A_6 = arith.constant 128 : i32
    %swap3A = arith.constant 0 : i32
    %swap3A_7 = arith.index_cast %swap3A : i32 to index
    %swap3A_8 = arith.constant 0 : index
    %swap3A_9 = tpu.vector_load %arg13[%swap3A_7, %swap3A_8] {strides = array<i32>} : memref<8x128xf32, #tpu.memory_space<vmem>>, vector<1x16xf32>,
    %swap3A_10 = vector.shape_cast %swap3A_9 : vector<1x16xf32> to vector<16xf32>
    %swap3A_11 = vector.shape_cast %broadcast_in_dim3A_1 : vector<16xf32> to vector<1x16xf32>
    tpu.vector_store %arg13[%swap3A_7, %swap3A_8], %swap3A_11 {strides = array<i32>} : memref<8x128xf32, #tpu.memory_space<vmem>>, vector<1x16xf32>,
    %swap3A_12 = arith.constant 0 : i32
    %swap3A_13 = arith.index_cast %swap3A_12 : i32 to index
    %swap3A_14 = arith.constant 16 : index
    %swap3A_15 = tpu.vector_load %arg13[%swap3A_13, %swap3A_14] {strides = array<i32>} : memref<8x128xf32, #tpu.memory_space<vmem>>, vector<1x16xf32>,
    %swap3A_16 = vector.shape_cast %swap3A_15 : vector<1x16xf32> to vector<16xf32>
    %swap3A_17 = vector.shape_cast %broadcast_in_dim3A_1 : vector<16xf32> to vector<1x16xf32>
    tpu.vector_store %arg13[%swap3A_13, %swap3A_14], %swap3A_17 {strides = array<i32>} : memref<8x128xf32, #tpu.memory_space<vmem>>, vector<1x16xf32>,
    %swap3A_18 = arith.constant 0 : i32
    %swap3A_19 = arith.index_cast %swap3A_18 : i32 to index
    %swap3A_20 = arith.constant 32 : index
    %swap3A_21 = tpu.vector_load %arg13[%swap3A_19, %swap3A_20] {strides = array<i32>} : memref<8x128xf32, #tpu.memory_space<vmem>>, vector<1x16xf32>,
    %swap3A_22 = vector.shape_cast %swap3A_21 : vector<1x16xf32> to vector<16xf32>
    %swap3A_23 = vector.shape_cast %broadcast_in_dim3A_1 : vector<16xf32> to vector<1x16xf32>
    tpu.vector_store %arg13[%swap3A_19, %swap3A_20], %swap3A_23 {strides = array<i32>} : memref<8x128xf32, #tpu.memory_space<vmem>>, vector<1x16xf32>,
    %swap3A_24 = arith.constant 0 : i32
    %swap3A_25 = arith.index_cast %swap3A_24 : i32 to index
    %swap3A_26 = arith.constant 48 : index
    %swap3A_27 = tpu.vector_load %arg13[%swap3A_25, %swap3A_26] {strides = array<i32>} : memref<8x128xf32, #tpu.memory_space<vmem>>, vector<1x16xf32>,
    %swap3A_28 = vector.shape_cast %swap3A_27 : vector<1x16xf32> to vector<16xf32>
    %swap3A_29 = vector.shape_cast %broadcast_in_dim3A_1 : vector<16xf32> to vector<1x16xf32>
    tpu.vector_store %arg13[%swap3A_25, %swap3A_26], %swap3A_29 {strides = array<i32>} : memref<8x128xf32, #tpu.memory_space<vmem>>, vector<1x16xf32>,
    %swap3A_30 = arith.constant 0 : i32
    %swap3A_31 = arith.index_cast %swap3A_30 : i32 to index
    %swap3A_32 = arith.constant 64 : index
    %swap3A_33 = tpu.vector_load %arg13[%swap3A_31, %swap3A_32] {strides = array<i32>} : memref<8x128xf32, #tpu.memory_space<vmem>>, vector<1x16xf32>,
    %swap3A_34 = vector.shape_cast %swap3A_33 : vector<1x16xf32> to vector<16xf32>
    %swap3A_35 = vector.shape_cast %broadcast_in_dim3A_1 : vector<16xf32> to vector<1x16xf32>
    tpu.vector_store %arg13[%swap3A_31, %swap3A_32], %swap3A_35 {strides = array<i32>} : memref<8x128xf32, #tpu.memory_space<vmem>>, vector<1x16xf32>,
    %swap3A_36 = arith.constant 0 : i32
    %swap3A_37 = arith.index_cast %swap3A_36 : i32 to index
    %swap3A_38 = arith.constant 80 : index
    %swap3A_39 = tpu.vector_load %arg13[%swap3A_37, %swap3A_38] {strides = array<i32>} : memref<8x128xf32, #tpu.memory_space<vmem>>, vector<1x16xf32>,
    %swap3A_40 = vector.shape_cast %swap3A_39 : vector<1x16xf32> to vector<16xf32>
    %swap3A_41 = vector.shape_cast %broadcast_in_dim3A_1 : vector<16xf32> to vector<1x16xf32>
    tpu.vector_store %arg13[%swap3A_37, %swap3A_38], %swap3A_41 {strides = array<i32>} : memref<8x128xf32, #tpu.memory_space<vmem>>, vector<1x16xf32>,
    %swap3A_42 = arith.constant 0 : i32
    %swap3A_43 = arith.index_cast %swap3A_42 : i32 to index
    %swap3A_44 = arith.constant 96 : index
    %swap3A_45 = tpu.vector_load %arg13[%swap3A_43, %swap3A_44] {strides = array<i32>} : memref<8x128xf32, #tpu.memory_space<vmem>>, vector<1x16xf32>,
    %swap3A_46 = vector.shape_cast %swap3A_45 : vector<1x16xf32> to vector<16xf32>
    %swap3A_47 = vector.shape_cast %broadcast_in_dim3A_1 : vector<16xf32> to vector<1x16xf32>
    tpu.vector_store %arg13[%swap3A_43, %swap3A_44], %swap3A_47 {strides = array<i32>} : memref<8x128xf32, #tpu.memory_space<vmem>>, vector<1x16xf32>,
    %swap3A_48 = arith.constant 0 : i32
    %swap3A_49 = arith.index_cast %swap3A_48 : i32 to index
    %swap3A_50 = arith.constant 112 : index
    %swap3A_51 = tpu.vector_load %arg13[%swap3A_49, %swap3A_50] {strides = array<i32>} : memref<8x128xf32, #tpu.memory_space<vmem>>, vector<1x16xf32>,
    %swap3A_52 = vector.shape_cast %swap3A_51 : vector<1x16xf32> to vector<16xf32>
    %swap3A_53 = vector.shape_cast %broadcast_in_dim3A_1 : vector<16xf32> to vector<1x16xf32>
    tpu.vector_store %arg13[%swap3A_49, %swap3A_50], %swap3A_53 {strides = array<i32>} : memref<8x128xf32, #tpu.memory_space<vmem>>, vector<1x16xf32>,
    %swap3A_54 = arith.constant 1 : i32
    %swap3A_55 = arith.index_cast %swap3A_54 : i32 to index
    %swap3A_56 = arith.constant 0 : index
    %swap3A_57 = tpu.vector_load %arg13[%swap3A_55, %swap3A_56] {strides = array<i32>} : memref<8x128xf32, #tpu.memory_space<vmem>>, vector<1x16xf32>,
    %swap3A_58 = vector.shape_cast %swap3A_57 : vector<1x16xf32> to vector<16xf32>
    %swap3A_59 = vector.shape_cast %broadcast_in_dim3A_1 : vector<16xf32> to vector<1x16xf32>
    tpu.vector_store %arg13[%swap3A_55, %swap3A_56], %swap3A_59 {strides = array<i32>} : memref<8x128xf32, #tpu.memory_space<vmem>>, vector<1x16xf32>,
    %swap3A_60 = arith.constant 1 : i32
    %swap3A_61 = arith.index_cast %swap3A_60 : i32 to index
    %swap3A_62 = arith.constant 16 : index
    %swap3A_63 = tpu.vector_load %arg13[%swap3A_61, %swap3A_62] {strides = array<i32>} : memref<8x128xf32, #tpu.memory_space<vmem>>, vector<1x16xf32>,
    %swap3A_64 = vector.shape_cast %swap3A_63 : vector<1x16xf32> to vector<16xf32>
    %swap3A_65 = vector.shape_cast %broadcast_in_dim3A_1 : vector<16xf32> to vector<1x16xf32>
    tpu.vector_store %arg13[%swap3A_61, %swap3A_62], %swap3A_65 {strides = array<i32>} : memref<8x128xf32, #tpu.memory_space<vmem>>, vector<1x16xf32>,
    %swap3A_66 = arith.constant 1 : i32
    %swap3A_67 = arith.index_cast %swap3A_66 : i32 to index
    %swap3A_68 = arith.constant 32 : index
    %swap3A_69 = tpu.vector_load %arg13[%swap3A_67, %swap3A_68] {strides = array<i32>} : memref<8x128xf32, #tpu.memory_space<vmem>>, vector<1x16xf32>,
    %swap3A_70 = vector.shape_cast %swap3A_69 : vector<1x16xf32> to vector<16xf32>
    %swap3A_71 = vector.shape_cast %broadcast_in_dim3A_1 : vector<16xf32> to vector<1x16xf32>
    tpu.vector_store %arg13[%swap3A_67, %swap3A_68], %swap3A_71 {strides = array<i32>} : memref<8x128xf32, #tpu.memory_space<vmem>>, vector<1x16xf32>,
    %swap3A_72 = arith.constant 1 : i32
    %swap3A_73 = arith.index_cast %swap3A_72 : i32 to index
    %swap3A_74 = arith.constant 48 : index
    %swap3A_75 = tpu.vector_load %arg13[%swap3A_73, %swap3A_74] {strides = array<i32>} : memref<8x128xf32, #tpu.memory_space<vmem>>, vector<1x16xf32>,
    %swap3A_76 = vector.shape_cast %swap3A_75 : vector<1x16xf32> to vector<16xf32>
    %swap3A_77 = vector.shape_cast %broadcast_in_dim3A_1 : vector<16xf32> to vector<1x16xf32>
    tpu.vector_store %arg13[%swap3A_73, %swap3A_74], %swap3A_77 {strides = array<i32>} : memref<8x128xf32, #tpu.memory_space<vmem>>, vector<1x16xf32>,
    %swap3A_78 = arith.constant 1 : i32
    %swap3A_79 = arith.index_cast %swap3A_78 : i32 to index
    %swap3A_80 = arith.constant 64 : index
    %swap3A_81 = tpu.vector_load %arg13[%swap3A_79, %swap3A_80] {strides = array<i32>} : memref<8x128xf32, #tpu.memory_space<vmem>>, vector<1x16xf32>,
    %swap3A_82 = vector.shape_cast %swap3A_81 : vector<1x16xf32> to vector<16xf32>
    %swap3A_83 = vector.shape_cast %broadcast_in_dim3A_1 : vector<16xf32> to vector<1x16xf32>
    tpu.vector_store %arg13[%swap3A_79, %swap3A_80], %swap3A_83 {strides = array<i32>} : memref<8x128xf32, #tpu.memory_space<vmem>>, vector<1x16xf32>,
    %swap3A_84 = arith.constant 1 : i32
    %swap3A_85 = arith.index_cast %swap3A_84 : i32 to index
    %swap3A_86 = arith.constant 80 : index
    %swap3A_87 = tpu.vector_load %arg13[%swap3A_85, %swap3A_86] {strides = array<i32>} : memref<8x128xf32, #tpu.memory_space<vmem>>, vector<1x16xf32>,
    %swap3A_88 = vector.shape_cast %swap3A_87 : vector<1x16xf32> to vector<16xf32>
    %swap3A_89 = vector.shape_cast %broadcast_in_dim3A_1 : vector<16xf32> to vector<1x16xf32>
    tpu.vector_store %arg13[%swap3A_85, %swap3A_86], %swap3A_89 {strides = array<i32>} : memref<8x128xf32, #tpu.memory_space<vmem>>, vector<1x16xf32>,
    %swap3A_90 = arith.constant 1 : i32
    %swap3A_91 = arith.index_cast %swap3A_90 : i32 to index
    %swap3A_92 = arith.constant 96 : index
    %swap3A_93 = tpu.vector_load %arg13[%swap3A_91, %swap3A_92] {strides = array<i32>} : memref<8x128xf32, #tpu.memory_space<vmem>>, vector<1x16xf32>,
    %swap3A_94 = vector.shape_cast %swap3A_93 : vector<1x16xf32> to vector<16xf32>
    %swap3A_95 = vector.shape_cast %broadcast_in_dim3A_1 : vector<16xf32> to vector<1x16xf32>
    tpu.vector_store %arg13[%swap3A_91, %swap3A_92], %swap3A_95 {strides = array<i32>} : memref<8x128xf32, #tpu.memory_space<vmem>>, vector<1x16xf32>,
    %swap3A_96 = arith.constant 1 : i32
    %swap3A_97 = arith.index_cast %swap3A_96 : i32 to index
    %swap3A_98 = arith.constant 112 : index
    %swap3A_99 = tpu.vector_load %arg13[%swap3A_97, %swap3A_98] {strides = array<i32>} : memref<8x128xf32, #tpu.memory_space<vmem>>, vector<1x16xf32>,
    %swap3A_100 = vector.shape_cast %swap3A_99 : vector<1x16xf32> to vector<16xf32>
    %swap3A_101 = vector.shape_cast %broadcast_in_dim3A_1 : vector<16xf32> to vector<1x16xf32>
    tpu.vector_store %arg13[%swap3A_97, %swap3A_98], %swap3A_101 {strides = array<i32>} : memref<8x128xf32, #tpu.memory_space<vmem>>, vector<1x16xf32>,
    %swap3A_102 = arith.constant 2 : i32
    %swap3A_103 = arith.index_cast %swap3A_102 : i32 to index
    %swap3A_104 = arith.constant 0 : index
    %swap3A_105 = tpu.vector_load %arg13[%swap3A_103, %swap3A_104] {strides = array<i32>} : memref<8x128xf32, #tpu.memory_space<vmem>>, vector<1x16xf32>,
    %swap3A_106 = vector.shape_cast %swap3A_105 : vector<1x16xf32> to vector<16xf32>
    %swap3A_107 = vector.shape_cast %broadcast_in_dim3A_1 : vector<16xf32> to vector<1x16xf32>
    tpu.vector_store %arg13[%swap3A_103, %swap3A_104], %swap3A_107 {strides = array<i32>} : memref<8x128xf32, #tpu.memory_space<vmem>>, vector<1x16xf32>,
    %swap3A_108 = arith.constant 2 : i32
    %swap3A_109 = arith.index_cast %swap3A_108 : i32 to index
    %swap3A_110 = arith.constant 16 : index
    %swap3A_111 = tpu.vector_load %arg13[%swap3A_109, %swap3A_110] {strides = array<i32>} : memref<8x128xf32, #tpu.memory_space<vmem>>, vector<1x16xf32>,
    %swap3A_112 = vector.shape_cast %swap3A_111 : vector<1x16xf32> to vector<16xf32>
    %swap3A_113 = vector.shape_cast %broadcast_in_dim3A_1 : vector<16xf32> to vector<1x16xf32>
    tpu.vector_store %arg13[%swap3A_109, %swap3A_110], %swap3A_113 {strides = array<i32>} : memref<8x128xf32, #tpu.memory_space<vmem>>, vector<1x16xf32>,
    %swap3A_114 = arith.constant 2 : i32
    %swap3A_115 = arith.index_cast %swap3A_114 : i32 to index
    %swap3A_116 = arith.constant 32 : index
    %swap3A_117 = tpu.vector_load %arg13[%swap3A_115, %swap3A_116] {strides = array<i32>} : memref<8x128xf32, #tpu.memory_space<vmem>>, vector<1x16xf32>,
    %swap3A_118 = vector.shape_cast %swap3A_117 : vector<1x16xf32> to vector<16xf32>
    %swap3A_119 = vector.shape_cast %broadcast_in_dim3A_1 : vector<16xf32> to vector<1x16xf32>
    tpu.vector_store %arg13[%swap3A_115, %swap3A_116], %swap3A_119 {strides = array<i32>} : memref<8x128xf32, #tpu.memory_space<vmem>>, vector<1x16xf32>,
    %swap3A_120 = arith.constant 2 : i32
    %swap3A_121 = arith.index_cast %swap3A_120 : i32 to index
    %swap3A_122 = arith.constant 48 : index
    %swap3A_123 = tpu.vector_load %arg13[%swap3A_121, %swap3A_122] {strides = array<i32>} : memref<8x128xf32, #tpu.memory_space<vmem>>, vector<1x16xf32>,
    %swap3A_124 = vector.shape_cast %swap3A_123 : vector<1x16xf32> to vector<16xf32>
    %swap3A_125 = vector.shape_cast %broadcast_in_dim3A_1 : vector<16xf32> to vector<1x16xf32>
    tpu.vector_store %arg13[%swap3A_121, %swap3A_122], %swap3A_125 {strides = array<i32>} : memref<8x128xf32, #tpu.memory_space<vmem>>, vector<1x16xf32>,
    %swap3A_126 = arith.constant 2 : i32
    %swap3A_127 = arith.index_cast %swap3A_126 : i32 to index
    %swap3A_128 = arith.constant 64 : index
    %swap3A_129 = tpu.vector_load %arg13[%swap3A_127, %swap3A_128] {strides = array<i32>} : memref<8x128xf32, #tpu.memory_space<vmem>>, vector<1x16xf32>,
    %swap3A_130 = vector.shape_cast %swap3A_129 : vector<1x16xf32> to vector<16xf32>
    %swap3A_131 = vector.shape_cast %broadcast_in_dim3A_1 : vector<16xf32> to vector<1x16xf32>
    tpu.vector_store %arg13[%swap3A_127, %swap3A_128], %swap3A_131 {strides = array<i32>} : memref<8x128xf32, #tpu.memory_space<vmem>>, vector<1x16xf32>,
    %swap3A_132 = arith.constant 2 : i32
    %swap3A_133 = arith.index_cast %swap3A_132 : i32 to index
    %swap3A_134 = arith.constant 80 : index
    %swap3A_135 = tpu.vector_load %arg13[%swap3A_133, %swap3A_134] {strides = array<i32>} : memref<8x128xf32, #tpu.memory_space<vmem>>, vector<1x16xf32>,
    %swap3A_136 = vector.shape_cast %swap3A_135 : vector<1x16xf32> to vector<16xf32>
    %swap3A_137 = vector.shape_cast %broadcast_in_dim3A_1 : vector<16xf32> to vector<1x16xf32>
    tpu.vector_store %arg13[%swap3A_133, %swap3A_134], %swap3A_137 {strides = array<i32>} : memref<8x128xf32, #tpu.memory_space<vmem>>, vector<1x16xf32>,
    %swap3A_138 = arith.constant 2 : i32
    %swap3A_139 = arith.index_cast %swap3A_138 : i32 to index
    %swap3A_140 = arith.constant 96 : index
    %swap3A_141 = tpu.vector_load %arg13[%swap3A_139, %swap3A_140] {strides = array<i32>} : memref<8x128xf32, #tpu.memory_space<vmem>>, vector<1x16xf32>,
    %swap3A_142 = vector.shape_cast %swap3A_141 : vector<1x16xf32> to vector<16xf32>
    %swap3A_143 = vector.shape_cast %broadcast_in_dim3A_1 : vector<16xf32> to vector<1x16xf32>
    tpu.vector_store %arg13[%swap3A_139, %swap3A_140], %swap3A_143 {strides = array<i32>} : memref<8x128xf32, #tpu.memory_space<vmem>>, vector<1x16xf32>,
    %swap3A_144 = arith.constant 2 : i32
    %swap3A_145 = arith.index_cast %swap3A_144 : i32 to index
    %swap3A_146 = arith.constant 112 : index
    %swap3A_147 = tpu.vector_load %arg13[%swap3A_145, %swap3A_146] {strides = array<i32>} : memref<8x128xf32, #tpu.memory_space<vmem>>, vector<1x16xf32>,
    %swap3A_148 = vector.shape_cast %swap3A_147 : vector<1x16xf32> to vector<16xf32>
    %swap3A_149 = vector.shape_cast %broadcast_in_dim3A_1 : vector<16xf32> to vector<1x16xf32>
    tpu.vector_store %arg13[%swap3A_145, %swap3A_146], %swap3A_149 {strides = array<i32>} : memref<8x128xf32, #tpu.memory_space<vmem>>, vector<1x16xf32>,
    %swap3A_150 = arith.constant 3 : i32
    %swap3A_151 = arith.index_cast %swap3A_150 : i32 to index
    %swap3A_152 = arith.constant 0 : index
    %swap3A_153 = tpu.vector_load %arg13[%swap3A_151, %swap3A_152] {strides = array<i32>} : memref<8x128xf32, #tpu.memory_space<vmem>>, vector<1x16xf32>,
    %swap3A_154 = vector.shape_cast %swap3A_153 : vector<1x16xf32> to vector<16xf32>
    %swap3A_155 = vector.shape_cast %broadcast_in_dim3A_1 : vector<16xf32> to vector<1x16xf32>
    tpu.vector_store %arg13[%swap3A_151, %swap3A_152], %swap3A_155 {strides = array<i32>} : memref<8x128xf32, #tpu.memory_space<vmem>>, vector<1x16xf32>,
    %swap3A_156 = arith.constant 3 : i32
    %swap3A_157 = arith.index_cast %swap3A_156 : i32 to index
    %swap3A_158 = arith.constant 16 : index
    %swap3A_159 = tpu.vector_load %arg13[%swap3A_157, %swap3A_158] {strides = array<i32>} : memref<8x128xf32, #tpu.memory_space<vmem>>, vector<1x16xf32>,
    %swap3A_160 = vector.shape_cast %swap3A_159 : vector<1x16xf32> to vector<16xf32>
    %swap3A_161 = vector.shape_cast %broadcast_in_dim3A_1 : vector<16xf32> to vector<1x16xf32>
    tpu.vector_store %arg13[%swap3A_157, %swap3A_158], %swap3A_161 {strides = array<i32>} : memref<8x128xf32, #tpu.memory_space<vmem>>, vector<1x16xf32>,
    %swap3A_162 = arith.constant 3 : i32
    %swap3A_163 = arith.index_cast %swap3A_162 : i32 to index
    %swap3A_164 = arith.constant 32 : index
    %swap3A_165 = tpu.vector_load %arg13[%swap3A_163, %swap3A_164] {strides = array<i32>} : memref<8x128xf32, #tpu.memory_space<vmem>>, vector<1x16xf32>,
    %swap3A_166 = vector.shape_cast %swap3A_165 : vector<1x16xf32> to vector<16xf32>
    %swap3A_167 = vector.shape_cast %broadcast_in_dim3A_1 : vector<16xf32> to vector<1x16xf32>
    tpu.vector_store %arg13[%swap3A_163, %swap3A_164], %swap3A_167 {strides = array<i32>} : memref<8x128xf32, #tpu.memory_space<vmem>>, vector<1x16xf32>,
    %swap3A_168 = arith.constant 3 : i32
    %swap3A_169 = arith.index_cast %swap3A_168 : i32 to index
    %swap3A_170 = arith.constant 48 : index
    %swap3A_171 = tpu.vector_load %arg13[%swap3A_169, %swap3A_170] {strides = array<i32>} : memref<8x128xf32, #tpu.memory_space<vmem>>, vector<1x16xf32>,
    %swap3A_172 = vector.shape_cast %swap3A_171 : vector<1x16xf32> to vector<16xf32>
    %swap3A_173 = vector.shape_cast %broadcast_in_dim3A_1 : vector<16xf32> to vector<1x16xf32>
    tpu.vector_store %arg13[%swap3A_169, %swap3A_170], %swap3A_173 {strides = array<i32>} : memref<8x128xf32, #tpu.memory_space<vmem>>, vector<1x16xf32>,
    %swap3A_174 = arith.constant 3 : i32
    %swap3A_175 = arith.index_cast %swap3A_174 : i32 to index
    %swap3A_176 = arith.constant 64 : index
    %swap3A_177 = tpu.vector_load %arg13[%swap3A_175, %swap3A_176] {strides = array<i32>} : memref<8x128xf32, #tpu.memory_space<vmem>>, vector<1x16xf32>,
    %swap3A_178 = vector.shape_cast %swap3A_177 : vector<1x16xf32> to vector<16xf32>
    %swap3A_179 = vector.shape_cast %broadcast_in_dim3A_1 : vector<16xf32> to vector<1x16xf32>
    tpu.vector_store %arg13[%swap3A_175, %swap3A_176], %swap3A_179 {strides = array<i32>} : memref<8x128xf32, #tpu.memory_space<vmem>>, vector<1x16xf32>,
    %swap3A_180 = arith.constant 3 : i32
    %swap3A_181 = arith.index_cast %swap3A_180 : i32 to index
    %swap3A_182 = arith.constant 80 : index
    %swap3A_183 = tpu.vector_load %arg13[%swap3A_181, %swap3A_182] {strides = array<i32>} : memref<8x128xf32, #tpu.memory_space<vmem>>, vector<1x16xf32>,
    %swap3A_184 = vector.shape_cast %swap3A_183 : vector<1x16xf32> to vector<16xf32>
    %swap3A_185 = vector.shape_cast %broadcast_in_dim3A_1 : vector<16xf32> to vector<1x16xf32>
    tpu.vector_store %arg13[%swap3A_181, %swap3A_182], %swap3A_185 {strides = array<i32>} : memref<8x128xf32, #tpu.memory_space<vmem>>, vector<1x16xf32>,
    %swap3A_186 = arith.constant 3 : i32
    %swap3A_187 = arith.index_cast %swap3A_186 : i32 to index
    %swap3A_188 = arith.constant 96 : index
    %swap3A_189 = tpu.vector_load %arg13[%swap3A_187, %swap3A_188] {strides = array<i32>} : memref<8x128xf32, #tpu.memory_space<vmem>>, vector<1x16xf32>,
    %swap3A_190 = vector.shape_cast %swap3A_189 : vector<1x16xf32> to vector<16xf32>
    %swap3A_191 = vector.shape_cast %broadcast_in_dim3A_1 : vector<16xf32> to vector<1x16xf32>
    tpu.vector_store %arg13[%swap3A_187, %swap3A_188], %swap3A_191 {strides = array<i32>} : memref<8x128xf32, #tpu.memory_space<vmem>>, vector<1x16xf32>,
    %swap3A_192 = arith.constant 3 : i32
    %swap3A_193 = arith.index_cast %swap3A_192 : i32 to index
    %swap3A_194 = arith.constant 112 : index
    %swap3A_195 = tpu.vector_load %arg13[%swap3A_193, %swap3A_194] {strides = array<i32>} : memref<8x128xf32, #tpu.memory_space<vmem>>, vector<1x16xf32>,
    %swap3A_196 = vector.shape_cast %swap3A_195 : vector<1x16xf32> to vector<16xf32>
    %swap3A_197 = vector.shape_cast %broadcast_in_dim3A_1 : vector<16xf32> to vector<1x16xf32>
    tpu.vector_store %arg13[%swap3A_193, %swap3A_194], %swap3A_197 {strides = array<i32>} : memref<8x128xf32, #tpu.memory_space<vmem>>, vector<1x16xf32>,
    %swap3A_198 = arith.constant 4 : i32
    %swap3A_199 = arith.index_cast %swap3A_198 : i32 to index
    %swap3A_200 = arith.constant 0 : index
    %swap3A_201 = tpu.vector_load %arg13[%swap3A_199, %swap3A_200] {strides = array<i32>} : memref<8x128xf32, #tpu.memory_space<vmem>>, vector<1x16xf32>,
    %swap3A_202 = vector.shape_cast %swap3A_201 : vector<1x16xf32> to vector<16xf32>
    %swap3A_203 = vector.shape_cast %broadcast_in_dim3A_1 : vector<16xf32> to vector<1x16xf32>
    tpu.vector_store %arg13[%swap3A_199, %swap3A_200], %swap3A_203 {strides = array<i32>} : memref<8x128xf32, #tpu.memory_space<vmem>>, vector<1x16xf32>,
    %swap3A_204 = arith.constant 4 : i32
    %swap3A_205 = arith.index_cast %swap3A_204 : i32 to index
    %swap3A_206 = arith.constant 16 : index
    %swap3A_207 = tpu.vector_load %arg13[%swap3A_205, %swap3A_206] {strides = array<i32>} : memref<8x128xf32, #tpu.memory_space<vmem>>, vector<1x16xf32>,
    %swap3A_208 = vector.shape_cast %swap3A_207 : vector<1x16xf32> to vector<16xf32>
    %swap3A_209 = vector.shape_cast %broadcast_in_dim3A_1 : vector<16xf32> to vector<1x16xf32>
    tpu.vector_store %arg13[%swap3A_205, %swap3A_206], %swap3A_209 {strides = array<i32>} : memref<8x128xf32, #tpu.memory_space<vmem>>, vector<1x16xf32>,
    %swap3A_210 = arith.constant 4 : i32
    %swap3A_211 = arith.index_cast %swap3A_210 : i32 to index
    %swap3A_212 = arith.constant 32 : index
    %swap3A_213 = tpu.vector_load %arg13[%swap3A_211, %swap3A_212] {strides = array<i32>} : memref<8x128xf32, #tpu.memory_space<vmem>>, vector<1x16xf32>,
    %swap3A_214 = vector.shape_cast %swap3A_213 : vector<1x16xf32> to vector<16xf32>
    %swap3A_215 = vector.shape_cast %broadcast_in_dim3A_1 : vector<16xf32> to vector<1x16xf32>
    tpu.vector_store %arg13[%swap3A_211, %swap3A_212], %swap3A_215 {strides = array<i32>} : memref<8x128xf32, #tpu.memory_space<vmem>>, vector<1x16xf32>,
    %swap3A_216 = arith.constant 4 : i32
    %swap3A_217 = arith.index_cast %swap3A_216 : i32 to index
    %swap3A_218 = arith.constant 48 : index
    %swap3A_219 = tpu.vector_load %arg13[%swap3A_217, %swap3A_218] {strides = array<i32>} : memref<8x128xf32, #tpu.memory_space<vmem>>, vector<1x16xf32>,
    %swap3A_220 = vector.shape_cast %swap3A_219 : vector<1x16xf32> to vector<16xf32>
    %swap3A_221 = vector.shape_cast %broadcast_in_dim3A_1 : vector<16xf32> to vector<1x16xf32>
    tpu.vector_store %arg13[%swap3A_217, %swap3A_218], %swap3A_221 {strides = array<i32>} : memref<8x128xf32, #tpu.memory_space<vmem>>, vector<1x16xf32>,
    %swap3A_222 = arith.constant 4 : i32
    %swap3A_223 = arith.index_cast %swap3A_222 : i32 to index
    %swap3A_224 = arith.constant 64 : index
    %swap3A_225 = tpu.vector_load %arg13[%swap3A_223, %swap3A_224] {strides = array<i32>} : memref<8x128xf32, #tpu.memory_space<vmem>>, vector<1x16xf32>,
    %swap3A_226 = vector.shape_cast %swap3A_225 : vector<1x16xf32> to vector<16xf32>
    %swap3A_227 = vector.shape_cast %broadcast_in_dim3A_1 : vector<16xf32> to vector<1x16xf32>
    tpu.vector_store %arg13[%swap3A_223, %swap3A_224], %swap3A_227 {strides = array<i32>} : memref<8x128xf32, #tpu.memory_space<vmem>>, vector<1x16xf32>,
    %swap3A_228 = arith.constant 4 : i32
    %swap3A_229 = arith.index_cast %swap3A_228 : i32 to index
    %swap3A_230 = arith.constant 80 : index
    %swap3A_231 = tpu.vector_load %arg13[%swap3A_229, %swap3A_230] {strides = array<i32>} : memref<8x128xf32, #tpu.memory_space<vmem>>, vector<1x16xf32>,
    %swap3A_232 = vector.shape_cast %swap3A_231 : vector<1x16xf32> to vector<16xf32>
    %swap3A_233 = vector.shape_cast %broadcast_in_dim3A_1 : vector<16xf32> to vector<1x16xf32>
    tpu.vector_store %arg13[%swap3A_229, %swap3A_230], %swap3A_233 {strides = array<i32>} : memref<8x128xf32, #tpu.memory_space<vmem>>, vector<1x16xf32>,
    %swap3A_234 = arith.constant 4 : i32
    %swap3A_235 = arith.index_cast %swap3A_234 : i32 to index
    %swap3A_236 = arith.constant 96 : index
    %swap3A_237 = tpu.vector_load %arg13[%swap3A_235, %swap3A_236] {strides = array<i32>} : memref<8x128xf32, #tpu.memory_space<vmem>>, vector<1x16xf32>,
    %swap3A_238 = vector.shape_cast %swap3A_237 : vector<1x16xf32> to vector<16xf32>
    %swap3A_239 = vector.shape_cast %broadcast_in_dim3A_1 : vector<16xf32> to vector<1x16xf32>
    tpu.vector_store %arg13[%swap3A_235, %swap3A_236], %swap3A_239 {strides = array<i32>} : memref<8x128xf32, #tpu.memory_space<vmem>>, vector<1x16xf32>,
    %swap3A_240 = arith.constant 4 : i32
    %swap3A_241 = arith.index_cast %swap3A_240 : i32 to index
    %swap3A_242 = arith.constant 112 : index
    %swap3A_243 = tpu.vector_load %arg13[%swap3A_241, %swap3A_242] {strides = array<i32>} : memref<8x128xf32, #tpu.memory_space<vmem>>, vector<1x16xf32>,
    %swap3A_244 = vector.shape_cast %swap3A_243 : vector<1x16xf32> to vector<16xf32>
    %swap3A_245 = vector.shape_cast %broadcast_in_dim3A_1 : vector<16xf32> to vector<1x16xf32>
    tpu.vector_store %arg13[%swap3A_241, %swap3A_242], %swap3A_245 {strides = array<i32>} : memref<8x128xf32, #tpu.memory_space<vmem>>, vector<1x16xf32>,
    %swap3A_246 = arith.constant 5 : i32
    %swap3A_247 = arith.index_cast %swap3A_246 : i32 to index
    %swap3A_248 = arith.constant 0 : index
    %swap3A_249 = tpu.vector_load %arg13[%swap3A_247, %swap3A_248] {strides = array<i32>} : memref<8x128xf32, #tpu.memory_space<vmem>>, vector<1x16xf32>,
    %swap3A_250 = vector.shape_cast %swap3A_249 : vector<1x16xf32> to vector<16xf32>
    %swap3A_251 = vector.shape_cast %broadcast_in_dim3A_1 : vector<16xf32> to vector<1x16xf32>
    tpu.vector_store %arg13[%swap3A_247, %swap3A_248], %swap3A_251 {strides = array<i32>} : memref<8x128xf32, #tpu.memory_space<vmem>>, vector<1x16xf32>,
    %swap3A_252 = arith.constant 5 : i32
    %swap3A_253 = arith.index_cast %swap3A_252 : i32 to index
    %swap3A_254 = arith.constant 16 : index
    %swap3A_255 = tpu.vector_load %arg13[%swap3A_253, %swap3A_254] {strides = array<i32>} : memref<8x128xf32, #tpu.memory_space<vmem>>, vector<1x16xf32>,
    %swap3A_256 = vector.shape_cast %swap3A_255 : vector<1x16xf32> to vector<16xf32>
    %swap3A_257 = vector.shape_cast %broadcast_in_dim3A_1 : vector<16xf32> to vector<1x16xf32>
    tpu.vector_store %arg13[%swap3A_253, %swap3A_254], %swap3A_257 {strides = array<i32>} : memref<8x128xf32, #tpu.memory_space<vmem>>, vector<1x16xf32>,
    %swap3A_258 = arith.constant 5 : i32
    %swap3A_259 = arith.index_cast %swap3A_258 : i32 to index
    %swap3A_260 = arith.constant 32 : index
    %swap3A_261 = tpu.vector_load %arg13[%swap3A_259, %swap3A_260] {strides = array<i32>} : memref<8x128xf32, #tpu.memory_space<vmem>>, vector<1x16xf32>,
    %swap3A_262 = vector.shape_cast %swap3A_261 : vector<1x16xf32> to vector<16xf32>
    %swap3A_263 = vector.shape_cast %broadcast_in_dim3A_1 : vector<16xf32> to vector<1x16xf32>
    tpu.vector_store %arg13[%swap3A_259, %swap3A_260], %swap3A_263 {strides = array<i32>} : memref<8x128xf32, #tpu.memory_space<vmem>>, vector<1x16xf32>,
    %swap3A_264 = arith.constant 5 : i32
    %swap3A_265 = arith.index_cast %swap3A_264 : i32 to index
    %swap3A_266 = arith.constant 48 : index
    %swap3A_267 = tpu.vector_load %arg13[%swap3A_265, %swap3A_266] {strides = array<i32>} : memref<8x128xf32, #tpu.memory_space<vmem>>, vector<1x16xf32>,
    %swap3A_268 = vector.shape_cast %swap3A_267 : vector<1x16xf32> to vector<16xf32>
    %swap3A_269 = vector.shape_cast %broadcast_in_dim3A_1 : vector<16xf32> to vector<1x16xf32>
    tpu.vector_store %arg13[%swap3A_265, %swap3A_266], %swap3A_269 {strides = array<i32>} : memref<8x128xf32, #tpu.memory_space<vmem>>, vector<1x16xf32>,
    %swap3A_270 = arith.constant 5 : i32
    %swap3A_271 = arith.index_cast %swap3A_270 : i32 to index
    %swap3A_272 = arith.constant 64 : index
    %swap3A_273 = tpu.vector_load %arg13[%swap3A_271, %swap3A_272] {strides = array<i32>} : memref<8x128xf32, #tpu.memory_space<vmem>>, vector<1x16xf32>,
    %swap3A_274 = vector.shape_cast %swap3A_273 : vector<1x16xf32> to vector<16xf32>
    %swap3A_275 = vector.shape_cast %broadcast_in_dim3A_1 : vector<16xf32> to vector<1x16xf32>
    tpu.vector_store %arg13[%swap3A_271, %swap3A_272], %swap3A_275 {strides = array<i32>} : memref<8x128xf32, #tpu.memory_space<vmem>>, vector<1x16xf32>,
    %swap3A_276 = arith.constant 5 : i32
    %swap3A_277 = arith.index_cast %swap3A_276 : i32 to index
    %swap3A_278 = arith.constant 80 : index
    %swap3A_279 = tpu.vector_load %arg13[%swap3A_277, %swap3A_278] {strides = array<i32>} : memref<8x128xf32, #tpu.memory_space<vmem>>, vector<1x16xf32>,
    %swap3A_280 = vector.shape_cast %swap3A_279 : vector<1x16xf32> to vector<16xf32>
    %swap3A_281 = vector.shape_cast %broadcast_in_dim3A_1 : vector<16xf32> to vector<1x16xf32>
    tpu.vector_store %arg13[%swap3A_277, %swap3A_278], %swap3A_281 {strides = array<i32>} : memref<8x128xf32, #tpu.memory_space<vmem>>, vector<1x16xf32>,
    %swap3A_282 = arith.constant 5 : i32
    %swap3A_283 = arith.index_cast %swap3A_282 : i32 to index
    %swap3A_284 = arith.constant 96 : index
    %swap3A_285 = tpu.vector_load %arg13[%swap3A_283, %swap3A_284] {strides = array<i32>} : memref<8x128xf32, #tpu.memory_space<vmem>>, vector<1x16xf32>,
    %swap3A_286 = vector.shape_cast %swap3A_285 : vector<1x16xf32> to vector<16xf32>
    %swap3A_287 = vector.shape_cast %broadcast_in_dim3A_1 : vector<16xf32> to vector<1x16xf32>
    tpu.vector_store %arg13[%swap3A_283, %swap3A_284], %swap3A_287 {strides = array<i32>} : memref<8x128xf32, #tpu.memory_space<vmem>>, vector<1x16xf32>,
    %swap3A_288 = arith.constant 5 : i32
    %swap3A_289 = arith.index_cast %swap3A_288 : i32 to index
    %swap3A_290 = arith.constant 112 : index
    %swap3A_291 = tpu.vector_load %arg13[%swap3A_289, %swap3A_290] {strides = array<i32>} : memref<8x128xf32, #tpu.memory_space<vmem>>, vector<1x16xf32>,
    %swap3A_292 = vector.shape_cast %swap3A_291 : vector<1x16xf32> to vector<16xf32>
    %swap3A_293 = vector.shape_cast %broadcast_in_dim3A_1 : vector<16xf32> to vector<1x16xf32>
    tpu.vector_store %arg13[%swap3A_289, %swap3A_290], %swap3A_293 {strides = array<i32>} : memref<8x128xf32, #tpu.memory_space<vmem>>, vector<1x16xf32>,
    %swap3A_294 = arith.constant 6 : i32
    %swap3A_295 = arith.index_cast %swap3A_294 : i32 to index
    %swap3A_296 = arith.constant 0 : index
    %swap3A_297 = tpu.vector_load %arg13[%swap3A_295, %swap3A_296] {strides = array<i32>} : memref<8x128xf32, #tpu.memory_space<vmem>>, vector<1x16xf32>,
    %swap3A_298 = vector.shape_cast %swap3A_297 : vector<1x16xf32> to vector<16xf32>
    %swap3A_299 = vector.shape_cast %broadcast_in_dim3A_1 : vector<16xf32> to vector<1x16xf32>
    tpu.vector_store %arg13[%swap3A_295, %swap3A_296], %swap3A_299 {strides = array<i32>} : memref<8x128xf32, #tpu.memory_space<vmem>>, vector<1x16xf32>,
    %swap3A_300 = arith.constant 6 : i32
    %swap3A_301 = arith.index_cast %swap3A_300 : i32 to index
    %swap3A_302 = arith.constant 16 : index
    %swap3A_303 = tpu.vector_load %arg13[%swap3A_301, %swap3A_302] {strides = array<i32>} : memref<8x128xf32, #tpu.memory_space<vmem>>, vector<1x16xf32>,
    %swap3A_304 = vector.shape_cast %swap3A_303 : vector<1x16xf32> to vector<16xf32>
    %swap3A_305 = vector.shape_cast %broadcast_in_dim3A_1 : vector<16xf32> to vector<1x16xf32>
    tpu.vector_store %arg13[%swap3A_301, %swap3A_302], %swap3A_305 {strides = array<i32>} : memref<8x128xf32, #tpu.memory_space<vmem>>, vector<1x16xf32>,
    %swap3A_306 = arith.constant 6 : i32
    %swap3A_307 = arith.index_cast %swap3A_306 : i32 to index
    %swap3A_308 = arith.constant 32 : index
    %swap3A_309 = tpu.vector_load %arg13[%swap3A_307, %swap3A_308] {strides = array<i32>} : memref<8x128xf32, #tpu.memory_space<vmem>>, vector<1x16xf32>,
    %swap3A_310 = vector.shape_cast %swap3A_309 : vector<1x16xf32> to vector<16xf32>
    %swap3A_311 = vector.shape_cast %broadcast_in_dim3A_1 : vector<16xf32> to vector<1x16xf32>
    tpu.vector_store %arg13[%swap3A_307, %swap3A_308], %swap3A_311 {strides = array<i32>} : memref<8x128xf32, #tpu.memory_space<vmem>>, vector<1x16xf32>,
    %swap3A_312 = arith.constant 6 : i32
    %swap3A_313 = arith.index_cast %swap3A_312 : i32 to index
    %swap3A_314 = arith.constant 48 : index
    %swap3A_315 = tpu.vector_load %arg13[%swap3A_313, %swap3A_314] {strides = array<i32>} : memref<8x128xf32, #tpu.memory_space<vmem>>, vector<1x16xf32>,
    %swap3A_316 = vector.shape_cast %swap3A_315 : vector<1x16xf32> to vector<16xf32>
    %swap3A_317 = vector.shape_cast %broadcast_in_dim3A_1 : vector<16xf32> to vector<1x16xf32>
    tpu.vector_store %arg13[%swap3A_313, %swap3A_314], %swap3A_317 {strides = array<i32>} : memref<8x128xf32, #tpu.memory_space<vmem>>, vector<1x16xf32>,
    %swap3A_318 = arith.constant 6 : i32
    %swap3A_319 = arith.index_cast %swap3A_318 : i32 to index
    %swap3A_320 = arith.constant 64 : index
    %swap3A_321 = tpu.vector_load %arg13[%swap3A_319, %swap3A_320] {strides = array<i32>} : memref<8x128xf32, #tpu.memory_space<vmem>>, vector<1x16xf32>,
    %swap3A_322 = vector.shape_cast %swap3A_321 : vector<1x16xf32> to vector<16xf32>
    %swap3A_323 = vector.shape_cast %broadcast_in_dim3A_1 : vector<16xf32> to vector<1x16xf32>
    tpu.vector_store %arg13[%swap3A_319, %swap3A_320], %swap3A_323 {strides = array<i32>} : memref<8x128xf32, #tpu.memory_space<vmem>>, vector<1x16xf32>,
    %swap3A_324 = arith.constant 6 : i32
    %swap3A_325 = arith.index_cast %swap3A_324 : i32 to index
    %swap3A_326 = arith.constant 80 : index
    %swap3A_327 = tpu.vector_load %arg13[%swap3A_325, %swap3A_326] {strides = array<i32>} : memref<8x128xf32, #tpu.memory_space<vmem>>, vector<1x16xf32>,
    %swap3A_328 = vector.shape_cast %swap3A_327 : vector<1x16xf32> to vector<16xf32>
    %swap3A_329 = vector.shape_cast %broadcast_in_dim3A_1 : vector<16xf32> to vector<1x16xf32>
    tpu.vector_store %arg13[%swap3A_325, %swap3A_326], %swap3A_329 {strides = array<i32>} : memref<8x128xf32, #tpu.memory_space<vmem>>, vector<1x16xf32>,
    %swap3A_330 = arith.constant 6 : i32
    %swap3A_331 = arith.index_cast %swap3A_330 : i32 to index
    %swap3A_332 = arith.constant 96 : index
    %swap3A_333 = tpu.vector_load %arg13[%swap3A_331, %swap3A_332] {strides = array<i32>} : memref<8x128xf32, #tpu.memory_space<vmem>>, vector<1x16xf32>,
    %swap3A_334 = vector.shape_cast %swap3A_333 : vector<1x16xf32> to vector<16xf32>
    %swap3A_335 = vector.shape_cast %broadcast_in_dim3A_1 : vector<16xf32> to vector<1x16xf32>
    tpu.vector_store %arg13[%swap3A_331, %swap3A_332], %swap3A_335 {strides = array<i32>} : memref<8x128xf32, #tpu.memory_space<vmem>>, vector<1x16xf32>,
    %swap3A_336 = arith.constant 6 : i32
    %swap3A_337 = arith.index_cast %swap3A_336 : i32 to index
    %swap3A_338 = arith.constant 112 : index
    %swap3A_339 = tpu.vector_load %arg13[%swap3A_337, %swap3A_338] {strides = array<i32>} : memref<8x128xf32, #tpu.memory_space<vmem>>, vector<1x16xf32>,
    %swap3A_340 = vector.shape_cast %swap3A_339 : vector<1x16xf32> to vector<16xf32>
    %swap3A_341 = vector.shape_cast %broadcast_in_dim3A_1 : vector<16xf32> to vector<1x16xf32>
    tpu.vector_store %arg13[%swap3A_337, %swap3A_338], %swap3A_341 {strides = array<i32>} : memref<8x128xf32, #tpu.memory_space<vmem>>, vector<1x16xf32>,
    %swap3A_342 = arith.constant 7 : i32
    %swap3A_343 = arith.index_cast %swap3A_342 : i32 to index
    %swap3A_344 = arith.constant 0 : index
    %swap3A_345 = tpu.vector_load %arg13[%swap3A_343, %swap3A_344] {strides = array<i32>} : memref<8x128xf32, #tpu.memory_space<vmem>>, vector<1x16xf32>,
    %swap3A_346 = vector.shape_cast %swap3A_345 : vector<1x16xf32> to vector<16xf32>
    %swap3A_347 = vector.shape_cast %broadcast_in_dim3A_1 : vector<16xf32> to vector<1x16xf32>
    tpu.vector_store %arg13[%swap3A_343, %swap3A_344], %swap3A_347 {strides = array<i32>} : memref<8x128xf32, #tpu.memory_space<vmem>>, vector<1x16xf32>,
    %swap3A_348 = arith.constant 7 : i32
    %swap3A_349 = arith.index_cast %swap3A_348 : i32 to index
    %swap3A_350 = arith.constant 16 : index
    %swap3A_351 = tpu.vector_load %arg13[%swap3A_349, %swap3A_350] {strides = array<i32>} : memref<8x128xf32, #tpu.memory_space<vmem>>, vector<1x16xf32>,
    %swap3A_352 = vector.shape_cast %swap3A_351 : vector<1x16xf32> to vector<16xf32>
    %swap3A_353 = vector.shape_cast %broadcast_in_dim3A_1 : vector<16xf32> to vector<1x16xf32>
    tpu.vector_store %arg13[%swap3A_349, %swap3A_350], %swap3A_353 {strides = array<i32>} : memref<8x128xf32, #tpu.memory_space<vmem>>, vector<1x16xf32>,
    %swap3A_354 = arith.constant 7 : i32
    %swap3A_355 = arith.index_cast %swap3A_354 : i32 to index
    %swap3A_356 = arith.constant 32 : index
    %swap3A_357 = tpu.vector_load %arg13[%swap3A_355, %swap3A_356] {strides = array<i32>} : memref<8x128xf32, #tpu.memory_space<vmem>>, vector<1x16xf32>,
    %swap3A_358 = vector.shape_cast %swap3A_357 : vector<1x16xf32> to vector<16xf32>
    %swap3A_359 = vector.shape_cast %broadcast_in_dim3A_1 : vector<16xf32> to vector<1x16xf32>
    tpu.vector_store %arg13[%swap3A_355, %swap3A_356], %swap3A_359 {strides = array<i32>} : memref<8x128xf32, #tpu.memory_space<vmem>>, vector<1x16xf32>,
    %swap3A_360 = arith.constant 7 : i32
    %swap3A_361 = arith.index_cast %swap3A_360 : i32 to index
    %swap3A_362 = arith.constant 48 : index
    %swap3A_363 = tpu.vector_load %arg13[%swap3A_361, %swap3A_362] {strides = array<i32>} : memref<8x128xf32, #tpu.memory_space<vmem>>, vector<1x16xf32>,
    %swap3A_364 = vector.shape_cast %swap3A_363 : vector<1x16xf32> to vector<16xf32>
    %swap3A_365 = vector.shape_cast %broadcast_in_dim3A_1 : vector<16xf32> to vector<1x16xf32>
    tpu.vector_store %arg13[%swap3A_361, %swap3A_362], %swap3A_365 {strides = array<i32>} : memref<8x128xf32, #tpu.memory_space<vmem>>, vector<1x16xf32>,
    %swap3A_366 = arith.constant 7 : i32
    %swap3A_367 = arith.index_cast %swap3A_366 : i32 to index
    %swap3A_368 = arith.constant 64 : index
    %swap3A_369 = tpu.vector_load %arg13[%swap3A_367, %swap3A_368] {strides = array<i32>} : memref<8x128xf32, #tpu.memory_space<vmem>>, vector<1x16xf32>,
    %swap3A_370 = vector.shape_cast %swap3A_369 : vector<1x16xf32> to vector<16xf32>
    %swap3A_371 = vector.shape_cast %broadcast_in_dim3A_1 : vector<16xf32> to vector<1x16xf32>
    tpu.vector_store %arg13[%swap3A_367, %swap3A_368], %swap3A_371 {strides = array<i32>} : memref<8x128xf32, #tpu.memory_space<vmem>>, vector<1x16xf32>,
    %swap3A_372 = arith.constant 7 : i32
    %swap3A_373 = arith.index_cast %swap3A_372 : i32 to index
    %swap3A_374 = arith.constant 80 : index
    %swap3A_375 = tpu.vector_load %arg13[%swap3A_373, %swap3A_374] {strides = array<i32>} : memref<8x128xf32, #tpu.memory_space<vmem>>, vector<1x16xf32>,
    %swap3A_376 = vector.shape_cast %swap3A_375 : vector<1x16xf32> to vector<16xf32>
    %swap3A_377 = vector.shape_cast %broadcast_in_dim3A_1 : vector<16xf32> to vector<1x16xf32>
    tpu.vector_store %arg13[%swap3A_373, %swap3A_374], %swap3A_377 {strides = array<i32>} : memref<8x128xf32, #tpu.memory_space<vmem>>, vector<1x16xf32>,
    %swap3A_378 = arith.constant 7 : i32
    %swap3A_379 = arith.index_cast %swap3A_378 : i32 to index
    %swap3A_380 = arith.constant 96 : index
    %swap3A_381 = tpu.vector_load %arg13[%swap3A_379, %swap3A_380] {strides = array<i32>} : memref<8x128xf32, #tpu.memory_space<vmem>>, vector<1x16xf32>,
    %swap3A_382 = vector.shape_cast %swap3A_381 : vector<1x16xf32> to vector<16xf32>
    %swap3A_383 = vector.shape_cast %broadcast_in_dim3A_1 : vector<16xf32> to vector<1x16xf32>
    tpu.vector_store %arg13[%swap3A_379, %swap3A_380], %swap3A_383 {strides = array<i32>} : memref<8x128xf32, #tpu.memory_space<vmem>>, vector<1x16xf32>,
    %swap3A_384 = arith.constant 7 : i32
    %swap3A_385 = arith.index_cast %swap3A_384 : i32 to index
    %swap3A_386 = arith.constant 112 : index
    %swap3A_387 = tpu.vector_load %arg13[%swap3A_385, %swap3A_386] {strides = array<i32>} : memref<8x128xf32, #tpu.memory_space<vmem>>, vector<1x16xf32>,
    %swap3A_388 = vector.shape_cast %swap3A_387 : vector<1x16xf32> to vector<16xf32>
    %swap3A_389 = vector.shape_cast %broadcast_in_dim3A_1 : vector<16xf32> to vector<1x16xf32>
    tpu.vector_store %arg13[%swap3A_385, %swap3A_386], %swap3A_389 {strides = array<i32>} : memref<8x128xf32, #tpu.memory_space<vmem>>, vector<1x16xf32>,
    %scan3A_390 = arith.constant 0 : i32
    %scan3A_391 = arith.constant 0 : i32
    %scan3A_392 = arith.constant 41 : i32
    %scan3A_393 = arith.addi %scan3A_391, %scan3A_392 : i32
    %scan3A_394 = arith.constant 1 : i32
    scf.for %scan3A_407 = %scan3A_391 to %scan3A_393 step %scan3A_394  : i32 {
      %mul3A_408 = arith.constant 328 : i32
      %mul3A_409 = arith.muli %arg1, %mul3A_408 : i32
      %mul3A_410 = arith.constant 8 : i32
      %mul3A_411 = arith.muli %scan3A_407, %mul3A_410 : i32
      %add3A_412 = arith.addi %mul3A_409, %mul3A_411 : i32
      "tpu.region"() ({
        %run_scoped3A = tpu.sem_alloc : memref<!tpu.dma_semaphore, #tpu.memory_space<semaphore_mem>>
        %dma_start3A = arith.constant 0 : i32
        %dma_start3A_413 = tpu.memref_slice %arg14[%add3A_412, %dma_start3A] : memref<5248x128xf32, #tpu.memory_space<vmem_shared>> -> memref<8x128xf32, #tpu.memory_space<vmem_shared>>
        %dma_start3A_414 = arith.constant 0 : i32
        %dma_start3A_415 = tpu.memref_slice %arg14[%add3A_412, %dma_start3A_414] : memref<5248x128xf32, #tpu.memory_space<vmem_shared>> -> memref<8x128xf32, #tpu.memory_space<vmem_shared>>
        tpu.enqueue_dma source(%arg13 : memref<8x128xf32, #tpu.memory_space<vmem>>) target(%dma_start3A_415 : memref<8x128xf32, #tpu.memory_space<vmem_shared>>) target_semaphore(%run_scoped3A : memref<!tpu.dma_semaphore, #tpu.memory_space<semaphore_mem>>)
        %dma_wait3A = arith.constant 0 : i32
        %dma_wait3A_416 = tpu.memref_slice %arg14[%add3A_412, %dma_wait3A] : memref<5248x128xf32, #tpu.memory_space<vmem_shared>> -> memref<8x128xf32, #tpu.memory_space<vmem_shared>>
        %dma_wait3A_417 = arith.constant 0 : i32
        %dma_wait3A_418 = tpu.memref_slice %arg14[%add3A_412, %dma_wait3A_417] : memref<5248x128xf32, #tpu.memory_space<vmem_shared>> -> memref<8x128xf32, #tpu.memory_space<vmem_shared>>
        tpu.wait_dma2 semaphore(%run_scoped3A : memref<!tpu.dma_semaphore, #tpu.memory_space<semaphore_mem>>) src(%arg13 : memref<8x128xf32, #tpu.memory_space<vmem>>) dst(%dma_wait3A_418 : memref<8x128xf32, #tpu.memory_space<vmem_shared>>)
        tpu.yield
      }) : () -> ()
    }
    %scan3A_395 = arith.constant 41 : i32
    %barrier3A = arith.constant 0 : index
    tpu.barrier barrier_id(%barrier3A)
    %scan3A_396 = arith.constant 0 : i32
    %scan3A_397 = arith.constant 0 : i32
    %scan3A_398 = arith.constant 80 : i32
    %scan3A_399 = arith.addi %scan3A_397, %scan3A_398 : i32
    %scan3A_400 = arith.constant 1 : i32
    scf.for %scan3A_407 = %scan3A_397 to %scan3A_399 step %scan3A_400  : i32 {
      "tpu.region"() ({
        %run_scoped3A = tpu.sem_alloc : memref<!tpu.dma_semaphore, #tpu.memory_space<semaphore_mem>>
        %dma_start3A_418 = arith.constant 0 : i32
        %dma_start3A_419 = tpu.memref_slice %arg3[%add3A, %scan3A_407, %dma_start3A_418] : memref<32x80x128xi32, #tpu.memory_space<hbm>> -> memref<1x1x128xi32, #tpu.memory_space<hbm>>
        %dma_start3A_420 = tpu.memref_squeeze %dma_start3A_419 : memref<1x1x128xi32, #tpu.memory_space<hbm>> -> memref<128xi32, #tpu.memory_space<hbm>>
        %dma_start3A_421 = arith.constant 0 : i32
        %dma_start3A_422 = tpu.memref_slice %arg3[%add3A, %scan3A_407, %dma_start3A_421] : memref<32x80x128xi32, #tpu.memory_space<hbm>> -> memref<1x1x128xi32, #tpu.memory_space<hbm>>
        %dma_start3A_423 = tpu.memref_squeeze %dma_start3A_422 : memref<1x1x128xi32, #tpu.memory_space<hbm>> -> memref<128xi32, #tpu.memory_space<hbm>>
        tpu.enqueue_dma source(%dma_start3A_423 : memref<128xi32, #tpu.memory_space<hbm>>) target(%arg7 : memref<128xi32, #tpu.memory_space<vmem>>) target_semaphore(%run_scoped3A : memref<!tpu.dma_semaphore, #tpu.memory_space<semaphore_mem>>)
        %dma_wait3A_424 = arith.constant 0 : i32
        %dma_wait3A_425 = tpu.memref_slice %arg3[%add3A, %scan3A_407, %dma_wait3A_424] : memref<32x80x128xi32, #tpu.memory_space<hbm>> -> memref<1x1x128xi32, #tpu.memory_space<hbm>>
        %dma_wait3A_426 = tpu.memref_squeeze %dma_wait3A_425 : memref<1x1x128xi32, #tpu.memory_space<hbm>> -> memref<128xi32, #tpu.memory_space<hbm>>
        %dma_wait3A_427 = arith.constant 0 : i32
        %dma_wait3A_428 = tpu.memref_slice %arg3[%add3A, %scan3A_407, %dma_wait3A_427] : memref<32x80x128xi32, #tpu.memory_space<hbm>> -> memref<1x1x128xi32, #tpu.memory_space<hbm>>
        %dma_wait3A_429 = tpu.memref_squeeze %dma_wait3A_428 : memref<1x1x128xi32, #tpu.memory_space<hbm>> -> memref<128xi32, #tpu.memory_space<hbm>>
        tpu.wait_dma2 semaphore(%run_scoped3A : memref<!tpu.dma_semaphore, #tpu.memory_space<semaphore_mem>>) src(%dma_wait3A_429 : memref<128xi32, #tpu.memory_space<hbm>>) dst(%arg7 : memref<128xi32, #tpu.memory_space<vmem>>)
        tpu.yield
      }) : () -> ()
      "tpu.region"() ({
        %run_scoped3A = tpu.sem_alloc : memref<!tpu.dma_semaphore, #tpu.memory_space<semaphore_mem>>
        %dma_start3A_418 = arith.constant 0 : i32
        %dma_start3A_419 = tpu.memref_slice %arg4[%add3A, %scan3A_407, %dma_start3A_418] : memref<32x80x128xi32, #tpu.memory_space<hbm>> -> memref<1x1x128xi32, #tpu.memory_space<hbm>>
        %dma_start3A_420 = tpu.memref_squeeze %dma_start3A_419 : memref<1x1x128xi32, #tpu.memory_space<hbm>> -> memref<128xi32, #tpu.memory_space<hbm>>
        %dma_start3A_421 = arith.constant 0 : i32
        %dma_start3A_422 = tpu.memref_slice %arg4[%add3A, %scan3A_407, %dma_start3A_421] : memref<32x80x128xi32, #tpu.memory_space<hbm>> -> memref<1x1x128xi32, #tpu.memory_space<hbm>>
        %dma_start3A_423 = tpu.memref_squeeze %dma_start3A_422 : memref<1x1x128xi32, #tpu.memory_space<hbm>> -> memref<128xi32, #tpu.memory_space<hbm>>
        tpu.enqueue_dma source(%dma_start3A_423 : memref<128xi32, #tpu.memory_space<hbm>>) target(%arg8 : memref<128xi32, #tpu.memory_space<vmem>>) target_semaphore(%run_scoped3A : memref<!tpu.dma_semaphore, #tpu.memory_space<semaphore_mem>>)
        %dma_wait3A_424 = arith.constant 0 : i32
        %dma_wait3A_425 = tpu.memref_slice %arg4[%add3A, %scan3A_407, %dma_wait3A_424] : memref<32x80x128xi32, #tpu.memory_space<hbm>> -> memref<1x1x128xi32, #tpu.memory_space<hbm>>
        %dma_wait3A_426 = tpu.memref_squeeze %dma_wait3A_425 : memref<1x1x128xi32, #tpu.memory_space<hbm>> -> memref<128xi32, #tpu.memory_space<hbm>>
        %dma_wait3A_427 = arith.constant 0 : i32
        %dma_wait3A_428 = tpu.memref_slice %arg4[%add3A, %scan3A_407, %dma_wait3A_427] : memref<32x80x128xi32, #tpu.memory_space<hbm>> -> memref<1x1x128xi32, #tpu.memory_space<hbm>>
        %dma_wait3A_429 = tpu.memref_squeeze %dma_wait3A_428 : memref<1x1x128xi32, #tpu.memory_space<hbm>> -> memref<128xi32, #tpu.memory_space<hbm>>
        tpu.wait_dma2 semaphore(%run_scoped3A : memref<!tpu.dma_semaphore, #tpu.memory_space<semaphore_mem>>) src(%dma_wait3A_429 : memref<128xi32, #tpu.memory_space<hbm>>) dst(%arg8 : memref<128xi32, #tpu.memory_space<vmem>>)
        tpu.yield
      }) : () -> ()
      "tpu.region"() ({
        %run_scoped3A = tpu.sem_alloc : memref<!tpu.dma_semaphore, #tpu.memory_space<semaphore_mem>>
        %dma_start3A_418 = arith.constant 0 : i32
        %dma_start3A_419 = tpu.memref_slice %arg5[%add3A, %scan3A_407, %dma_start3A_418] : memref<32x80x128xi32, #tpu.memory_space<hbm>> -> memref<1x1x128xi32, #tpu.memory_space<hbm>>
        %dma_start3A_420 = tpu.memref_squeeze %dma_start3A_419 : memref<1x1x128xi32, #tpu.memory_space<hbm>> -> memref<128xi32, #tpu.memory_space<hbm>>
        %dma_start3A_421 = arith.constant 0 : i32
        %dma_start3A_422 = tpu.memref_slice %arg5[%add3A, %scan3A_407, %dma_start3A_421] : memref<32x80x128xi32, #tpu.memory_space<hbm>> -> memref<1x1x128xi32, #tpu.memory_space<hbm>>
        %dma_start3A_423 = tpu.memref_squeeze %dma_start3A_422 : memref<1x1x128xi32, #tpu.memory_space<hbm>> -> memref<128xi32, #tpu.memory_space<hbm>>
        tpu.enqueue_dma source(%dma_start3A_423 : memref<128xi32, #tpu.memory_space<hbm>>) target(%arg9 : memref<128xi32, #tpu.memory_space<vmem>>) target_semaphore(%run_scoped3A : memref<!tpu.dma_semaphore, #tpu.memory_space<semaphore_mem>>)
        %dma_wait3A_424 = arith.constant 0 : i32
        %dma_wait3A_425 = tpu.memref_slice %arg5[%add3A, %scan3A_407, %dma_wait3A_424] : memref<32x80x128xi32, #tpu.memory_space<hbm>> -> memref<1x1x128xi32, #tpu.memory_space<hbm>>
        %dma_wait3A_426 = tpu.memref_squeeze %dma_wait3A_425 : memref<1x1x128xi32, #tpu.memory_space<hbm>> -> memref<128xi32, #tpu.memory_space<hbm>>
        %dma_wait3A_427 = arith.constant 0 : i32
        %dma_wait3A_428 = tpu.memref_slice %arg5[%add3A, %scan3A_407, %dma_wait3A_427] : memref<32x80x128xi32, #tpu.memory_space<hbm>> -> memref<1x1x128xi32, #tpu.memory_space<hbm>>
        %dma_wait3A_429 = tpu.memref_squeeze %dma_wait3A_428 : memref<1x1x128xi32, #tpu.memory_space<hbm>> -> memref<128xi32, #tpu.memory_space<hbm>>
        tpu.wait_dma2 semaphore(%run_scoped3A : memref<!tpu.dma_semaphore, #tpu.memory_space<semaphore_mem>>) src(%dma_wait3A_429 : memref<128xi32, #tpu.memory_space<hbm>>) dst(%arg9 : memref<128xi32, #tpu.memory_space<vmem>>)
        tpu.yield
      }) : () -> ()
      %dma_start3A = arith.constant 0 : i32
      %dma_start3A_408 = arith.constant 0 : i32
      %dma_start3A_409 = tpu.memref_slice %arg2[%dma_start3A, %dma_start3A_408] : memref<10240x128xf32, #tpu.memory_space<hbm>> -> memref<10240x128xf32, #tpu.memory_space<hbm>>
      tpu.enqueue_indirect_dma source(%dma_start3A_409 : memref<10240x128xf32, #tpu.memory_space<hbm>>) target(%arg10 : memref<128x128xf32, #tpu.memory_space<vmem>>) offsets(%arg7 : memref<128xi32, #tpu.memory_space<vmem>>) semaphore(%arg15 : memref<!tpu.dma_semaphore, #tpu.memory_space<semaphore_mem>>)
      %dma_wait3A = arith.constant 0 : i32
      %dma_wait3A_410 = arith.constant 0 : i32
      %dma_wait3A_411 = tpu.memref_slice %arg2[%dma_wait3A, %dma_wait3A_410] : memref<10240x128xf32, #tpu.memory_space<hbm>> -> memref<10240x128xf32, #tpu.memory_space<hbm>>
      tpu.wait_indirect_dma semaphore(%arg15 : memref<!tpu.dma_semaphore, #tpu.memory_space<semaphore_mem>>) src(%dma_wait3A_411 : memref<10240x128xf32, #tpu.memory_space<hbm>>) dst(%arg10 : memref<128x128xf32, #tpu.memory_space<vmem>>)
      %scan3A_412 = arith.constant 0 : i32
      %scan3A_413 = arith.constant 0 : i32
      %scan3A_414 = arith.constant 128 : i32
      %scan3A_415 = arith.addi %scan3A_413, %scan3A_414 : i32
      %scan3A_416 = arith.constant 1 : i32
      scf.for %scan3A_418 = %scan3A_413 to %scan3A_415 step %scan3A_416  : i32 {
        %get3A = arith.index_cast %scan3A_418 : i32 to index
        %get3A_419 = arith.constant 0 : index
        %get3A_420 = tpu.vector_load %arg10[%get3A, %get3A_419] {strides = array<i32>} : memref<128x128xf32, #tpu.memory_space<vmem>>, vector<1x16xf32>,
        %get3A_421 = vector.shape_cast %get3A_420 : vector<1x16xf32> to vector<16xf32>
        %swap3A_422 = arith.index_cast %scan3A_418 : i32 to index
        %swap3A_423 = arith.constant 0 : index
        %swap3A_424 = tpu.vector_load %arg11[%swap3A_422, %swap3A_423] {strides = array<i32>} : memref<128x128xf32, #tpu.memory_space<vmem>>, vector<1x16xf32>,
        %swap3A_425 = vector.shape_cast %swap3A_424 : vector<1x16xf32> to vector<16xf32>
        %swap3A_426 = vector.shape_cast %get3A_421 : vector<16xf32> to vector<1x16xf32>
        tpu.vector_store %arg11[%swap3A_422, %swap3A_423], %swap3A_426 {strides = array<i32>} : memref<128x128xf32, #tpu.memory_space<vmem>>, vector<1x16xf32>,
        %swap3A_427 = arith.index_cast %scan3A_418 : i32 to index
        %swap3A_428 = arith.constant 64 : index
        %swap3A_429 = tpu.vector_load %arg12[%swap3A_427, %swap3A_428] {strides = array<i32>} : memref<128x128xf32, #tpu.memory_space<vmem>>, vector<1x16xf32>,
        %swap3A_430 = vector.shape_cast %swap3A_429 : vector<1x16xf32> to vector<16xf32>
        %swap3A_431 = vector.shape_cast %get3A_421 : vector<16xf32> to vector<1x16xf32>
        tpu.vector_store %arg12[%swap3A_427, %swap3A_428], %swap3A_431 {strides = array<i32>} : memref<128x128xf32, #tpu.memory_space<vmem>>, vector<1x16xf32>,
        %get3A_432 = arith.index_cast %scan3A_418 : i32 to index
        %get3A_433 = arith.constant 16 : index
        %get3A_434 = tpu.vector_load %arg10[%get3A_432, %get3A_433] {strides = array<i32>} : memref<128x128xf32, #tpu.memory_space<vmem>>, vector<1x16xf32>,
        %get3A_435 = vector.shape_cast %get3A_434 : vector<1x16xf32> to vector<16xf32>
        %swap3A_436 = arith.index_cast %scan3A_418 : i32 to index
        %swap3A_437 = arith.constant 16 : index
        %swap3A_438 = tpu.vector_load %arg11[%swap3A_436, %swap3A_437] {strides = array<i32>} : memref<128x128xf32, #tpu.memory_space<vmem>>, vector<1x16xf32>,
        %swap3A_439 = vector.shape_cast %swap3A_438 : vector<1x16xf32> to vector<16xf32>
        %swap3A_440 = vector.shape_cast %get3A_435 : vector<16xf32> to vector<1x16xf32>
        tpu.vector_store %arg11[%swap3A_436, %swap3A_437], %swap3A_440 {strides = array<i32>} : memref<128x128xf32, #tpu.memory_space<vmem>>, vector<1x16xf32>,
        %swap3A_441 = arith.index_cast %scan3A_418 : i32 to index
        %swap3A_442 = arith.constant 80 : index
        %swap3A_443 = tpu.vector_load %arg12[%swap3A_441, %swap3A_442] {strides = array<i32>} : memref<128x128xf32, #tpu.memory_space<vmem>>, vector<1x16xf32>,
        %swap3A_444 = vector.shape_cast %swap3A_443 : vector<1x16xf32> to vector<16xf32>
        %swap3A_445 = vector.shape_cast %get3A_435 : vector<16xf32> to vector<1x16xf32>
        tpu.vector_store %arg12[%swap3A_441, %swap3A_442], %swap3A_445 {strides = array<i32>} : memref<128x128xf32, #tpu.memory_space<vmem>>, vector<1x16xf32>,
        %get3A_446 = arith.index_cast %scan3A_418 : i32 to index
        %get3A_447 = arith.constant 32 : index
        %get3A_448 = tpu.vector_load %arg10[%get3A_446, %get3A_447] {strides = array<i32>} : memref<128x128xf32, #tpu.memory_space<vmem>>, vector<1x16xf32>,
        %get3A_449 = vector.shape_cast %get3A_448 : vector<1x16xf32> to vector<16xf32>
        %swap3A_450 = arith.index_cast %scan3A_418 : i32 to index
        %swap3A_451 = arith.constant 32 : index
        %swap3A_452 = tpu.vector_load %arg11[%swap3A_450, %swap3A_451] {strides = array<i32>} : memref<128x128xf32, #tpu.memory_space<vmem>>, vector<1x16xf32>,
        %swap3A_453 = vector.shape_cast %swap3A_452 : vector<1x16xf32> to vector<16xf32>
        %swap3A_454 = vector.shape_cast %get3A_449 : vector<16xf32> to vector<1x16xf32>
        tpu.vector_store %arg11[%swap3A_450, %swap3A_451], %swap3A_454 {strides = array<i32>} : memref<128x128xf32, #tpu.memory_space<vmem>>, vector<1x16xf32>,
        %swap3A_455 = arith.index_cast %scan3A_418 : i32 to index
        %swap3A_456 = arith.constant 96 : index
        %swap3A_457 = tpu.vector_load %arg12[%swap3A_455, %swap3A_456] {strides = array<i32>} : memref<128x128xf32, #tpu.memory_space<vmem>>, vector<1x16xf32>,
        %swap3A_458 = vector.shape_cast %swap3A_457 : vector<1x16xf32> to vector<16xf32>
        %swap3A_459 = vector.shape_cast %get3A_449 : vector<16xf32> to vector<1x16xf32>
        tpu.vector_store %arg12[%swap3A_455, %swap3A_456], %swap3A_459 {strides = array<i32>} : memref<128x128xf32, #tpu.memory_space<vmem>>, vector<1x16xf32>,
        %get3A_460 = arith.index_cast %scan3A_418 : i32 to index
        %get3A_461 = arith.constant 48 : index
        %get3A_462 = tpu.vector_load %arg10[%get3A_460, %get3A_461] {strides = array<i32>} : memref<128x128xf32, #tpu.memory_space<vmem>>, vector<1x16xf32>,
        %get3A_463 = vector.shape_cast %get3A_462 : vector<1x16xf32> to vector<16xf32>
        %swap3A_464 = arith.index_cast %scan3A_418 : i32 to index
        %swap3A_465 = arith.constant 48 : index
        %swap3A_466 = tpu.vector_load %arg11[%swap3A_464, %swap3A_465] {strides = array<i32>} : memref<128x128xf32, #tpu.memory_space<vmem>>, vector<1x16xf32>,
        %swap3A_467 = vector.shape_cast %swap3A_466 : vector<1x16xf32> to vector<16xf32>
        %swap3A_468 = vector.shape_cast %get3A_463 : vector<16xf32> to vector<1x16xf32>
        tpu.vector_store %arg11[%swap3A_464, %swap3A_465], %swap3A_468 {strides = array<i32>} : memref<128x128xf32, #tpu.memory_space<vmem>>, vector<1x16xf32>,
        %swap3A_469 = arith.index_cast %scan3A_418 : i32 to index
        %swap3A_470 = arith.constant 112 : index
        %swap3A_471 = tpu.vector_load %arg12[%swap3A_469, %swap3A_470] {strides = array<i32>} : memref<128x128xf32, #tpu.memory_space<vmem>>, vector<1x16xf32>,
        %swap3A_472 = vector.shape_cast %swap3A_471 : vector<1x16xf32> to vector<16xf32>
        %swap3A_473 = vector.shape_cast %get3A_463 : vector<16xf32> to vector<1x16xf32>
        tpu.vector_store %arg12[%swap3A_469, %swap3A_470], %swap3A_473 {strides = array<i32>} : memref<128x128xf32, #tpu.memory_space<vmem>>, vector<1x16xf32>,
      }
      %scan3A_417 = arith.constant 128 : i32
      "tpu.region"() ({
        %run_scoped3A = tpu.sem_alloc : memref<!tpu.dma_semaphore, #tpu.memory_space<semaphore_mem>>
        %dma_start3A_418 = arith.constant 0 : i32
        %dma_start3A_419 = arith.constant 0 : i32
        %dma_start3A_420 = tpu.memref_slice %arg14[%dma_start3A_418, %dma_start3A_419] : memref<5248x128xf32, #tpu.memory_space<vmem_shared>> -> memref<5248x128xf32, #tpu.memory_space<vmem_shared>>
        tpu.enqueue_indirect_dma source(%arg11 : memref<128x128xf32, #tpu.memory_space<vmem>>) target(%dma_start3A_420 : memref<5248x128xf32, #tpu.memory_space<vmem_shared>>) offsets(%arg8 : memref<128xi32, #tpu.memory_space<vmem>>) semaphore(%run_scoped3A : memref<!tpu.dma_semaphore, #tpu.memory_space<semaphore_mem>>) {add = true}
        %dma_wait3A_421 = arith.constant 0 : i32
        %dma_wait3A_422 = arith.constant 0 : i32
        %dma_wait3A_423 = tpu.memref_slice %arg14[%dma_wait3A_421, %dma_wait3A_422] : memref<5248x128xf32, #tpu.memory_space<vmem_shared>> -> memref<5248x128xf32, #tpu.memory_space<vmem_shared>>
        tpu.wait_indirect_dma semaphore(%run_scoped3A : memref<!tpu.dma_semaphore, #tpu.memory_space<semaphore_mem>>) src(%arg11 : memref<128x128xf32, #tpu.memory_space<vmem>>) dst(%dma_wait3A_423 : memref<5248x128xf32, #tpu.memory_space<vmem_shared>>)
        tpu.yield
      }) : () -> ()
      "tpu.region"() ({
        %run_scoped3A = tpu.sem_alloc : memref<!tpu.dma_semaphore, #tpu.memory_space<semaphore_mem>>
        %dma_start3A_418 = arith.constant 0 : i32
        %dma_start3A_419 = arith.constant 0 : i32
        %dma_start3A_420 = tpu.memref_slice %arg14[%dma_start3A_418, %dma_start3A_419] : memref<5248x128xf32, #tpu.memory_space<vmem_shared>> -> memref<5248x128xf32, #tpu.memory_space<vmem_shared>>
        tpu.enqueue_indirect_dma source(%arg12 : memref<128x128xf32, #tpu.memory_space<vmem>>) target(%dma_start3A_420 : memref<5248x128xf32, #tpu.memory_space<vmem_shared>>) offsets(%arg9 : memref<128xi32, #tpu.memory_space<vmem>>) semaphore(%run_scoped3A : memref<!tpu.dma_semaphore, #tpu.memory_space<semaphore_mem>>) {add = true}
        %dma_wait3A_421 = arith.constant 0 : i32
        %dma_wait3A_422 = arith.constant 0 : i32
        %dma_wait3A_423 = tpu.memref_slice %arg14[%dma_wait3A_421, %dma_wait3A_422] : memref<5248x128xf32, #tpu.memory_space<vmem_shared>> -> memref<5248x128xf32, #tpu.memory_space<vmem_shared>>
        tpu.wait_indirect_dma semaphore(%run_scoped3A : memref<!tpu.dma_semaphore, #tpu.memory_space<semaphore_mem>>) src(%arg12 : memref<128x128xf32, #tpu.memory_space<vmem>>) dst(%dma_wait3A_423 : memref<5248x128xf32, #tpu.memory_space<vmem_shared>>)
        tpu.yield
      }) : () -> ()
    }
    %scan3A_401 = arith.constant 80 : i32
    %barrier3A_402 = arith.constant 0 : index
    tpu.barrier barrier_id(%barrier3A_402)
    %mul3A_403 = arith.constant 328 : i32
    %mul3A_404 = arith.muli %arg1, %mul3A_403 : i32
    %mul3A_405 = arith.constant 328 : i32
    %mul3A_406 = arith.muli %arg1, %mul3A_405 : i32
    "tpu.region"() ({
      %run_scoped3A = tpu.sem_alloc : memref<!tpu.dma_semaphore, #tpu.memory_space<semaphore_mem>>
      %dma_start3A = arith.constant 0 : i32
      %dma_start3A_407 = tpu.memref_slice %arg6[%arg0, %mul3A_406, %dma_start3A] : memref<2x5248x128xf32, #tpu.memory_space<hbm>> -> memref<1x328x128xf32, #tpu.memory_space<hbm>>
      %dma_start3A_408 = tpu.memref_squeeze %dma_start3A_407 : memref<1x328x128xf32, #tpu.memory_space<hbm>> -> memref<328x128xf32, #tpu.memory_space<hbm>>
      %dma_start3A_409 = arith.constant 0 : i32
      %dma_start3A_410 = tpu.memref_slice %arg14[%mul3A_404, %dma_start3A_409] : memref<5248x128xf32, #tpu.memory_space<vmem_shared>> -> memref<328x128xf32, #tpu.memory_space<vmem_shared>>
      tpu.enqueue_dma source(%dma_start3A_410 : memref<328x128xf32, #tpu.memory_space<vmem_shared>>) target(%dma_start3A_408 : memref<328x128xf32, #tpu.memory_space<hbm>>) target_semaphore(%run_scoped3A : memref<!tpu.dma_semaphore, #tpu.memory_space<semaphore_mem>>)
      %dma_wait3A = arith.constant 0 : i32
      %dma_wait3A_411 = tpu.memref_slice %arg6[%arg0, %mul3A_406, %dma_wait3A] : memref<2x5248x128xf32, #tpu.memory_space<hbm>> -> memref<1x328x128xf32, #tpu.memory_space<hbm>>
      %dma_wait3A_412 = tpu.memref_squeeze %dma_wait3A_411 : memref<1x328x128xf32, #tpu.memory_space<hbm>> -> memref<328x128xf32, #tpu.memory_space<hbm>>
      %dma_wait3A_413 = arith.constant 0 : i32
      %dma_wait3A_414 = tpu.memref_slice %arg14[%mul3A_404, %dma_wait3A_413] : memref<5248x128xf32, #tpu.memory_space<vmem_shared>> -> memref<328x128xf32, #tpu.memory_space<vmem_shared>>
      tpu.wait_dma2 semaphore(%run_scoped3A : memref<!tpu.dma_semaphore, #tpu.memory_space<semaphore_mem>>) src(%dma_wait3A_414 : memref<328x128xf32, #tpu.memory_space<vmem_shared>>) dst(%dma_wait3A_412 : memref<328x128xf32, #tpu.memory_space<hbm>>)
      tpu.yield
    }) : () -> ()
    return
  }
}

#map = affine_map<(d0, d1) -> (0, 0)>
#map1 = affine_map<(d0, d1) -> (0, 0, 0)>
module attributes {stable_mosaic.version = 14 : i64} {
  func.func @k(%arg0: i32, %arg1: i32, %arg2: memref<10240x128xf32, #tpu.memory_space<hbm>>, %arg3: memref<32x80x128xi32, #tpu.memory_space<hbm>>, %arg4: memref<32x80x128xi32, #tpu.memory_space<hbm>>, %arg5: memref<32x80x128xi32, #tpu.memory_space<hbm>>, %arg6: memref<2x5248x128xf32, #tpu.memory_space<hbm>>, %arg7: memref<128xi32, #tpu.memory_space<vmem>>, %arg8: memref<128xi32, #tpu.memory_space<vmem>>, %arg9: memref<128xi32, #tpu.memory_space<vmem>>, %arg10: memref<128x128xf32, #tpu.memory_space<vmem>>, %arg11: memref<128x128xf32, #tpu.memory_space<vmem>>, %arg12: memref<128x128xf32, #tpu.memory_space<vmem>>, %arg13: memref<8x128xf32, #tpu.memory_space<vmem>>, %arg14: memref<5248x128xf32, #tpu.memory_space<vmem_shared>>, %arg15: memref<!tpu.dma_semaphore, #tpu.memory_space<semaphore_mem>>) attributes {dimension_semantics = [#tpu.dimension_semantics<core_parallel>, #tpu.dimension_semantics<subcore_parallel>], iteration_bounds = array<i64: 2, 16>, scalar_prefetch = 0 : i64, scratch_operands = 9 : i64, tpu.core_type = #tpu.core_type<sc_vector_subcore>, window_params = [{transform_indices = #map}, {transform_indices = #map1}, {transform_indices = #map1}, {transform_indices = #map1}, {transform_indices = #map1}]} {
    %mul3A = arith.constant 16 : i32
    %mul3A_0 = arith.muli %arg0, %mul3A : i32
    %add3A = arith.addi %mul3A_0, %arg1 : i32
    %broadcast_in_dim3A = arith.constant 0.000000e+00 : f32
    %broadcast_in_dim3A_1 = vector.broadcast %broadcast_in_dim3A : f32 to vector<16xf32>
    %scan3A = arith.constant 0 : i32
    %scan3A_2 = arith.constant 0 : i32
    %scan3A_3 = arith.constant 128 : i32
    %scan3A_4 = arith.addi %scan3A_2, %scan3A_3 : i32
    %scan3A_5 = arith.constant 1 : i32
    scf.for %scan3A_407 = %scan3A_2 to %scan3A_4 step %scan3A_5  : i32 {
      %swap3A_408 = arith.index_cast %scan3A_407 : i32 to index
      %swap3A_409 = arith.constant 0 : index
      %swap3A_410 = tpu.vector_load %arg11[%swap3A_408, %swap3A_409] {strides = array<i32>} : memref<128x128xf32, #tpu.memory_space<vmem>>, vector<1x16xf32>,
      %swap3A_411 = vector.shape_cast %swap3A_410 : vector<1x16xf32> to vector<16xf32>
      %swap3A_412 = vector.shape_cast %broadcast_in_dim3A_1 : vector<16xf32> to vector<1x16xf32>
      tpu.vector_store %arg11[%swap3A_408, %swap3A_409], %swap3A_412 {strides = array<i32>} : memref<128x128xf32, #tpu.memory_space<vmem>>, vector<1x16xf32>,
      %swap3A_413 = arith.index_cast %scan3A_407 : i32 to index
      %swap3A_414 = arith.constant 0 : index
      %swap3A_415 = tpu.vector_load %arg12[%swap3A_413, %swap3A_414] {strides = array<i32>} : memref<128x128xf32, #tpu.memory_space<vmem>>, vector<1x16xf32>,
      %swap3A_416 = vector.shape_cast %swap3A_415 : vector<1x16xf32> to vector<16xf32>
      %swap3A_417 = vector.shape_cast %broadcast_in_dim3A_1 : vector<16xf32> to vector<1x16xf32>
      tpu.vector_store %arg12[%swap3A_413, %swap3A_414], %swap3A_417 {strides = array<i32>} : memref<128x128xf32, #tpu.memory_space<vmem>>, vector<1x16xf32>,
      %swap3A_418 = arith.index_cast %scan3A_407 : i32 to index
      %swap3A_419 = arith.constant 16 : index
      %swap3A_420 = tpu.vector_load %arg11[%swap3A_418, %swap3A_419] {strides = array<i32>} : memref<128x128xf32, #tpu.memory_space<vmem>>, vector<1x16xf32>,
      %swap3A_421 = vector.shape_cast %swap3A_420 : vector<1x16xf32> to vector<16xf32>
      %swap3A_422 = vector.shape_cast %broadcast_in_dim3A_1 : vector<16xf32> to vector<1x16xf32>
      tpu.vector_store %arg11[%swap3A_418, %swap3A_419], %swap3A_422 {strides = array<i32>} : memref<128x128xf32, #tpu.memory_space<vmem>>, vector<1x16xf32>,
      %swap3A_423 = arith.index_cast %scan3A_407 : i32 to index
      %swap3A_424 = arith.constant 16 : index
      %swap3A_425 = tpu.vector_load %arg12[%swap3A_423, %swap3A_424] {strides = array<i32>} : memref<128x128xf32, #tpu.memory_space<vmem>>, vector<1x16xf32>,
      %swap3A_426 = vector.shape_cast %swap3A_425 : vector<1x16xf32> to vector<16xf32>
      %swap3A_427 = vector.shape_cast %broadcast_in_dim3A_1 : vector<16xf32> to vector<1x16xf32>
      tpu.vector_store %arg12[%swap3A_423, %swap3A_424], %swap3A_427 {strides = array<i32>} : memref<128x128xf32, #tpu.memory_space<vmem>>, vector<1x16xf32>,
      %swap3A_428 = arith.index_cast %scan3A_407 : i32 to index
      %swap3A_429 = arith.constant 32 : index
      %swap3A_430 = tpu.vector_load %arg11[%swap3A_428, %swap3A_429] {strides = array<i32>} : memref<128x128xf32, #tpu.memory_space<vmem>>, vector<1x16xf32>,
      %swap3A_431 = vector.shape_cast %swap3A_430 : vector<1x16xf32> to vector<16xf32>
      %swap3A_432 = vector.shape_cast %broadcast_in_dim3A_1 : vector<16xf32> to vector<1x16xf32>
      tpu.vector_store %arg11[%swap3A_428, %swap3A_429], %swap3A_432 {strides = array<i32>} : memref<128x128xf32, #tpu.memory_space<vmem>>, vector<1x16xf32>,
      %swap3A_433 = arith.index_cast %scan3A_407 : i32 to index
      %swap3A_434 = arith.constant 32 : index
      %swap3A_435 = tpu.vector_load %arg12[%swap3A_433, %swap3A_434] {strides = array<i32>} : memref<128x128xf32, #tpu.memory_space<vmem>>, vector<1x16xf32>,
      %swap3A_436 = vector.shape_cast %swap3A_435 : vector<1x16xf32> to vector<16xf32>
      %swap3A_437 = vector.shape_cast %broadcast_in_dim3A_1 : vector<16xf32> to vector<1x16xf32>
      tpu.vector_store %arg12[%swap3A_433, %swap3A_434], %swap3A_437 {strides = array<i32>} : memref<128x128xf32, #tpu.memory_space<vmem>>, vector<1x16xf32>,
      %swap3A_438 = arith.index_cast %scan3A_407 : i32 to index
      %swap3A_439 = arith.constant 48 : index
      %swap3A_440 = tpu.vector_load %arg11[%swap3A_438, %swap3A_439] {strides = array<i32>} : memref<128x128xf32, #tpu.memory_space<vmem>>, vector<1x16xf32>,
      %swap3A_441 = vector.shape_cast %swap3A_440 : vector<1x16xf32> to vector<16xf32>
      %swap3A_442 = vector.shape_cast %broadcast_in_dim3A_1 : vector<16xf32> to vector<1x16xf32>
      tpu.vector_store %arg11[%swap3A_438, %swap3A_439], %swap3A_442 {strides = array<i32>} : memref<128x128xf32, #tpu.memory_space<vmem>>, vector<1x16xf32>,
      %swap3A_443 = arith.index_cast %scan3A_407 : i32 to index
      %swap3A_444 = arith.constant 48 : index
      %swap3A_445 = tpu.vector_load %arg12[%swap3A_443, %swap3A_444] {strides = array<i32>} : memref<128x128xf32, #tpu.memory_space<vmem>>, vector<1x16xf32>,
      %swap3A_446 = vector.shape_cast %swap3A_445 : vector<1x16xf32> to vector<16xf32>
      %swap3A_447 = vector.shape_cast %broadcast_in_dim3A_1 : vector<16xf32> to vector<1x16xf32>
      tpu.vector_store %arg12[%swap3A_443, %swap3A_444], %swap3A_447 {strides = array<i32>} : memref<128x128xf32, #tpu.memory_space<vmem>>, vector<1x16xf32>,
      %swap3A_448 = arith.index_cast %scan3A_407 : i32 to index
      %swap3A_449 = arith.constant 64 : index
      %swap3A_450 = tpu.vector_load %arg11[%swap3A_448, %swap3A_449] {strides = array<i32>} : memref<128x128xf32, #tpu.memory_space<vmem>>, vector<1x16xf32>,
      %swap3A_451 = vector.shape_cast %swap3A_450 : vector<1x16xf32> to vector<16xf32>
      %swap3A_452 = vector.shape_cast %broadcast_in_dim3A_1 : vector<16xf32> to vector<1x16xf32>
      tpu.vector_store %arg11[%swap3A_448, %swap3A_449], %swap3A_452 {strides = array<i32>} : memref<128x128xf32, #tpu.memory_space<vmem>>, vector<1x16xf32>,
      %swap3A_453 = arith.index_cast %scan3A_407 : i32 to index
      %swap3A_454 = arith.constant 64 : index
      %swap3A_455 = tpu.vector_load %arg12[%swap3A_453, %swap3A_454] {strides = array<i32>} : memref<128x128xf32, #tpu.memory_space<vmem>>, vector<1x16xf32>,
      %swap3A_456 = vector.shape_cast %swap3A_455 : vector<1x16xf32> to vector<16xf32>
      %swap3A_457 = vector.shape_cast %broadcast_in_dim3A_1 : vector<16xf32> to vector<1x16xf32>
      tpu.vector_store %arg12[%swap3A_453, %swap3A_454], %swap3A_457 {strides = array<i32>} : memref<128x128xf32, #tpu.memory_space<vmem>>, vector<1x16xf32>,
      %swap3A_458 = arith.index_cast %scan3A_407 : i32 to index
      %swap3A_459 = arith.constant 80 : index
      %swap3A_460 = tpu.vector_load %arg11[%swap3A_458, %swap3A_459] {strides = array<i32>} : memref<128x128xf32, #tpu.memory_space<vmem>>, vector<1x16xf32>,
      %swap3A_461 = vector.shape_cast %swap3A_460 : vector<1x16xf32> to vector<16xf32>
      %swap3A_462 = vector.shape_cast %broadcast_in_dim3A_1 : vector<16xf32> to vector<1x16xf32>
      tpu.vector_store %arg11[%swap3A_458, %swap3A_459], %swap3A_462 {strides = array<i32>} : memref<128x128xf32, #tpu.memory_space<vmem>>, vector<1x16xf32>,
      %swap3A_463 = arith.index_cast %scan3A_407 : i32 to index
      %swap3A_464 = arith.constant 80 : index
      %swap3A_465 = tpu.vector_load %arg12[%swap3A_463, %swap3A_464] {strides = array<i32>} : memref<128x128xf32, #tpu.memory_space<vmem>>, vector<1x16xf32>,
      %swap3A_466 = vector.shape_cast %swap3A_465 : vector<1x16xf32> to vector<16xf32>
      %swap3A_467 = vector.shape_cast %broadcast_in_dim3A_1 : vector<16xf32> to vector<1x16xf32>
      tpu.vector_store %arg12[%swap3A_463, %swap3A_464], %swap3A_467 {strides = array<i32>} : memref<128x128xf32, #tpu.memory_space<vmem>>, vector<1x16xf32>,
      %swap3A_468 = arith.index_cast %scan3A_407 : i32 to index
      %swap3A_469 = arith.constant 96 : index
      %swap3A_470 = tpu.vector_load %arg11[%swap3A_468, %swap3A_469] {strides = array<i32>} : memref<128x128xf32, #tpu.memory_space<vmem>>, vector<1x16xf32>,
      %swap3A_471 = vector.shape_cast %swap3A_470 : vector<1x16xf32> to vector<16xf32>
      %swap3A_472 = vector.shape_cast %broadcast_in_dim3A_1 : vector<16xf32> to vector<1x16xf32>
      tpu.vector_store %arg11[%swap3A_468, %swap3A_469], %swap3A_472 {strides = array<i32>} : memref<128x128xf32, #tpu.memory_space<vmem>>, vector<1x16xf32>,
      %swap3A_473 = arith.index_cast %scan3A_407 : i32 to index
      %swap3A_474 = arith.constant 96 : index
      %swap3A_475 = tpu.vector_load %arg12[%swap3A_473, %swap3A_474] {strides = array<i32>} : memref<128x128xf32, #tpu.memory_space<vmem>>, vector<1x16xf32>,
      %swap3A_476 = vector.shape_cast %swap3A_475 : vector<1x16xf32> to vector<16xf32>
      %swap3A_477 = vector.shape_cast %broadcast_in_dim3A_1 : vector<16xf32> to vector<1x16xf32>
      tpu.vector_store %arg12[%swap3A_473, %swap3A_474], %swap3A_477 {strides = array<i32>} : memref<128x128xf32, #tpu.memory_space<vmem>>, vector<1x16xf32>,
      %swap3A_478 = arith.index_cast %scan3A_407 : i32 to index
      %swap3A_479 = arith.constant 112 : index
      %swap3A_480 = tpu.vector_load %arg11[%swap3A_478, %swap3A_479] {strides = array<i32>} : memref<128x128xf32, #tpu.memory_space<vmem>>, vector<1x16xf32>,
      %swap3A_481 = vector.shape_cast %swap3A_480 : vector<1x16xf32> to vector<16xf32>
      %swap3A_482 = vector.shape_cast %broadcast_in_dim3A_1 : vector<16xf32> to vector<1x16xf32>
      tpu.vector_store %arg11[%swap3A_478, %swap3A_479], %swap3A_482 {strides = array<i32>} : memref<128x128xf32, #tpu.memory_space<vmem>>, vector<1x16xf32>,
      %swap3A_483 = arith.index_cast %scan3A_407 : i32 to index
      %swap3A_484 = arith.constant 112 : index
      %swap3A_485 = tpu.vector_load %arg12[%swap3A_483, %swap3A_484] {strides = array<i32>} : memref<128x128xf32, #tpu.memory_space<vmem>>, vector<1x16xf32>,
      %swap3A_486 = vector.shape_cast %swap3A_485 : vector<1x16xf32> to vector<16xf32>
      %swap3A_487 = vector.shape_cast %broadcast_in_dim3A_1 : vector<16xf32> to vector<1x16xf32>
      tpu.vector_store %arg12[%swap3A_483, %swap3A_484], %swap3A_487 {strides = array<i32>} : memref<128x128xf32, #tpu.memory_space<vmem>>, vector<1x16xf32>,
    }
    %scan3A_6 = arith.constant 128 : i32
    %swap3A = arith.constant 0 : i32
    %swap3A_7 = arith.index_cast %swap3A : i32 to index
    %swap3A_8 = arith.constant 0 : index
    %swap3A_9 = tpu.vector_load %arg13[%swap3A_7, %swap3A_8] {strides = array<i32>} : memref<8x128xf32, #tpu.memory_space<vmem>>, vector<1x16xf32>,
    %swap3A_10 = vector.shape_cast %swap3A_9 : vector<1x16xf32> to vector<16xf32>
    %swap3A_11 = vector.shape_cast %broadcast_in_dim3A_1 : vector<16xf32> to vector<1x16xf32>
    tpu.vector_store %arg13[%swap3A_7, %swap3A_8], %swap3A_11 {strides = array<i32>} : memref<8x128xf32, #tpu.memory_space<vmem>>, vector<1x16xf32>,
    %swap3A_12 = arith.constant 0 : i32
    %swap3A_13 = arith.index_cast %swap3A_12 : i32 to index
    %swap3A_14 = arith.constant 16 : index
    %swap3A_15 = tpu.vector_load %arg13[%swap3A_13, %swap3A_14] {strides = array<i32>} : memref<8x128xf32, #tpu.memory_space<vmem>>, vector<1x16xf32>,
    %swap3A_16 = vector.shape_cast %swap3A_15 : vector<1x16xf32> to vector<16xf32>
    %swap3A_17 = vector.shape_cast %broadcast_in_dim3A_1 : vector<16xf32> to vector<1x16xf32>
    tpu.vector_store %arg13[%swap3A_13, %swap3A_14], %swap3A_17 {strides = array<i32>} : memref<8x128xf32, #tpu.memory_space<vmem>>, vector<1x16xf32>,
    %swap3A_18 = arith.constant 0 : i32
    %swap3A_19 = arith.index_cast %swap3A_18 : i32 to index
    %swap3A_20 = arith.constant 32 : index
    %swap3A_21 = tpu.vector_load %arg13[%swap3A_19, %swap3A_20] {strides = array<i32>} : memref<8x128xf32, #tpu.memory_space<vmem>>, vector<1x16xf32>,
    %swap3A_22 = vector.shape_cast %swap3A_21 : vector<1x16xf32> to vector<16xf32>
    %swap3A_23 = vector.shape_cast %broadcast_in_dim3A_1 : vector<16xf32> to vector<1x16xf32>
    tpu.vector_store %arg13[%swap3A_19, %swap3A_20], %swap3A_23 {strides = array<i32>} : memref<8x128xf32, #tpu.memory_space<vmem>>, vector<1x16xf32>,
    %swap3A_24 = arith.constant 0 : i32
    %swap3A_25 = arith.index_cast %swap3A_24 : i32 to index
    %swap3A_26 = arith.constant 48 : index
    %swap3A_27 = tpu.vector_load %arg13[%swap3A_25, %swap3A_26] {strides = array<i32>} : memref<8x128xf32, #tpu.memory_space<vmem>>, vector<1x16xf32>,
    %swap3A_28 = vector.shape_cast %swap3A_27 : vector<1x16xf32> to vector<16xf32>
    %swap3A_29 = vector.shape_cast %broadcast_in_dim3A_1 : vector<16xf32> to vector<1x16xf32>
    tpu.vector_store %arg13[%swap3A_25, %swap3A_26], %swap3A_29 {strides = array<i32>} : memref<8x128xf32, #tpu.memory_space<vmem>>, vector<1x16xf32>,
    %swap3A_30 = arith.constant 0 : i32
    %swap3A_31 = arith.index_cast %swap3A_30 : i32 to index
    %swap3A_32 = arith.constant 64 : index
    %swap3A_33 = tpu.vector_load %arg13[%swap3A_31, %swap3A_32] {strides = array<i32>} : memref<8x128xf32, #tpu.memory_space<vmem>>, vector<1x16xf32>,
    %swap3A_34 = vector.shape_cast %swap3A_33 : vector<1x16xf32> to vector<16xf32>
    %swap3A_35 = vector.shape_cast %broadcast_in_dim3A_1 : vector<16xf32> to vector<1x16xf32>
    tpu.vector_store %arg13[%swap3A_31, %swap3A_32], %swap3A_35 {strides = array<i32>} : memref<8x128xf32, #tpu.memory_space<vmem>>, vector<1x16xf32>,
    %swap3A_36 = arith.constant 0 : i32
    %swap3A_37 = arith.index_cast %swap3A_36 : i32 to index
    %swap3A_38 = arith.constant 80 : index
    %swap3A_39 = tpu.vector_load %arg13[%swap3A_37, %swap3A_38] {strides = array<i32>} : memref<8x128xf32, #tpu.memory_space<vmem>>, vector<1x16xf32>,
    %swap3A_40 = vector.shape_cast %swap3A_39 : vector<1x16xf32> to vector<16xf32>
    %swap3A_41 = vector.shape_cast %broadcast_in_dim3A_1 : vector<16xf32> to vector<1x16xf32>
    tpu.vector_store %arg13[%swap3A_37, %swap3A_38], %swap3A_41 {strides = array<i32>} : memref<8x128xf32, #tpu.memory_space<vmem>>, vector<1x16xf32>,
    %swap3A_42 = arith.constant 0 : i32
    %swap3A_43 = arith.index_cast %swap3A_42 : i32 to index
    %swap3A_44 = arith.constant 96 : index
    %swap3A_45 = tpu.vector_load %arg13[%swap3A_43, %swap3A_44] {strides = array<i32>} : memref<8x128xf32, #tpu.memory_space<vmem>>, vector<1x16xf32>,
    %swap3A_46 = vector.shape_cast %swap3A_45 : vector<1x16xf32> to vector<16xf32>
    %swap3A_47 = vector.shape_cast %broadcast_in_dim3A_1 : vector<16xf32> to vector<1x16xf32>
    tpu.vector_store %arg13[%swap3A_43, %swap3A_44], %swap3A_47 {strides = array<i32>} : memref<8x128xf32, #tpu.memory_space<vmem>>, vector<1x16xf32>,
    %swap3A_48 = arith.constant 0 : i32
    %swap3A_49 = arith.index_cast %swap3A_48 : i32 to index
    %swap3A_50 = arith.constant 112 : index
    %swap3A_51 = tpu.vector_load %arg13[%swap3A_49, %swap3A_50] {strides = array<i32>} : memref<8x128xf32, #tpu.memory_space<vmem>>, vector<1x16xf32>,
    %swap3A_52 = vector.shape_cast %swap3A_51 : vector<1x16xf32> to vector<16xf32>
    %swap3A_53 = vector.shape_cast %broadcast_in_dim3A_1 : vector<16xf32> to vector<1x16xf32>
    tpu.vector_store %arg13[%swap3A_49, %swap3A_50], %swap3A_53 {strides = array<i32>} : memref<8x128xf32, #tpu.memory_space<vmem>>, vector<1x16xf32>,
    %swap3A_54 = arith.constant 1 : i32
    %swap3A_55 = arith.index_cast %swap3A_54 : i32 to index
    %swap3A_56 = arith.constant 0 : index
    %swap3A_57 = tpu.vector_load %arg13[%swap3A_55, %swap3A_56] {strides = array<i32>} : memref<8x128xf32, #tpu.memory_space<vmem>>, vector<1x16xf32>,
    %swap3A_58 = vector.shape_cast %swap3A_57 : vector<1x16xf32> to vector<16xf32>
    %swap3A_59 = vector.shape_cast %broadcast_in_dim3A_1 : vector<16xf32> to vector<1x16xf32>
    tpu.vector_store %arg13[%swap3A_55, %swap3A_56], %swap3A_59 {strides = array<i32>} : memref<8x128xf32, #tpu.memory_space<vmem>>, vector<1x16xf32>,
    %swap3A_60 = arith.constant 1 : i32
    %swap3A_61 = arith.index_cast %swap3A_60 : i32 to index
    %swap3A_62 = arith.constant 16 : index
    %swap3A_63 = tpu.vector_load %arg13[%swap3A_61, %swap3A_62] {strides = array<i32>} : memref<8x128xf32, #tpu.memory_space<vmem>>, vector<1x16xf32>,
    %swap3A_64 = vector.shape_cast %swap3A_63 : vector<1x16xf32> to vector<16xf32>
    %swap3A_65 = vector.shape_cast %broadcast_in_dim3A_1 : vector<16xf32> to vector<1x16xf32>
    tpu.vector_store %arg13[%swap3A_61, %swap3A_62], %swap3A_65 {strides = array<i32>} : memref<8x128xf32, #tpu.memory_space<vmem>>, vector<1x16xf32>,
    %swap3A_66 = arith.constant 1 : i32
    %swap3A_67 = arith.index_cast %swap3A_66 : i32 to index
    %swap3A_68 = arith.constant 32 : index
    %swap3A_69 = tpu.vector_load %arg13[%swap3A_67, %swap3A_68] {strides = array<i32>} : memref<8x128xf32, #tpu.memory_space<vmem>>, vector<1x16xf32>,
    %swap3A_70 = vector.shape_cast %swap3A_69 : vector<1x16xf32> to vector<16xf32>
    %swap3A_71 = vector.shape_cast %broadcast_in_dim3A_1 : vector<16xf32> to vector<1x16xf32>
    tpu.vector_store %arg13[%swap3A_67, %swap3A_68], %swap3A_71 {strides = array<i32>} : memref<8x128xf32, #tpu.memory_space<vmem>>, vector<1x16xf32>,
    %swap3A_72 = arith.constant 1 : i32
    %swap3A_73 = arith.index_cast %swap3A_72 : i32 to index
    %swap3A_74 = arith.constant 48 : index
    %swap3A_75 = tpu.vector_load %arg13[%swap3A_73, %swap3A_74] {strides = array<i32>} : memref<8x128xf32, #tpu.memory_space<vmem>>, vector<1x16xf32>,
    %swap3A_76 = vector.shape_cast %swap3A_75 : vector<1x16xf32> to vector<16xf32>
    %swap3A_77 = vector.shape_cast %broadcast_in_dim3A_1 : vector<16xf32> to vector<1x16xf32>
    tpu.vector_store %arg13[%swap3A_73, %swap3A_74], %swap3A_77 {strides = array<i32>} : memref<8x128xf32, #tpu.memory_space<vmem>>, vector<1x16xf32>,
    %swap3A_78 = arith.constant 1 : i32
    %swap3A_79 = arith.index_cast %swap3A_78 : i32 to index
    %swap3A_80 = arith.constant 64 : index
    %swap3A_81 = tpu.vector_load %arg13[%swap3A_79, %swap3A_80] {strides = array<i32>} : memref<8x128xf32, #tpu.memory_space<vmem>>, vector<1x16xf32>,
    %swap3A_82 = vector.shape_cast %swap3A_81 : vector<1x16xf32> to vector<16xf32>
    %swap3A_83 = vector.shape_cast %broadcast_in_dim3A_1 : vector<16xf32> to vector<1x16xf32>
    tpu.vector_store %arg13[%swap3A_79, %swap3A_80], %swap3A_83 {strides = array<i32>} : memref<8x128xf32, #tpu.memory_space<vmem>>, vector<1x16xf32>,
    %swap3A_84 = arith.constant 1 : i32
    %swap3A_85 = arith.index_cast %swap3A_84 : i32 to index
    %swap3A_86 = arith.constant 80 : index
    %swap3A_87 = tpu.vector_load %arg13[%swap3A_85, %swap3A_86] {strides = array<i32>} : memref<8x128xf32, #tpu.memory_space<vmem>>, vector<1x16xf32>,
    %swap3A_88 = vector.shape_cast %swap3A_87 : vector<1x16xf32> to vector<16xf32>
    %swap3A_89 = vector.shape_cast %broadcast_in_dim3A_1 : vector<16xf32> to vector<1x16xf32>
    tpu.vector_store %arg13[%swap3A_85, %swap3A_86], %swap3A_89 {strides = array<i32>} : memref<8x128xf32, #tpu.memory_space<vmem>>, vector<1x16xf32>,
    %swap3A_90 = arith.constant 1 : i32
    %swap3A_91 = arith.index_cast %swap3A_90 : i32 to index
    %swap3A_92 = arith.constant 96 : index
    %swap3A_93 = tpu.vector_load %arg13[%swap3A_91, %swap3A_92] {strides = array<i32>} : memref<8x128xf32, #tpu.memory_space<vmem>>, vector<1x16xf32>,
    %swap3A_94 = vector.shape_cast %swap3A_93 : vector<1x16xf32> to vector<16xf32>
    %swap3A_95 = vector.shape_cast %broadcast_in_dim3A_1 : vector<16xf32> to vector<1x16xf32>
    tpu.vector_store %arg13[%swap3A_91, %swap3A_92], %swap3A_95 {strides = array<i32>} : memref<8x128xf32, #tpu.memory_space<vmem>>, vector<1x16xf32>,
    %swap3A_96 = arith.constant 1 : i32
    %swap3A_97 = arith.index_cast %swap3A_96 : i32 to index
    %swap3A_98 = arith.constant 112 : index
    %swap3A_99 = tpu.vector_load %arg13[%swap3A_97, %swap3A_98] {strides = array<i32>} : memref<8x128xf32, #tpu.memory_space<vmem>>, vector<1x16xf32>,
    %swap3A_100 = vector.shape_cast %swap3A_99 : vector<1x16xf32> to vector<16xf32>
    %swap3A_101 = vector.shape_cast %broadcast_in_dim3A_1 : vector<16xf32> to vector<1x16xf32>
    tpu.vector_store %arg13[%swap3A_97, %swap3A_98], %swap3A_101 {strides = array<i32>} : memref<8x128xf32, #tpu.memory_space<vmem>>, vector<1x16xf32>,
    %swap3A_102 = arith.constant 2 : i32
    %swap3A_103 = arith.index_cast %swap3A_102 : i32 to index
    %swap3A_104 = arith.constant 0 : index
    %swap3A_105 = tpu.vector_load %arg13[%swap3A_103, %swap3A_104] {strides = array<i32>} : memref<8x128xf32, #tpu.memory_space<vmem>>, vector<1x16xf32>,
    %swap3A_106 = vector.shape_cast %swap3A_105 : vector<1x16xf32> to vector<16xf32>
    %swap3A_107 = vector.shape_cast %broadcast_in_dim3A_1 : vector<16xf32> to vector<1x16xf32>
    tpu.vector_store %arg13[%swap3A_103, %swap3A_104], %swap3A_107 {strides = array<i32>} : memref<8x128xf32, #tpu.memory_space<vmem>>, vector<1x16xf32>,
    %swap3A_108 = arith.constant 2 : i32
    %swap3A_109 = arith.index_cast %swap3A_108 : i32 to index
    %swap3A_110 = arith.constant 16 : index
    %swap3A_111 = tpu.vector_load %arg13[%swap3A_109, %swap3A_110] {strides = array<i32>} : memref<8x128xf32, #tpu.memory_space<vmem>>, vector<1x16xf32>,
    %swap3A_112 = vector.shape_cast %swap3A_111 : vector<1x16xf32> to vector<16xf32>
    %swap3A_113 = vector.shape_cast %broadcast_in_dim3A_1 : vector<16xf32> to vector<1x16xf32>
    tpu.vector_store %arg13[%swap3A_109, %swap3A_110], %swap3A_113 {strides = array<i32>} : memref<8x128xf32, #tpu.memory_space<vmem>>, vector<1x16xf32>,
    %swap3A_114 = arith.constant 2 : i32
    %swap3A_115 = arith.index_cast %swap3A_114 : i32 to index
    %swap3A_116 = arith.constant 32 : index
    %swap3A_117 = tpu.vector_load %arg13[%swap3A_115, %swap3A_116] {strides = array<i32>} : memref<8x128xf32, #tpu.memory_space<vmem>>, vector<1x16xf32>,
    %swap3A_118 = vector.shape_cast %swap3A_117 : vector<1x16xf32> to vector<16xf32>
    %swap3A_119 = vector.shape_cast %broadcast_in_dim3A_1 : vector<16xf32> to vector<1x16xf32>
    tpu.vector_store %arg13[%swap3A_115, %swap3A_116], %swap3A_119 {strides = array<i32>} : memref<8x128xf32, #tpu.memory_space<vmem>>, vector<1x16xf32>,
    %swap3A_120 = arith.constant 2 : i32
    %swap3A_121 = arith.index_cast %swap3A_120 : i32 to index
    %swap3A_122 = arith.constant 48 : index
    %swap3A_123 = tpu.vector_load %arg13[%swap3A_121, %swap3A_122] {strides = array<i32>} : memref<8x128xf32, #tpu.memory_space<vmem>>, vector<1x16xf32>,
    %swap3A_124 = vector.shape_cast %swap3A_123 : vector<1x16xf32> to vector<16xf32>
    %swap3A_125 = vector.shape_cast %broadcast_in_dim3A_1 : vector<16xf32> to vector<1x16xf32>
    tpu.vector_store %arg13[%swap3A_121, %swap3A_122], %swap3A_125 {strides = array<i32>} : memref<8x128xf32, #tpu.memory_space<vmem>>, vector<1x16xf32>,
    %swap3A_126 = arith.constant 2 : i32
    %swap3A_127 = arith.index_cast %swap3A_126 : i32 to index
    %swap3A_128 = arith.constant 64 : index
    %swap3A_129 = tpu.vector_load %arg13[%swap3A_127, %swap3A_128] {strides = array<i32>} : memref<8x128xf32, #tpu.memory_space<vmem>>, vector<1x16xf32>,
    %swap3A_130 = vector.shape_cast %swap3A_129 : vector<1x16xf32> to vector<16xf32>
    %swap3A_131 = vector.shape_cast %broadcast_in_dim3A_1 : vector<16xf32> to vector<1x16xf32>
    tpu.vector_store %arg13[%swap3A_127, %swap3A_128], %swap3A_131 {strides = array<i32>} : memref<8x128xf32, #tpu.memory_space<vmem>>, vector<1x16xf32>,
    %swap3A_132 = arith.constant 2 : i32
    %swap3A_133 = arith.index_cast %swap3A_132 : i32 to index
    %swap3A_134 = arith.constant 80 : index
    %swap3A_135 = tpu.vector_load %arg13[%swap3A_133, %swap3A_134] {strides = array<i32>} : memref<8x128xf32, #tpu.memory_space<vmem>>, vector<1x16xf32>,
    %swap3A_136 = vector.shape_cast %swap3A_135 : vector<1x16xf32> to vector<16xf32>
    %swap3A_137 = vector.shape_cast %broadcast_in_dim3A_1 : vector<16xf32> to vector<1x16xf32>
    tpu.vector_store %arg13[%swap3A_133, %swap3A_134], %swap3A_137 {strides = array<i32>} : memref<8x128xf32, #tpu.memory_space<vmem>>, vector<1x16xf32>,
    %swap3A_138 = arith.constant 2 : i32
    %swap3A_139 = arith.index_cast %swap3A_138 : i32 to index
    %swap3A_140 = arith.constant 96 : index
    %swap3A_141 = tpu.vector_load %arg13[%swap3A_139, %swap3A_140] {strides = array<i32>} : memref<8x128xf32, #tpu.memory_space<vmem>>, vector<1x16xf32>,
    %swap3A_142 = vector.shape_cast %swap3A_141 : vector<1x16xf32> to vector<16xf32>
    %swap3A_143 = vector.shape_cast %broadcast_in_dim3A_1 : vector<16xf32> to vector<1x16xf32>
    tpu.vector_store %arg13[%swap3A_139, %swap3A_140], %swap3A_143 {strides = array<i32>} : memref<8x128xf32, #tpu.memory_space<vmem>>, vector<1x16xf32>,
    %swap3A_144 = arith.constant 2 : i32
    %swap3A_145 = arith.index_cast %swap3A_144 : i32 to index
    %swap3A_146 = arith.constant 112 : index
    %swap3A_147 = tpu.vector_load %arg13[%swap3A_145, %swap3A_146] {strides = array<i32>} : memref<8x128xf32, #tpu.memory_space<vmem>>, vector<1x16xf32>,
    %swap3A_148 = vector.shape_cast %swap3A_147 : vector<1x16xf32> to vector<16xf32>
    %swap3A_149 = vector.shape_cast %broadcast_in_dim3A_1 : vector<16xf32> to vector<1x16xf32>
    tpu.vector_store %arg13[%swap3A_145, %swap3A_146], %swap3A_149 {strides = array<i32>} : memref<8x128xf32, #tpu.memory_space<vmem>>, vector<1x16xf32>,
    %swap3A_150 = arith.constant 3 : i32
    %swap3A_151 = arith.index_cast %swap3A_150 : i32 to index
    %swap3A_152 = arith.constant 0 : index
    %swap3A_153 = tpu.vector_load %arg13[%swap3A_151, %swap3A_152] {strides = array<i32>} : memref<8x128xf32, #tpu.memory_space<vmem>>, vector<1x16xf32>,
    %swap3A_154 = vector.shape_cast %swap3A_153 : vector<1x16xf32> to vector<16xf32>
    %swap3A_155 = vector.shape_cast %broadcast_in_dim3A_1 : vector<16xf32> to vector<1x16xf32>
    tpu.vector_store %arg13[%swap3A_151, %swap3A_152], %swap3A_155 {strides = array<i32>} : memref<8x128xf32, #tpu.memory_space<vmem>>, vector<1x16xf32>,
    %swap3A_156 = arith.constant 3 : i32
    %swap3A_157 = arith.index_cast %swap3A_156 : i32 to index
    %swap3A_158 = arith.constant 16 : index
    %swap3A_159 = tpu.vector_load %arg13[%swap3A_157, %swap3A_158] {strides = array<i32>} : memref<8x128xf32, #tpu.memory_space<vmem>>, vector<1x16xf32>,
    %swap3A_160 = vector.shape_cast %swap3A_159 : vector<1x16xf32> to vector<16xf32>
    %swap3A_161 = vector.shape_cast %broadcast_in_dim3A_1 : vector<16xf32> to vector<1x16xf32>
    tpu.vector_store %arg13[%swap3A_157, %swap3A_158], %swap3A_161 {strides = array<i32>} : memref<8x128xf32, #tpu.memory_space<vmem>>, vector<1x16xf32>,
    %swap3A_162 = arith.constant 3 : i32
    %swap3A_163 = arith.index_cast %swap3A_162 : i32 to index
    %swap3A_164 = arith.constant 32 : index
    %swap3A_165 = tpu.vector_load %arg13[%swap3A_163, %swap3A_164] {strides = array<i32>} : memref<8x128xf32, #tpu.memory_space<vmem>>, vector<1x16xf32>,
    %swap3A_166 = vector.shape_cast %swap3A_165 : vector<1x16xf32> to vector<16xf32>
    %swap3A_167 = vector.shape_cast %broadcast_in_dim3A_1 : vector<16xf32> to vector<1x16xf32>
    tpu.vector_store %arg13[%swap3A_163, %swap3A_164], %swap3A_167 {strides = array<i32>} : memref<8x128xf32, #tpu.memory_space<vmem>>, vector<1x16xf32>,
    %swap3A_168 = arith.constant 3 : i32
    %swap3A_169 = arith.index_cast %swap3A_168 : i32 to index
    %swap3A_170 = arith.constant 48 : index
    %swap3A_171 = tpu.vector_load %arg13[%swap3A_169, %swap3A_170] {strides = array<i32>} : memref<8x128xf32, #tpu.memory_space<vmem>>, vector<1x16xf32>,
    %swap3A_172 = vector.shape_cast %swap3A_171 : vector<1x16xf32> to vector<16xf32>
    %swap3A_173 = vector.shape_cast %broadcast_in_dim3A_1 : vector<16xf32> to vector<1x16xf32>
    tpu.vector_store %arg13[%swap3A_169, %swap3A_170], %swap3A_173 {strides = array<i32>} : memref<8x128xf32, #tpu.memory_space<vmem>>, vector<1x16xf32>,
    %swap3A_174 = arith.constant 3 : i32
    %swap3A_175 = arith.index_cast %swap3A_174 : i32 to index
    %swap3A_176 = arith.constant 64 : index
    %swap3A_177 = tpu.vector_load %arg13[%swap3A_175, %swap3A_176] {strides = array<i32>} : memref<8x128xf32, #tpu.memory_space<vmem>>, vector<1x16xf32>,
    %swap3A_178 = vector.shape_cast %swap3A_177 : vector<1x16xf32> to vector<16xf32>
    %swap3A_179 = vector.shape_cast %broadcast_in_dim3A_1 : vector<16xf32> to vector<1x16xf32>
    tpu.vector_store %arg13[%swap3A_175, %swap3A_176], %swap3A_179 {strides = array<i32>} : memref<8x128xf32, #tpu.memory_space<vmem>>, vector<1x16xf32>,
    %swap3A_180 = arith.constant 3 : i32
    %swap3A_181 = arith.index_cast %swap3A_180 : i32 to index
    %swap3A_182 = arith.constant 80 : index
    %swap3A_183 = tpu.vector_load %arg13[%swap3A_181, %swap3A_182] {strides = array<i32>} : memref<8x128xf32, #tpu.memory_space<vmem>>, vector<1x16xf32>,
    %swap3A_184 = vector.shape_cast %swap3A_183 : vector<1x16xf32> to vector<16xf32>
    %swap3A_185 = vector.shape_cast %broadcast_in_dim3A_1 : vector<16xf32> to vector<1x16xf32>
    tpu.vector_store %arg13[%swap3A_181, %swap3A_182], %swap3A_185 {strides = array<i32>} : memref<8x128xf32, #tpu.memory_space<vmem>>, vector<1x16xf32>,
    %swap3A_186 = arith.constant 3 : i32
    %swap3A_187 = arith.index_cast %swap3A_186 : i32 to index
    %swap3A_188 = arith.constant 96 : index
    %swap3A_189 = tpu.vector_load %arg13[%swap3A_187, %swap3A_188] {strides = array<i32>} : memref<8x128xf32, #tpu.memory_space<vmem>>, vector<1x16xf32>,
    %swap3A_190 = vector.shape_cast %swap3A_189 : vector<1x16xf32> to vector<16xf32>
    %swap3A_191 = vector.shape_cast %broadcast_in_dim3A_1 : vector<16xf32> to vector<1x16xf32>
    tpu.vector_store %arg13[%swap3A_187, %swap3A_188], %swap3A_191 {strides = array<i32>} : memref<8x128xf32, #tpu.memory_space<vmem>>, vector<1x16xf32>,
    %swap3A_192 = arith.constant 3 : i32
    %swap3A_193 = arith.index_cast %swap3A_192 : i32 to index
    %swap3A_194 = arith.constant 112 : index
    %swap3A_195 = tpu.vector_load %arg13[%swap3A_193, %swap3A_194] {strides = array<i32>} : memref<8x128xf32, #tpu.memory_space<vmem>>, vector<1x16xf32>,
    %swap3A_196 = vector.shape_cast %swap3A_195 : vector<1x16xf32> to vector<16xf32>
    %swap3A_197 = vector.shape_cast %broadcast_in_dim3A_1 : vector<16xf32> to vector<1x16xf32>
    tpu.vector_store %arg13[%swap3A_193, %swap3A_194], %swap3A_197 {strides = array<i32>} : memref<8x128xf32, #tpu.memory_space<vmem>>, vector<1x16xf32>,
    %swap3A_198 = arith.constant 4 : i32
    %swap3A_199 = arith.index_cast %swap3A_198 : i32 to index
    %swap3A_200 = arith.constant 0 : index
    %swap3A_201 = tpu.vector_load %arg13[%swap3A_199, %swap3A_200] {strides = array<i32>} : memref<8x128xf32, #tpu.memory_space<vmem>>, vector<1x16xf32>,
    %swap3A_202 = vector.shape_cast %swap3A_201 : vector<1x16xf32> to vector<16xf32>
    %swap3A_203 = vector.shape_cast %broadcast_in_dim3A_1 : vector<16xf32> to vector<1x16xf32>
    tpu.vector_store %arg13[%swap3A_199, %swap3A_200], %swap3A_203 {strides = array<i32>} : memref<8x128xf32, #tpu.memory_space<vmem>>, vector<1x16xf32>,
    %swap3A_204 = arith.constant 4 : i32
    %swap3A_205 = arith.index_cast %swap3A_204 : i32 to index
    %swap3A_206 = arith.constant 16 : index
    %swap3A_207 = tpu.vector_load %arg13[%swap3A_205, %swap3A_206] {strides = array<i32>} : memref<8x128xf32, #tpu.memory_space<vmem>>, vector<1x16xf32>,
    %swap3A_208 = vector.shape_cast %swap3A_207 : vector<1x16xf32> to vector<16xf32>
    %swap3A_209 = vector.shape_cast %broadcast_in_dim3A_1 : vector<16xf32> to vector<1x16xf32>
    tpu.vector_store %arg13[%swap3A_205, %swap3A_206], %swap3A_209 {strides = array<i32>} : memref<8x128xf32, #tpu.memory_space<vmem>>, vector<1x16xf32>,
    %swap3A_210 = arith.constant 4 : i32
    %swap3A_211 = arith.index_cast %swap3A_210 : i32 to index
    %swap3A_212 = arith.constant 32 : index
    %swap3A_213 = tpu.vector_load %arg13[%swap3A_211, %swap3A_212] {strides = array<i32>} : memref<8x128xf32, #tpu.memory_space<vmem>>, vector<1x16xf32>,
    %swap3A_214 = vector.shape_cast %swap3A_213 : vector<1x16xf32> to vector<16xf32>
    %swap3A_215 = vector.shape_cast %broadcast_in_dim3A_1 : vector<16xf32> to vector<1x16xf32>
    tpu.vector_store %arg13[%swap3A_211, %swap3A_212], %swap3A_215 {strides = array<i32>} : memref<8x128xf32, #tpu.memory_space<vmem>>, vector<1x16xf32>,
    %swap3A_216 = arith.constant 4 : i32
    %swap3A_217 = arith.index_cast %swap3A_216 : i32 to index
    %swap3A_218 = arith.constant 48 : index
    %swap3A_219 = tpu.vector_load %arg13[%swap3A_217, %swap3A_218] {strides = array<i32>} : memref<8x128xf32, #tpu.memory_space<vmem>>, vector<1x16xf32>,
    %swap3A_220 = vector.shape_cast %swap3A_219 : vector<1x16xf32> to vector<16xf32>
    %swap3A_221 = vector.shape_cast %broadcast_in_dim3A_1 : vector<16xf32> to vector<1x16xf32>
    tpu.vector_store %arg13[%swap3A_217, %swap3A_218], %swap3A_221 {strides = array<i32>} : memref<8x128xf32, #tpu.memory_space<vmem>>, vector<1x16xf32>,
    %swap3A_222 = arith.constant 4 : i32
    %swap3A_223 = arith.index_cast %swap3A_222 : i32 to index
    %swap3A_224 = arith.constant 64 : index
    %swap3A_225 = tpu.vector_load %arg13[%swap3A_223, %swap3A_224] {strides = array<i32>} : memref<8x128xf32, #tpu.memory_space<vmem>>, vector<1x16xf32>,
    %swap3A_226 = vector.shape_cast %swap3A_225 : vector<1x16xf32> to vector<16xf32>
    %swap3A_227 = vector.shape_cast %broadcast_in_dim3A_1 : vector<16xf32> to vector<1x16xf32>
    tpu.vector_store %arg13[%swap3A_223, %swap3A_224], %swap3A_227 {strides = array<i32>} : memref<8x128xf32, #tpu.memory_space<vmem>>, vector<1x16xf32>,
    %swap3A_228 = arith.constant 4 : i32
    %swap3A_229 = arith.index_cast %swap3A_228 : i32 to index
    %swap3A_230 = arith.constant 80 : index
    %swap3A_231 = tpu.vector_load %arg13[%swap3A_229, %swap3A_230] {strides = array<i32>} : memref<8x128xf32, #tpu.memory_space<vmem>>, vector<1x16xf32>,
    %swap3A_232 = vector.shape_cast %swap3A_231 : vector<1x16xf32> to vector<16xf32>
    %swap3A_233 = vector.shape_cast %broadcast_in_dim3A_1 : vector<16xf32> to vector<1x16xf32>
    tpu.vector_store %arg13[%swap3A_229, %swap3A_230], %swap3A_233 {strides = array<i32>} : memref<8x128xf32, #tpu.memory_space<vmem>>, vector<1x16xf32>,
    %swap3A_234 = arith.constant 4 : i32
    %swap3A_235 = arith.index_cast %swap3A_234 : i32 to index
    %swap3A_236 = arith.constant 96 : index
    %swap3A_237 = tpu.vector_load %arg13[%swap3A_235, %swap3A_236] {strides = array<i32>} : memref<8x128xf32, #tpu.memory_space<vmem>>, vector<1x16xf32>,
    %swap3A_238 = vector.shape_cast %swap3A_237 : vector<1x16xf32> to vector<16xf32>
    %swap3A_239 = vector.shape_cast %broadcast_in_dim3A_1 : vector<16xf32> to vector<1x16xf32>
    tpu.vector_store %arg13[%swap3A_235, %swap3A_236], %swap3A_239 {strides = array<i32>} : memref<8x128xf32, #tpu.memory_space<vmem>>, vector<1x16xf32>,
    %swap3A_240 = arith.constant 4 : i32
    %swap3A_241 = arith.index_cast %swap3A_240 : i32 to index
    %swap3A_242 = arith.constant 112 : index
    %swap3A_243 = tpu.vector_load %arg13[%swap3A_241, %swap3A_242] {strides = array<i32>} : memref<8x128xf32, #tpu.memory_space<vmem>>, vector<1x16xf32>,
    %swap3A_244 = vector.shape_cast %swap3A_243 : vector<1x16xf32> to vector<16xf32>
    %swap3A_245 = vector.shape_cast %broadcast_in_dim3A_1 : vector<16xf32> to vector<1x16xf32>
    tpu.vector_store %arg13[%swap3A_241, %swap3A_242], %swap3A_245 {strides = array<i32>} : memref<8x128xf32, #tpu.memory_space<vmem>>, vector<1x16xf32>,
    %swap3A_246 = arith.constant 5 : i32
    %swap3A_247 = arith.index_cast %swap3A_246 : i32 to index
    %swap3A_248 = arith.constant 0 : index
    %swap3A_249 = tpu.vector_load %arg13[%swap3A_247, %swap3A_248] {strides = array<i32>} : memref<8x128xf32, #tpu.memory_space<vmem>>, vector<1x16xf32>,
    %swap3A_250 = vector.shape_cast %swap3A_249 : vector<1x16xf32> to vector<16xf32>
    %swap3A_251 = vector.shape_cast %broadcast_in_dim3A_1 : vector<16xf32> to vector<1x16xf32>
    tpu.vector_store %arg13[%swap3A_247, %swap3A_248], %swap3A_251 {strides = array<i32>} : memref<8x128xf32, #tpu.memory_space<vmem>>, vector<1x16xf32>,
    %swap3A_252 = arith.constant 5 : i32
    %swap3A_253 = arith.index_cast %swap3A_252 : i32 to index
    %swap3A_254 = arith.constant 16 : index
    %swap3A_255 = tpu.vector_load %arg13[%swap3A_253, %swap3A_254] {strides = array<i32>} : memref<8x128xf32, #tpu.memory_space<vmem>>, vector<1x16xf32>,
    %swap3A_256 = vector.shape_cast %swap3A_255 : vector<1x16xf32> to vector<16xf32>
    %swap3A_257 = vector.shape_cast %broadcast_in_dim3A_1 : vector<16xf32> to vector<1x16xf32>
    tpu.vector_store %arg13[%swap3A_253, %swap3A_254], %swap3A_257 {strides = array<i32>} : memref<8x128xf32, #tpu.memory_space<vmem>>, vector<1x16xf32>,
    %swap3A_258 = arith.constant 5 : i32
    %swap3A_259 = arith.index_cast %swap3A_258 : i32 to index
    %swap3A_260 = arith.constant 32 : index
    %swap3A_261 = tpu.vector_load %arg13[%swap3A_259, %swap3A_260] {strides = array<i32>} : memref<8x128xf32, #tpu.memory_space<vmem>>, vector<1x16xf32>,
    %swap3A_262 = vector.shape_cast %swap3A_261 : vector<1x16xf32> to vector<16xf32>
    %swap3A_263 = vector.shape_cast %broadcast_in_dim3A_1 : vector<16xf32> to vector<1x16xf32>
    tpu.vector_store %arg13[%swap3A_259, %swap3A_260], %swap3A_263 {strides = array<i32>} : memref<8x128xf32, #tpu.memory_space<vmem>>, vector<1x16xf32>,
    %swap3A_264 = arith.constant 5 : i32
    %swap3A_265 = arith.index_cast %swap3A_264 : i32 to index
    %swap3A_266 = arith.constant 48 : index
    %swap3A_267 = tpu.vector_load %arg13[%swap3A_265, %swap3A_266] {strides = array<i32>} : memref<8x128xf32, #tpu.memory_space<vmem>>, vector<1x16xf32>,
    %swap3A_268 = vector.shape_cast %swap3A_267 : vector<1x16xf32> to vector<16xf32>
    %swap3A_269 = vector.shape_cast %broadcast_in_dim3A_1 : vector<16xf32> to vector<1x16xf32>
    tpu.vector_store %arg13[%swap3A_265, %swap3A_266], %swap3A_269 {strides = array<i32>} : memref<8x128xf32, #tpu.memory_space<vmem>>, vector<1x16xf32>,
    %swap3A_270 = arith.constant 5 : i32
    %swap3A_271 = arith.index_cast %swap3A_270 : i32 to index
    %swap3A_272 = arith.constant 64 : index
    %swap3A_273 = tpu.vector_load %arg13[%swap3A_271, %swap3A_272] {strides = array<i32>} : memref<8x128xf32, #tpu.memory_space<vmem>>, vector<1x16xf32>,
    %swap3A_274 = vector.shape_cast %swap3A_273 : vector<1x16xf32> to vector<16xf32>
    %swap3A_275 = vector.shape_cast %broadcast_in_dim3A_1 : vector<16xf32> to vector<1x16xf32>
    tpu.vector_store %arg13[%swap3A_271, %swap3A_272], %swap3A_275 {strides = array<i32>} : memref<8x128xf32, #tpu.memory_space<vmem>>, vector<1x16xf32>,
    %swap3A_276 = arith.constant 5 : i32
    %swap3A_277 = arith.index_cast %swap3A_276 : i32 to index
    %swap3A_278 = arith.constant 80 : index
    %swap3A_279 = tpu.vector_load %arg13[%swap3A_277, %swap3A_278] {strides = array<i32>} : memref<8x128xf32, #tpu.memory_space<vmem>>, vector<1x16xf32>,
    %swap3A_280 = vector.shape_cast %swap3A_279 : vector<1x16xf32> to vector<16xf32>
    %swap3A_281 = vector.shape_cast %broadcast_in_dim3A_1 : vector<16xf32> to vector<1x16xf32>
    tpu.vector_store %arg13[%swap3A_277, %swap3A_278], %swap3A_281 {strides = array<i32>} : memref<8x128xf32, #tpu.memory_space<vmem>>, vector<1x16xf32>,
    %swap3A_282 = arith.constant 5 : i32
    %swap3A_283 = arith.index_cast %swap3A_282 : i32 to index
    %swap3A_284 = arith.constant 96 : index
    %swap3A_285 = tpu.vector_load %arg13[%swap3A_283, %swap3A_284] {strides = array<i32>} : memref<8x128xf32, #tpu.memory_space<vmem>>, vector<1x16xf32>,
    %swap3A_286 = vector.shape_cast %swap3A_285 : vector<1x16xf32> to vector<16xf32>
    %swap3A_287 = vector.shape_cast %broadcast_in_dim3A_1 : vector<16xf32> to vector<1x16xf32>
    tpu.vector_store %arg13[%swap3A_283, %swap3A_284], %swap3A_287 {strides = array<i32>} : memref<8x128xf32, #tpu.memory_space<vmem>>, vector<1x16xf32>,
    %swap3A_288 = arith.constant 5 : i32
    %swap3A_289 = arith.index_cast %swap3A_288 : i32 to index
    %swap3A_290 = arith.constant 112 : index
    %swap3A_291 = tpu.vector_load %arg13[%swap3A_289, %swap3A_290] {strides = array<i32>} : memref<8x128xf32, #tpu.memory_space<vmem>>, vector<1x16xf32>,
    %swap3A_292 = vector.shape_cast %swap3A_291 : vector<1x16xf32> to vector<16xf32>
    %swap3A_293 = vector.shape_cast %broadcast_in_dim3A_1 : vector<16xf32> to vector<1x16xf32>
    tpu.vector_store %arg13[%swap3A_289, %swap3A_290], %swap3A_293 {strides = array<i32>} : memref<8x128xf32, #tpu.memory_space<vmem>>, vector<1x16xf32>,
    %swap3A_294 = arith.constant 6 : i32
    %swap3A_295 = arith.index_cast %swap3A_294 : i32 to index
    %swap3A_296 = arith.constant 0 : index
    %swap3A_297 = tpu.vector_load %arg13[%swap3A_295, %swap3A_296] {strides = array<i32>} : memref<8x128xf32, #tpu.memory_space<vmem>>, vector<1x16xf32>,
    %swap3A_298 = vector.shape_cast %swap3A_297 : vector<1x16xf32> to vector<16xf32>
    %swap3A_299 = vector.shape_cast %broadcast_in_dim3A_1 : vector<16xf32> to vector<1x16xf32>
    tpu.vector_store %arg13[%swap3A_295, %swap3A_296], %swap3A_299 {strides = array<i32>} : memref<8x128xf32, #tpu.memory_space<vmem>>, vector<1x16xf32>,
    %swap3A_300 = arith.constant 6 : i32
    %swap3A_301 = arith.index_cast %swap3A_300 : i32 to index
    %swap3A_302 = arith.constant 16 : index
    %swap3A_303 = tpu.vector_load %arg13[%swap3A_301, %swap3A_302] {strides = array<i32>} : memref<8x128xf32, #tpu.memory_space<vmem>>, vector<1x16xf32>,
    %swap3A_304 = vector.shape_cast %swap3A_303 : vector<1x16xf32> to vector<16xf32>
    %swap3A_305 = vector.shape_cast %broadcast_in_dim3A_1 : vector<16xf32> to vector<1x16xf32>
    tpu.vector_store %arg13[%swap3A_301, %swap3A_302], %swap3A_305 {strides = array<i32>} : memref<8x128xf32, #tpu.memory_space<vmem>>, vector<1x16xf32>,
    %swap3A_306 = arith.constant 6 : i32
    %swap3A_307 = arith.index_cast %swap3A_306 : i32 to index
    %swap3A_308 = arith.constant 32 : index
    %swap3A_309 = tpu.vector_load %arg13[%swap3A_307, %swap3A_308] {strides = array<i32>} : memref<8x128xf32, #tpu.memory_space<vmem>>, vector<1x16xf32>,
    %swap3A_310 = vector.shape_cast %swap3A_309 : vector<1x16xf32> to vector<16xf32>
    %swap3A_311 = vector.shape_cast %broadcast_in_dim3A_1 : vector<16xf32> to vector<1x16xf32>
    tpu.vector_store %arg13[%swap3A_307, %swap3A_308], %swap3A_311 {strides = array<i32>} : memref<8x128xf32, #tpu.memory_space<vmem>>, vector<1x16xf32>,
    %swap3A_312 = arith.constant 6 : i32
    %swap3A_313 = arith.index_cast %swap3A_312 : i32 to index
    %swap3A_314 = arith.constant 48 : index
    %swap3A_315 = tpu.vector_load %arg13[%swap3A_313, %swap3A_314] {strides = array<i32>} : memref<8x128xf32, #tpu.memory_space<vmem>>, vector<1x16xf32>,
    %swap3A_316 = vector.shape_cast %swap3A_315 : vector<1x16xf32> to vector<16xf32>
    %swap3A_317 = vector.shape_cast %broadcast_in_dim3A_1 : vector<16xf32> to vector<1x16xf32>
    tpu.vector_store %arg13[%swap3A_313, %swap3A_314], %swap3A_317 {strides = array<i32>} : memref<8x128xf32, #tpu.memory_space<vmem>>, vector<1x16xf32>,
    %swap3A_318 = arith.constant 6 : i32
    %swap3A_319 = arith.index_cast %swap3A_318 : i32 to index
    %swap3A_320 = arith.constant 64 : index
    %swap3A_321 = tpu.vector_load %arg13[%swap3A_319, %swap3A_320] {strides = array<i32>} : memref<8x128xf32, #tpu.memory_space<vmem>>, vector<1x16xf32>,
    %swap3A_322 = vector.shape_cast %swap3A_321 : vector<1x16xf32> to vector<16xf32>
    %swap3A_323 = vector.shape_cast %broadcast_in_dim3A_1 : vector<16xf32> to vector<1x16xf32>
    tpu.vector_store %arg13[%swap3A_319, %swap3A_320], %swap3A_323 {strides = array<i32>} : memref<8x128xf32, #tpu.memory_space<vmem>>, vector<1x16xf32>,
    %swap3A_324 = arith.constant 6 : i32
    %swap3A_325 = arith.index_cast %swap3A_324 : i32 to index
    %swap3A_326 = arith.constant 80 : index
    %swap3A_327 = tpu.vector_load %arg13[%swap3A_325, %swap3A_326] {strides = array<i32>} : memref<8x128xf32, #tpu.memory_space<vmem>>, vector<1x16xf32>,
    %swap3A_328 = vector.shape_cast %swap3A_327 : vector<1x16xf32> to vector<16xf32>
    %swap3A_329 = vector.shape_cast %broadcast_in_dim3A_1 : vector<16xf32> to vector<1x16xf32>
    tpu.vector_store %arg13[%swap3A_325, %swap3A_326], %swap3A_329 {strides = array<i32>} : memref<8x128xf32, #tpu.memory_space<vmem>>, vector<1x16xf32>,
    %swap3A_330 = arith.constant 6 : i32
    %swap3A_331 = arith.index_cast %swap3A_330 : i32 to index
    %swap3A_332 = arith.constant 96 : index
    %swap3A_333 = tpu.vector_load %arg13[%swap3A_331, %swap3A_332] {strides = array<i32>} : memref<8x128xf32, #tpu.memory_space<vmem>>, vector<1x16xf32>,
    %swap3A_334 = vector.shape_cast %swap3A_333 : vector<1x16xf32> to vector<16xf32>
    %swap3A_335 = vector.shape_cast %broadcast_in_dim3A_1 : vector<16xf32> to vector<1x16xf32>
    tpu.vector_store %arg13[%swap3A_331, %swap3A_332], %swap3A_335 {strides = array<i32>} : memref<8x128xf32, #tpu.memory_space<vmem>>, vector<1x16xf32>,
    %swap3A_336 = arith.constant 6 : i32
    %swap3A_337 = arith.index_cast %swap3A_336 : i32 to index
    %swap3A_338 = arith.constant 112 : index
    %swap3A_339 = tpu.vector_load %arg13[%swap3A_337, %swap3A_338] {strides = array<i32>} : memref<8x128xf32, #tpu.memory_space<vmem>>, vector<1x16xf32>,
    %swap3A_340 = vector.shape_cast %swap3A_339 : vector<1x16xf32> to vector<16xf32>
    %swap3A_341 = vector.shape_cast %broadcast_in_dim3A_1 : vector<16xf32> to vector<1x16xf32>
    tpu.vector_store %arg13[%swap3A_337, %swap3A_338], %swap3A_341 {strides = array<i32>} : memref<8x128xf32, #tpu.memory_space<vmem>>, vector<1x16xf32>,
    %swap3A_342 = arith.constant 7 : i32
    %swap3A_343 = arith.index_cast %swap3A_342 : i32 to index
    %swap3A_344 = arith.constant 0 : index
    %swap3A_345 = tpu.vector_load %arg13[%swap3A_343, %swap3A_344] {strides = array<i32>} : memref<8x128xf32, #tpu.memory_space<vmem>>, vector<1x16xf32>,
    %swap3A_346 = vector.shape_cast %swap3A_345 : vector<1x16xf32> to vector<16xf32>
    %swap3A_347 = vector.shape_cast %broadcast_in_dim3A_1 : vector<16xf32> to vector<1x16xf32>
    tpu.vector_store %arg13[%swap3A_343, %swap3A_344], %swap3A_347 {strides = array<i32>} : memref<8x128xf32, #tpu.memory_space<vmem>>, vector<1x16xf32>,
    %swap3A_348 = arith.constant 7 : i32
    %swap3A_349 = arith.index_cast %swap3A_348 : i32 to index
    %swap3A_350 = arith.constant 16 : index
    %swap3A_351 = tpu.vector_load %arg13[%swap3A_349, %swap3A_350] {strides = array<i32>} : memref<8x128xf32, #tpu.memory_space<vmem>>, vector<1x16xf32>,
    %swap3A_352 = vector.shape_cast %swap3A_351 : vector<1x16xf32> to vector<16xf32>
    %swap3A_353 = vector.shape_cast %broadcast_in_dim3A_1 : vector<16xf32> to vector<1x16xf32>
    tpu.vector_store %arg13[%swap3A_349, %swap3A_350], %swap3A_353 {strides = array<i32>} : memref<8x128xf32, #tpu.memory_space<vmem>>, vector<1x16xf32>,
    %swap3A_354 = arith.constant 7 : i32
    %swap3A_355 = arith.index_cast %swap3A_354 : i32 to index
    %swap3A_356 = arith.constant 32 : index
    %swap3A_357 = tpu.vector_load %arg13[%swap3A_355, %swap3A_356] {strides = array<i32>} : memref<8x128xf32, #tpu.memory_space<vmem>>, vector<1x16xf32>,
    %swap3A_358 = vector.shape_cast %swap3A_357 : vector<1x16xf32> to vector<16xf32>
    %swap3A_359 = vector.shape_cast %broadcast_in_dim3A_1 : vector<16xf32> to vector<1x16xf32>
    tpu.vector_store %arg13[%swap3A_355, %swap3A_356], %swap3A_359 {strides = array<i32>} : memref<8x128xf32, #tpu.memory_space<vmem>>, vector<1x16xf32>,
    %swap3A_360 = arith.constant 7 : i32
    %swap3A_361 = arith.index_cast %swap3A_360 : i32 to index
    %swap3A_362 = arith.constant 48 : index
    %swap3A_363 = tpu.vector_load %arg13[%swap3A_361, %swap3A_362] {strides = array<i32>} : memref<8x128xf32, #tpu.memory_space<vmem>>, vector<1x16xf32>,
    %swap3A_364 = vector.shape_cast %swap3A_363 : vector<1x16xf32> to vector<16xf32>
    %swap3A_365 = vector.shape_cast %broadcast_in_dim3A_1 : vector<16xf32> to vector<1x16xf32>
    tpu.vector_store %arg13[%swap3A_361, %swap3A_362], %swap3A_365 {strides = array<i32>} : memref<8x128xf32, #tpu.memory_space<vmem>>, vector<1x16xf32>,
    %swap3A_366 = arith.constant 7 : i32
    %swap3A_367 = arith.index_cast %swap3A_366 : i32 to index
    %swap3A_368 = arith.constant 64 : index
    %swap3A_369 = tpu.vector_load %arg13[%swap3A_367, %swap3A_368] {strides = array<i32>} : memref<8x128xf32, #tpu.memory_space<vmem>>, vector<1x16xf32>,
    %swap3A_370 = vector.shape_cast %swap3A_369 : vector<1x16xf32> to vector<16xf32>
    %swap3A_371 = vector.shape_cast %broadcast_in_dim3A_1 : vector<16xf32> to vector<1x16xf32>
    tpu.vector_store %arg13[%swap3A_367, %swap3A_368], %swap3A_371 {strides = array<i32>} : memref<8x128xf32, #tpu.memory_space<vmem>>, vector<1x16xf32>,
    %swap3A_372 = arith.constant 7 : i32
    %swap3A_373 = arith.index_cast %swap3A_372 : i32 to index
    %swap3A_374 = arith.constant 80 : index
    %swap3A_375 = tpu.vector_load %arg13[%swap3A_373, %swap3A_374] {strides = array<i32>} : memref<8x128xf32, #tpu.memory_space<vmem>>, vector<1x16xf32>,
    %swap3A_376 = vector.shape_cast %swap3A_375 : vector<1x16xf32> to vector<16xf32>
    %swap3A_377 = vector.shape_cast %broadcast_in_dim3A_1 : vector<16xf32> to vector<1x16xf32>
    tpu.vector_store %arg13[%swap3A_373, %swap3A_374], %swap3A_377 {strides = array<i32>} : memref<8x128xf32, #tpu.memory_space<vmem>>, vector<1x16xf32>,
    %swap3A_378 = arith.constant 7 : i32
    %swap3A_379 = arith.index_cast %swap3A_378 : i32 to index
    %swap3A_380 = arith.constant 96 : index
    %swap3A_381 = tpu.vector_load %arg13[%swap3A_379, %swap3A_380] {strides = array<i32>} : memref<8x128xf32, #tpu.memory_space<vmem>>, vector<1x16xf32>,
    %swap3A_382 = vector.shape_cast %swap3A_381 : vector<1x16xf32> to vector<16xf32>
    %swap3A_383 = vector.shape_cast %broadcast_in_dim3A_1 : vector<16xf32> to vector<1x16xf32>
    tpu.vector_store %arg13[%swap3A_379, %swap3A_380], %swap3A_383 {strides = array<i32>} : memref<8x128xf32, #tpu.memory_space<vmem>>, vector<1x16xf32>,
    %swap3A_384 = arith.constant 7 : i32
    %swap3A_385 = arith.index_cast %swap3A_384 : i32 to index
    %swap3A_386 = arith.constant 112 : index
    %swap3A_387 = tpu.vector_load %arg13[%swap3A_385, %swap3A_386] {strides = array<i32>} : memref<8x128xf32, #tpu.memory_space<vmem>>, vector<1x16xf32>,
    %swap3A_388 = vector.shape_cast %swap3A_387 : vector<1x16xf32> to vector<16xf32>
    %swap3A_389 = vector.shape_cast %broadcast_in_dim3A_1 : vector<16xf32> to vector<1x16xf32>
    tpu.vector_store %arg13[%swap3A_385, %swap3A_386], %swap3A_389 {strides = array<i32>} : memref<8x128xf32, #tpu.memory_space<vmem>>, vector<1x16xf32>,
    %scan3A_390 = arith.constant 0 : i32
    %scan3A_391 = arith.constant 0 : i32
    %scan3A_392 = arith.constant 41 : i32
    %scan3A_393 = arith.addi %scan3A_391, %scan3A_392 : i32
    %scan3A_394 = arith.constant 1 : i32
    scf.for %scan3A_407 = %scan3A_391 to %scan3A_393 step %scan3A_394  : i32 {
      %mul3A_408 = arith.constant 328 : i32
      %mul3A_409 = arith.muli %arg1, %mul3A_408 : i32
      %mul3A_410 = arith.constant 8 : i32
      %mul3A_411 = arith.muli %scan3A_407, %mul3A_410 : i32
      %add3A_412 = arith.addi %mul3A_409, %mul3A_411 : i32
      "tpu.region"() ({
        %run_scoped3A = tpu.sem_alloc : memref<!tpu.dma_semaphore, #tpu.memory_space<semaphore_mem>>
        %dma_start3A = arith.constant 0 : i32
        %dma_start3A_413 = tpu.memref_slice %arg14[%add3A_412, %dma_start3A] : memref<5248x128xf32, #tpu.memory_space<vmem_shared>> -> memref<8x128xf32, #tpu.memory_space<vmem_shared>>
        %dma_start3A_414 = arith.constant 0 : i32
        %dma_start3A_415 = tpu.memref_slice %arg14[%add3A_412, %dma_start3A_414] : memref<5248x128xf32, #tpu.memory_space<vmem_shared>> -> memref<8x128xf32, #tpu.memory_space<vmem_shared>>
        tpu.enqueue_dma source(%arg13 : memref<8x128xf32, #tpu.memory_space<vmem>>) target(%dma_start3A_415 : memref<8x128xf32, #tpu.memory_space<vmem_shared>>) target_semaphore(%run_scoped3A : memref<!tpu.dma_semaphore, #tpu.memory_space<semaphore_mem>>)
        %dma_wait3A = arith.constant 0 : i32
        %dma_wait3A_416 = tpu.memref_slice %arg14[%add3A_412, %dma_wait3A] : memref<5248x128xf32, #tpu.memory_space<vmem_shared>> -> memref<8x128xf32, #tpu.memory_space<vmem_shared>>
        %dma_wait3A_417 = arith.constant 0 : i32
        %dma_wait3A_418 = tpu.memref_slice %arg14[%add3A_412, %dma_wait3A_417] : memref<5248x128xf32, #tpu.memory_space<vmem_shared>> -> memref<8x128xf32, #tpu.memory_space<vmem_shared>>
        tpu.wait_dma2 semaphore(%run_scoped3A : memref<!tpu.dma_semaphore, #tpu.memory_space<semaphore_mem>>) src(%arg13 : memref<8x128xf32, #tpu.memory_space<vmem>>) dst(%dma_wait3A_418 : memref<8x128xf32, #tpu.memory_space<vmem_shared>>)
        tpu.yield
      }) : () -> ()
    }
    %scan3A_395 = arith.constant 41 : i32
    %barrier3A = arith.constant 0 : index
    tpu.barrier barrier_id(%barrier3A)
    %scan3A_396 = arith.constant 0 : i32
    %scan3A_397 = arith.constant 0 : i32
    %scan3A_398 = arith.constant 80 : i32
    %scan3A_399 = arith.addi %scan3A_397, %scan3A_398 : i32
    %scan3A_400 = arith.constant 1 : i32
    scf.for %scan3A_407 = %scan3A_397 to %scan3A_399 step %scan3A_400  : i32 {
      "tpu.region"() ({
        %run_scoped3A = tpu.sem_alloc : memref<!tpu.dma_semaphore, #tpu.memory_space<semaphore_mem>>
        %dma_start3A_418 = arith.constant 0 : i32
        %dma_start3A_419 = tpu.memref_slice %arg3[%add3A, %scan3A_407, %dma_start3A_418] : memref<32x80x128xi32, #tpu.memory_space<hbm>> -> memref<1x1x128xi32, #tpu.memory_space<hbm>>
        %dma_start3A_420 = tpu.memref_squeeze %dma_start3A_419 : memref<1x1x128xi32, #tpu.memory_space<hbm>> -> memref<128xi32, #tpu.memory_space<hbm>>
        %dma_start3A_421 = arith.constant 0 : i32
        %dma_start3A_422 = tpu.memref_slice %arg3[%add3A, %scan3A_407, %dma_start3A_421] : memref<32x80x128xi32, #tpu.memory_space<hbm>> -> memref<1x1x128xi32, #tpu.memory_space<hbm>>
        %dma_start3A_423 = tpu.memref_squeeze %dma_start3A_422 : memref<1x1x128xi32, #tpu.memory_space<hbm>> -> memref<128xi32, #tpu.memory_space<hbm>>
        tpu.enqueue_dma source(%dma_start3A_423 : memref<128xi32, #tpu.memory_space<hbm>>) target(%arg7 : memref<128xi32, #tpu.memory_space<vmem>>) target_semaphore(%run_scoped3A : memref<!tpu.dma_semaphore, #tpu.memory_space<semaphore_mem>>)
        %dma_wait3A_424 = arith.constant 0 : i32
        %dma_wait3A_425 = tpu.memref_slice %arg3[%add3A, %scan3A_407, %dma_wait3A_424] : memref<32x80x128xi32, #tpu.memory_space<hbm>> -> memref<1x1x128xi32, #tpu.memory_space<hbm>>
        %dma_wait3A_426 = tpu.memref_squeeze %dma_wait3A_425 : memref<1x1x128xi32, #tpu.memory_space<hbm>> -> memref<128xi32, #tpu.memory_space<hbm>>
        %dma_wait3A_427 = arith.constant 0 : i32
        %dma_wait3A_428 = tpu.memref_slice %arg3[%add3A, %scan3A_407, %dma_wait3A_427] : memref<32x80x128xi32, #tpu.memory_space<hbm>> -> memref<1x1x128xi32, #tpu.memory_space<hbm>>
        %dma_wait3A_429 = tpu.memref_squeeze %dma_wait3A_428 : memref<1x1x128xi32, #tpu.memory_space<hbm>> -> memref<128xi32, #tpu.memory_space<hbm>>
        tpu.wait_dma2 semaphore(%run_scoped3A : memref<!tpu.dma_semaphore, #tpu.memory_space<semaphore_mem>>) src(%dma_wait3A_429 : memref<128xi32, #tpu.memory_space<hbm>>) dst(%arg7 : memref<128xi32, #tpu.memory_space<vmem>>)
        tpu.yield
      }) : () -> ()
      "tpu.region"() ({
        %run_scoped3A = tpu.sem_alloc : memref<!tpu.dma_semaphore, #tpu.memory_space<semaphore_mem>>
        %dma_start3A_418 = arith.constant 0 : i32
        %dma_start3A_419 = tpu.memref_slice %arg4[%add3A, %scan3A_407, %dma_start3A_418] : memref<32x80x128xi32, #tpu.memory_space<hbm>> -> memref<1x1x128xi32, #tpu.memory_space<hbm>>
        %dma_start3A_420 = tpu.memref_squeeze %dma_start3A_419 : memref<1x1x128xi32, #tpu.memory_space<hbm>> -> memref<128xi32, #tpu.memory_space<hbm>>
        %dma_start3A_421 = arith.constant 0 : i32
        %dma_start3A_422 = tpu.memref_slice %arg4[%add3A, %scan3A_407, %dma_start3A_421] : memref<32x80x128xi32, #tpu.memory_space<hbm>> -> memref<1x1x128xi32, #tpu.memory_space<hbm>>
        %dma_start3A_423 = tpu.memref_squeeze %dma_start3A_422 : memref<1x1x128xi32, #tpu.memory_space<hbm>> -> memref<128xi32, #tpu.memory_space<hbm>>
        tpu.enqueue_dma source(%dma_start3A_423 : memref<128xi32, #tpu.memory_space<hbm>>) target(%arg8 : memref<128xi32, #tpu.memory_space<vmem>>) target_semaphore(%run_scoped3A : memref<!tpu.dma_semaphore, #tpu.memory_space<semaphore_mem>>)
        %dma_wait3A_424 = arith.constant 0 : i32
        %dma_wait3A_425 = tpu.memref_slice %arg4[%add3A, %scan3A_407, %dma_wait3A_424] : memref<32x80x128xi32, #tpu.memory_space<hbm>> -> memref<1x1x128xi32, #tpu.memory_space<hbm>>
        %dma_wait3A_426 = tpu.memref_squeeze %dma_wait3A_425 : memref<1x1x128xi32, #tpu.memory_space<hbm>> -> memref<128xi32, #tpu.memory_space<hbm>>
        %dma_wait3A_427 = arith.constant 0 : i32
        %dma_wait3A_428 = tpu.memref_slice %arg4[%add3A, %scan3A_407, %dma_wait3A_427] : memref<32x80x128xi32, #tpu.memory_space<hbm>> -> memref<1x1x128xi32, #tpu.memory_space<hbm>>
        %dma_wait3A_429 = tpu.memref_squeeze %dma_wait3A_428 : memref<1x1x128xi32, #tpu.memory_space<hbm>> -> memref<128xi32, #tpu.memory_space<hbm>>
        tpu.wait_dma2 semaphore(%run_scoped3A : memref<!tpu.dma_semaphore, #tpu.memory_space<semaphore_mem>>) src(%dma_wait3A_429 : memref<128xi32, #tpu.memory_space<hbm>>) dst(%arg8 : memref<128xi32, #tpu.memory_space<vmem>>)
        tpu.yield
      }) : () -> ()
      "tpu.region"() ({
        %run_scoped3A = tpu.sem_alloc : memref<!tpu.dma_semaphore, #tpu.memory_space<semaphore_mem>>
        %dma_start3A_418 = arith.constant 0 : i32
        %dma_start3A_419 = tpu.memref_slice %arg5[%add3A, %scan3A_407, %dma_start3A_418] : memref<32x80x128xi32, #tpu.memory_space<hbm>> -> memref<1x1x128xi32, #tpu.memory_space<hbm>>
        %dma_start3A_420 = tpu.memref_squeeze %dma_start3A_419 : memref<1x1x128xi32, #tpu.memory_space<hbm>> -> memref<128xi32, #tpu.memory_space<hbm>>
        %dma_start3A_421 = arith.constant 0 : i32
        %dma_start3A_422 = tpu.memref_slice %arg5[%add3A, %scan3A_407, %dma_start3A_421] : memref<32x80x128xi32, #tpu.memory_space<hbm>> -> memref<1x1x128xi32, #tpu.memory_space<hbm>>
        %dma_start3A_423 = tpu.memref_squeeze %dma_start3A_422 : memref<1x1x128xi32, #tpu.memory_space<hbm>> -> memref<128xi32, #tpu.memory_space<hbm>>
        tpu.enqueue_dma source(%dma_start3A_423 : memref<128xi32, #tpu.memory_space<hbm>>) target(%arg9 : memref<128xi32, #tpu.memory_space<vmem>>) target_semaphore(%run_scoped3A : memref<!tpu.dma_semaphore, #tpu.memory_space<semaphore_mem>>)
        %dma_wait3A_424 = arith.constant 0 : i32
        %dma_wait3A_425 = tpu.memref_slice %arg5[%add3A, %scan3A_407, %dma_wait3A_424] : memref<32x80x128xi32, #tpu.memory_space<hbm>> -> memref<1x1x128xi32, #tpu.memory_space<hbm>>
        %dma_wait3A_426 = tpu.memref_squeeze %dma_wait3A_425 : memref<1x1x128xi32, #tpu.memory_space<hbm>> -> memref<128xi32, #tpu.memory_space<hbm>>
        %dma_wait3A_427 = arith.constant 0 : i32
        %dma_wait3A_428 = tpu.memref_slice %arg5[%add3A, %scan3A_407, %dma_wait3A_427] : memref<32x80x128xi32, #tpu.memory_space<hbm>> -> memref<1x1x128xi32, #tpu.memory_space<hbm>>
        %dma_wait3A_429 = tpu.memref_squeeze %dma_wait3A_428 : memref<1x1x128xi32, #tpu.memory_space<hbm>> -> memref<128xi32, #tpu.memory_space<hbm>>
        tpu.wait_dma2 semaphore(%run_scoped3A : memref<!tpu.dma_semaphore, #tpu.memory_space<semaphore_mem>>) src(%dma_wait3A_429 : memref<128xi32, #tpu.memory_space<hbm>>) dst(%arg9 : memref<128xi32, #tpu.memory_space<vmem>>)
        tpu.yield
      }) : () -> ()
      %dma_start3A = arith.constant 0 : i32
      %dma_start3A_408 = arith.constant 0 : i32
      %dma_start3A_409 = tpu.memref_slice %arg2[%dma_start3A, %dma_start3A_408] : memref<10240x128xf32, #tpu.memory_space<hbm>> -> memref<10240x128xf32, #tpu.memory_space<hbm>>
      tpu.enqueue_indirect_dma source(%dma_start3A_409 : memref<10240x128xf32, #tpu.memory_space<hbm>>) target(%arg10 : memref<128x128xf32, #tpu.memory_space<vmem>>) offsets(%arg7 : memref<128xi32, #tpu.memory_space<vmem>>) semaphore(%arg15 : memref<!tpu.dma_semaphore, #tpu.memory_space<semaphore_mem>>)
      %dma_wait3A = arith.constant 0 : i32
      %dma_wait3A_410 = arith.constant 0 : i32
      %dma_wait3A_411 = tpu.memref_slice %arg2[%dma_wait3A, %dma_wait3A_410] : memref<10240x128xf32, #tpu.memory_space<hbm>> -> memref<10240x128xf32, #tpu.memory_space<hbm>>
      tpu.wait_indirect_dma semaphore(%arg15 : memref<!tpu.dma_semaphore, #tpu.memory_space<semaphore_mem>>) src(%dma_wait3A_411 : memref<10240x128xf32, #tpu.memory_space<hbm>>) dst(%arg10 : memref<128x128xf32, #tpu.memory_space<vmem>>)
      %scan3A_412 = arith.constant 0 : i32
      %scan3A_413 = arith.constant 0 : i32
      %scan3A_414 = arith.constant 128 : i32
      %scan3A_415 = arith.addi %scan3A_413, %scan3A_414 : i32
      %scan3A_416 = arith.constant 1 : i32
      scf.for %scan3A_418 = %scan3A_413 to %scan3A_415 step %scan3A_416  : i32 {
        %get3A = arith.index_cast %scan3A_418 : i32 to index
        %get3A_419 = arith.constant 0 : index
        %get3A_420 = tpu.vector_load %arg10[%get3A, %get3A_419] {strides = array<i32>} : memref<128x128xf32, #tpu.memory_space<vmem>>, vector<1x16xf32>,
        %get3A_421 = vector.shape_cast %get3A_420 : vector<1x16xf32> to vector<16xf32>
        %swap3A_422 = arith.index_cast %scan3A_418 : i32 to index
        %swap3A_423 = arith.constant 0 : index
        %swap3A_424 = tpu.vector_load %arg11[%swap3A_422, %swap3A_423] {strides = array<i32>} : memref<128x128xf32, #tpu.memory_space<vmem>>, vector<1x16xf32>,
        %swap3A_425 = vector.shape_cast %swap3A_424 : vector<1x16xf32> to vector<16xf32>
        %swap3A_426 = vector.shape_cast %get3A_421 : vector<16xf32> to vector<1x16xf32>
        tpu.vector_store %arg11[%swap3A_422, %swap3A_423], %swap3A_426 {strides = array<i32>} : memref<128x128xf32, #tpu.memory_space<vmem>>, vector<1x16xf32>,
        %swap3A_427 = arith.index_cast %scan3A_418 : i32 to index
        %swap3A_428 = arith.constant 64 : index
        %swap3A_429 = tpu.vector_load %arg12[%swap3A_427, %swap3A_428] {strides = array<i32>} : memref<128x128xf32, #tpu.memory_space<vmem>>, vector<1x16xf32>,
        %swap3A_430 = vector.shape_cast %swap3A_429 : vector<1x16xf32> to vector<16xf32>
        %swap3A_431 = vector.shape_cast %get3A_421 : vector<16xf32> to vector<1x16xf32>
        tpu.vector_store %arg12[%swap3A_427, %swap3A_428], %swap3A_431 {strides = array<i32>} : memref<128x128xf32, #tpu.memory_space<vmem>>, vector<1x16xf32>,
        %get3A_432 = arith.index_cast %scan3A_418 : i32 to index
        %get3A_433 = arith.constant 16 : index
        %get3A_434 = tpu.vector_load %arg10[%get3A_432, %get3A_433] {strides = array<i32>} : memref<128x128xf32, #tpu.memory_space<vmem>>, vector<1x16xf32>,
        %get3A_435 = vector.shape_cast %get3A_434 : vector<1x16xf32> to vector<16xf32>
        %swap3A_436 = arith.index_cast %scan3A_418 : i32 to index
        %swap3A_437 = arith.constant 16 : index
        %swap3A_438 = tpu.vector_load %arg11[%swap3A_436, %swap3A_437] {strides = array<i32>} : memref<128x128xf32, #tpu.memory_space<vmem>>, vector<1x16xf32>,
        %swap3A_439 = vector.shape_cast %swap3A_438 : vector<1x16xf32> to vector<16xf32>
        %swap3A_440 = vector.shape_cast %get3A_435 : vector<16xf32> to vector<1x16xf32>
        tpu.vector_store %arg11[%swap3A_436, %swap3A_437], %swap3A_440 {strides = array<i32>} : memref<128x128xf32, #tpu.memory_space<vmem>>, vector<1x16xf32>,
        %swap3A_441 = arith.index_cast %scan3A_418 : i32 to index
        %swap3A_442 = arith.constant 80 : index
        %swap3A_443 = tpu.vector_load %arg12[%swap3A_441, %swap3A_442] {strides = array<i32>} : memref<128x128xf32, #tpu.memory_space<vmem>>, vector<1x16xf32>,
        %swap3A_444 = vector.shape_cast %swap3A_443 : vector<1x16xf32> to vector<16xf32>
        %swap3A_445 = vector.shape_cast %get3A_435 : vector<16xf32> to vector<1x16xf32>
        tpu.vector_store %arg12[%swap3A_441, %swap3A_442], %swap3A_445 {strides = array<i32>} : memref<128x128xf32, #tpu.memory_space<vmem>>, vector<1x16xf32>,
        %get3A_446 = arith.index_cast %scan3A_418 : i32 to index
        %get3A_447 = arith.constant 32 : index
        %get3A_448 = tpu.vector_load %arg10[%get3A_446, %get3A_447] {strides = array<i32>} : memref<128x128xf32, #tpu.memory_space<vmem>>, vector<1x16xf32>,
        %get3A_449 = vector.shape_cast %get3A_448 : vector<1x16xf32> to vector<16xf32>
        %swap3A_450 = arith.index_cast %scan3A_418 : i32 to index
        %swap3A_451 = arith.constant 32 : index
        %swap3A_452 = tpu.vector_load %arg11[%swap3A_450, %swap3A_451] {strides = array<i32>} : memref<128x128xf32, #tpu.memory_space<vmem>>, vector<1x16xf32>,
        %swap3A_453 = vector.shape_cast %swap3A_452 : vector<1x16xf32> to vector<16xf32>
        %swap3A_454 = vector.shape_cast %get3A_449 : vector<16xf32> to vector<1x16xf32>
        tpu.vector_store %arg11[%swap3A_450, %swap3A_451], %swap3A_454 {strides = array<i32>} : memref<128x128xf32, #tpu.memory_space<vmem>>, vector<1x16xf32>,
        %swap3A_455 = arith.index_cast %scan3A_418 : i32 to index
        %swap3A_456 = arith.constant 96 : index
        %swap3A_457 = tpu.vector_load %arg12[%swap3A_455, %swap3A_456] {strides = array<i32>} : memref<128x128xf32, #tpu.memory_space<vmem>>, vector<1x16xf32>,
        %swap3A_458 = vector.shape_cast %swap3A_457 : vector<1x16xf32> to vector<16xf32>
        %swap3A_459 = vector.shape_cast %get3A_449 : vector<16xf32> to vector<1x16xf32>
        tpu.vector_store %arg12[%swap3A_455, %swap3A_456], %swap3A_459 {strides = array<i32>} : memref<128x128xf32, #tpu.memory_space<vmem>>, vector<1x16xf32>,
        %get3A_460 = arith.index_cast %scan3A_418 : i32 to index
        %get3A_461 = arith.constant 48 : index
        %get3A_462 = tpu.vector_load %arg10[%get3A_460, %get3A_461] {strides = array<i32>} : memref<128x128xf32, #tpu.memory_space<vmem>>, vector<1x16xf32>,
        %get3A_463 = vector.shape_cast %get3A_462 : vector<1x16xf32> to vector<16xf32>
        %swap3A_464 = arith.index_cast %scan3A_418 : i32 to index
        %swap3A_465 = arith.constant 48 : index
        %swap3A_466 = tpu.vector_load %arg11[%swap3A_464, %swap3A_465] {strides = array<i32>} : memref<128x128xf32, #tpu.memory_space<vmem>>, vector<1x16xf32>,
        %swap3A_467 = vector.shape_cast %swap3A_466 : vector<1x16xf32> to vector<16xf32>
        %swap3A_468 = vector.shape_cast %get3A_463 : vector<16xf32> to vector<1x16xf32>
        tpu.vector_store %arg11[%swap3A_464, %swap3A_465], %swap3A_468 {strides = array<i32>} : memref<128x128xf32, #tpu.memory_space<vmem>>, vector<1x16xf32>,
        %swap3A_469 = arith.index_cast %scan3A_418 : i32 to index
        %swap3A_470 = arith.constant 112 : index
        %swap3A_471 = tpu.vector_load %arg12[%swap3A_469, %swap3A_470] {strides = array<i32>} : memref<128x128xf32, #tpu.memory_space<vmem>>, vector<1x16xf32>,
        %swap3A_472 = vector.shape_cast %swap3A_471 : vector<1x16xf32> to vector<16xf32>
        %swap3A_473 = vector.shape_cast %get3A_463 : vector<16xf32> to vector<1x16xf32>
        tpu.vector_store %arg12[%swap3A_469, %swap3A_470], %swap3A_473 {strides = array<i32>} : memref<128x128xf32, #tpu.memory_space<vmem>>, vector<1x16xf32>,
      }
      %scan3A_417 = arith.constant 128 : i32
      "tpu.region"() ({
        %run_scoped3A = tpu.sem_alloc : memref<!tpu.dma_semaphore, #tpu.memory_space<semaphore_mem>>
        %dma_start3A_418 = arith.constant 0 : i32
        %dma_start3A_419 = arith.constant 0 : i32
        %dma_start3A_420 = tpu.memref_slice %arg14[%dma_start3A_418, %dma_start3A_419] : memref<5248x128xf32, #tpu.memory_space<vmem_shared>> -> memref<5248x128xf32, #tpu.memory_space<vmem_shared>>
        tpu.enqueue_indirect_dma source(%arg11 : memref<128x128xf32, #tpu.memory_space<vmem>>) target(%dma_start3A_420 : memref<5248x128xf32, #tpu.memory_space<vmem_shared>>) offsets(%arg8 : memref<128xi32, #tpu.memory_space<vmem>>) semaphore(%run_scoped3A : memref<!tpu.dma_semaphore, #tpu.memory_space<semaphore_mem>>) {add = true}
        %dma_wait3A_421 = arith.constant 0 : i32
        %dma_wait3A_422 = arith.constant 0 : i32
        %dma_wait3A_423 = tpu.memref_slice %arg14[%dma_wait3A_421, %dma_wait3A_422] : memref<5248x128xf32, #tpu.memory_space<vmem_shared>> -> memref<5248x128xf32, #tpu.memory_space<vmem_shared>>
        tpu.wait_indirect_dma semaphore(%run_scoped3A : memref<!tpu.dma_semaphore, #tpu.memory_space<semaphore_mem>>) src(%arg11 : memref<128x128xf32, #tpu.memory_space<vmem>>) dst(%dma_wait3A_423 : memref<5248x128xf32, #tpu.memory_space<vmem_shared>>)
        tpu.yield
      }) : () -> ()
      "tpu.region"() ({
        %run_scoped3A = tpu.sem_alloc : memref<!tpu.dma_semaphore, #tpu.memory_space<semaphore_mem>>
        %dma_start3A_418 = arith.constant 0 : i32
        %dma_start3A_419 = arith.constant 0 : i32
        %dma_start3A_420 = tpu.memref_slice %arg14[%dma_start3A_418, %dma_start3A_419] : memref<5248x128xf32, #tpu.memory_space<vmem_shared>> -> memref<5248x128xf32, #tpu.memory_space<vmem_shared>>
        tpu.enqueue_indirect_dma source(%arg12 : memref<128x128xf32, #tpu.memory_space<vmem>>) target(%dma_start3A_420 : memref<5248x128xf32, #tpu.memory_space<vmem_shared>>) offsets(%arg9 : memref<128xi32, #tpu.memory_space<vmem>>) semaphore(%run_scoped3A : memref<!tpu.dma_semaphore, #tpu.memory_space<semaphore_mem>>) {add = true}
        %dma_wait3A_421 = arith.constant 0 : i32
        %dma_wait3A_422 = arith.constant 0 : i32
        %dma_wait3A_423 = tpu.memref_slice %arg14[%dma_wait3A_421, %dma_wait3A_422] : memref<5248x128xf32, #tpu.memory_space<vmem_shared>> -> memref<5248x128xf32, #tpu.memory_space<vmem_shared>>
        tpu.wait_indirect_dma semaphore(%run_scoped3A : memref<!tpu.dma_semaphore, #tpu.memory_space<semaphore_mem>>) src(%arg12 : memref<128x128xf32, #tpu.memory_space<vmem>>) dst(%dma_wait3A_423 : memref<5248x128xf32, #tpu.memory_space<vmem_shared>>)
        tpu.yield
      }) : () -> ()
    }
    %scan3A_401 = arith.constant 80 : i32
    %barrier3A_402 = arith.constant 0 : index
    tpu.barrier barrier_id(%barrier3A_402)
    %mul3A_403 = arith.constant 328 : i32
    %mul3A_404 = arith.muli %arg1, %mul3A_403 : i32
    %mul3A_405 = arith.constant 328 : i32
    %mul3A_406 = arith.muli %arg1, %mul3A_405 : i32
    "tpu.region"() ({
      %run_scoped3A = tpu.sem_alloc : memref<!tpu.dma_semaphore, #tpu.memory_space<semaphore_mem>>
      %dma_start3A = arith.constant 0 : i32
      %dma_start3A_407 = tpu.memref_slice %arg6[%arg0, %mul3A_406, %dma_start3A] : memref<2x5248x128xf32, #tpu.memory_space<hbm>> -> memref<1x328x128xf32, #tpu.memory_space<hbm>>
      %dma_start3A_408 = tpu.memref_squeeze %dma_start3A_407 : memref<1x328x128xf32, #tpu.memory_space<hbm>> -> memref<328x128xf32, #tpu.memory_space<hbm>>
      %dma_start3A_409 = arith.constant 0 : i32
      %dma_start3A_410 = tpu.memref_slice %arg14[%mul3A_404, %dma_start3A_409] : memref<5248x128xf32, #tpu.memory_space<vmem_shared>> -> memref<328x128xf32, #tpu.memory_space<vmem_shared>>
      tpu.enqueue_dma source(%dma_start3A_410 : memref<328x128xf32, #tpu.memory_space<vmem_shared>>) target(%dma_start3A_408 : memref<328x128xf32, #tpu.memory_space<hbm>>) target_semaphore(%run_scoped3A : memref<!tpu.dma_semaphore, #tpu.memory_space<semaphore_mem>>)
      %dma_wait3A = arith.constant 0 : i32
      %dma_wait3A_411 = tpu.memref_slice %arg6[%arg0, %mul3A_406, %dma_wait3A] : memref<2x5248x128xf32, #tpu.memory_space<hbm>> -> memref<1x328x128xf32, #tpu.memory_space<hbm>>
      %dma_wait3A_412 = tpu.memref_squeeze %dma_wait3A_411 : memref<1x328x128xf32, #tpu.memory_space<hbm>> -> memref<328x128xf32, #tpu.memory_space<hbm>>
      %dma_wait3A_413 = arith.constant 0 : i32
      %dma_wait3A_414 = tpu.memref_slice %arg14[%mul3A_404, %dma_wait3A_413] : memref<5248x128xf32, #tpu.memory_space<vmem_shared>> -> memref<328x128xf32, #tpu.memory_space<vmem_shared>>
      tpu.wait_dma2 semaphore(%run_scoped3A : memref<!tpu.dma_semaphore, #tpu.memory_space<semaphore_mem>>) src(%dma_wait3A_414 : memref<328x128xf32, #tpu.memory_space<vmem_shared>>) dst(%dma_wait3A_412 : memref<328x128xf32, #tpu.memory_space<hbm>>)
      tpu.yield
    }) : () -> ()
    return
  }
}

#map = affine_map<(d0, d1) -> (0, 0)>
#map1 = affine_map<(d0, d1) -> (0, 0, 0)>
module attributes {stable_mosaic.version = 14 : i64} {
  func.func @k(%arg0: i32, %arg1: i32, %arg2: memref<50000x128xi32, #tpu.memory_space<hbm>>, %arg3: memref<32x4x128xi32, #tpu.memory_space<hbm>>, %arg4: memref<16384x128xi32, #tpu.memory_space<hbm>>, %arg5: memref<128xi32, #tpu.memory_space<vmem>>, %arg6: memref<128x128xi32, #tpu.memory_space<vmem>>, %arg7: memref<!tpu.dma_semaphore, #tpu.memory_space<semaphore_mem>>) attributes {dimension_semantics = [#tpu.dimension_semantics<core_parallel>, #tpu.dimension_semantics<subcore_parallel>], iteration_bounds = array<i64: 2, 16>, scalar_prefetch = 0 : i64, scratch_operands = 3 : i64, tpu.core_type = #tpu.core_type<sc_vector_subcore>, window_params = [{transform_indices = #map}, {transform_indices = #map1}, {transform_indices = #map}]} {
    %mul3A = arith.constant 16 : i32
    %mul3A_0 = arith.muli %arg0, %mul3A : i32
    %add3A = arith.addi %mul3A_0, %arg1 : i32
    %mul3A_1 = arith.constant 4 : i32
    %mul3A_2 = arith.muli %add3A, %mul3A_1 : i32
    %mul3A_3 = arith.constant 128 : i32
    %mul3A_4 = arith.muli %mul3A_2, %mul3A_3 : i32
    %scan3A = arith.constant 0 : i32
    %scan3A_5 = arith.constant 0 : i32
    %scan3A_6 = arith.constant 4 : i32
    %scan3A_7 = arith.addi %scan3A_5, %scan3A_6 : i32
    %scan3A_8 = arith.constant 1 : i32
    scf.for %scan3A_10 = %scan3A_5 to %scan3A_7 step %scan3A_8  : i32 {
      "tpu.region"() ({
        %run_scoped3A = tpu.sem_alloc : memref<!tpu.dma_semaphore, #tpu.memory_space<semaphore_mem>>
        %dma_start3A_18 = arith.constant 0 : i32
        %dma_start3A_19 = tpu.memref_slice %arg3[%add3A, %scan3A_10, %dma_start3A_18] : memref<32x4x128xi32, #tpu.memory_space<hbm>> -> memref<1x1x128xi32, #tpu.memory_space<hbm>>
        %dma_start3A_20 = tpu.memref_squeeze %dma_start3A_19 : memref<1x1x128xi32, #tpu.memory_space<hbm>> -> memref<128xi32, #tpu.memory_space<hbm>>
        %dma_start3A_21 = arith.constant 0 : i32
        %dma_start3A_22 = tpu.memref_slice %arg3[%add3A, %scan3A_10, %dma_start3A_21] : memref<32x4x128xi32, #tpu.memory_space<hbm>> -> memref<1x1x128xi32, #tpu.memory_space<hbm>>
        %dma_start3A_23 = tpu.memref_squeeze %dma_start3A_22 : memref<1x1x128xi32, #tpu.memory_space<hbm>> -> memref<128xi32, #tpu.memory_space<hbm>>
        tpu.enqueue_dma source(%dma_start3A_23 : memref<128xi32, #tpu.memory_space<hbm>>) target(%arg5 : memref<128xi32, #tpu.memory_space<vmem>>) target_semaphore(%run_scoped3A : memref<!tpu.dma_semaphore, #tpu.memory_space<semaphore_mem>>)
        %dma_wait3A_24 = arith.constant 0 : i32
        %dma_wait3A_25 = tpu.memref_slice %arg3[%add3A, %scan3A_10, %dma_wait3A_24] : memref<32x4x128xi32, #tpu.memory_space<hbm>> -> memref<1x1x128xi32, #tpu.memory_space<hbm>>
        %dma_wait3A_26 = tpu.memref_squeeze %dma_wait3A_25 : memref<1x1x128xi32, #tpu.memory_space<hbm>> -> memref<128xi32, #tpu.memory_space<hbm>>
        %dma_wait3A_27 = arith.constant 0 : i32
        %dma_wait3A_28 = tpu.memref_slice %arg3[%add3A, %scan3A_10, %dma_wait3A_27] : memref<32x4x128xi32, #tpu.memory_space<hbm>> -> memref<1x1x128xi32, #tpu.memory_space<hbm>>
        %dma_wait3A_29 = tpu.memref_squeeze %dma_wait3A_28 : memref<1x1x128xi32, #tpu.memory_space<hbm>> -> memref<128xi32, #tpu.memory_space<hbm>>
        tpu.wait_dma2 semaphore(%run_scoped3A : memref<!tpu.dma_semaphore, #tpu.memory_space<semaphore_mem>>) src(%dma_wait3A_29 : memref<128xi32, #tpu.memory_space<hbm>>) dst(%arg5 : memref<128xi32, #tpu.memory_space<vmem>>)
        tpu.yield
      }) : () -> ()
      %dma_start3A = arith.constant 0 : i32
      %dma_start3A_11 = arith.constant 0 : i32
      %dma_start3A_12 = tpu.memref_slice %arg2[%dma_start3A, %dma_start3A_11] : memref<50000x128xi32, #tpu.memory_space<hbm>> -> memref<50000x128xi32, #tpu.memory_space<hbm>>
      tpu.enqueue_indirect_dma source(%dma_start3A_12 : memref<50000x128xi32, #tpu.memory_space<hbm>>) target(%arg6 : memref<128x128xi32, #tpu.memory_space<vmem>>) offsets(%arg5 : memref<128xi32, #tpu.memory_space<vmem>>) semaphore(%arg7 : memref<!tpu.dma_semaphore, #tpu.memory_space<semaphore_mem>>)
      %dma_wait3A = arith.constant 0 : i32
      %dma_wait3A_13 = arith.constant 0 : i32
      %dma_wait3A_14 = tpu.memref_slice %arg2[%dma_wait3A, %dma_wait3A_13] : memref<50000x128xi32, #tpu.memory_space<hbm>> -> memref<50000x128xi32, #tpu.memory_space<hbm>>
      tpu.wait_indirect_dma semaphore(%arg7 : memref<!tpu.dma_semaphore, #tpu.memory_space<semaphore_mem>>) src(%dma_wait3A_14 : memref<50000x128xi32, #tpu.memory_space<hbm>>) dst(%arg6 : memref<128x128xi32, #tpu.memory_space<vmem>>)
      %mul3A_15 = arith.constant 128 : i32
      %mul3A_16 = arith.muli %scan3A_10, %mul3A_15 : i32
      %add3A_17 = arith.addi %mul3A_4, %mul3A_16 : i32
      "tpu.region"() ({
        %run_scoped3A = tpu.sem_alloc : memref<!tpu.dma_semaphore, #tpu.memory_space<semaphore_mem>>
        %dma_start3A_18 = arith.constant 0 : i32
        %dma_start3A_19 = tpu.memref_slice %arg4[%add3A_17, %dma_start3A_18] : memref<16384x128xi32, #tpu.memory_space<hbm>> -> memref<128x128xi32, #tpu.memory_space<hbm>>
        %dma_start3A_20 = arith.constant 0 : i32
        %dma_start3A_21 = tpu.memref_slice %arg4[%add3A_17, %dma_start3A_20] : memref<16384x128xi32, #tpu.memory_space<hbm>> -> memref<128x128xi32, #tpu.memory_space<hbm>>
        tpu.enqueue_dma source(%arg6 : memref<128x128xi32, #tpu.memory_space<vmem>>) target(%dma_start3A_21 : memref<128x128xi32, #tpu.memory_space<hbm>>) target_semaphore(%run_scoped3A : memref<!tpu.dma_semaphore, #tpu.memory_space<semaphore_mem>>)
        %dma_wait3A_22 = arith.constant 0 : i32
        %dma_wait3A_23 = tpu.memref_slice %arg4[%add3A_17, %dma_wait3A_22] : memref<16384x128xi32, #tpu.memory_space<hbm>> -> memref<128x128xi32, #tpu.memory_space<hbm>>
        %dma_wait3A_24 = arith.constant 0 : i32
        %dma_wait3A_25 = tpu.memref_slice %arg4[%add3A_17, %dma_wait3A_24] : memref<16384x128xi32, #tpu.memory_space<hbm>> -> memref<128x128xi32, #tpu.memory_space<hbm>>
        tpu.wait_dma2 semaphore(%run_scoped3A : memref<!tpu.dma_semaphore, #tpu.memory_space<semaphore_mem>>) src(%arg6 : memref<128x128xi32, #tpu.memory_space<vmem>>) dst(%dma_wait3A_25 : memref<128x128xi32, #tpu.memory_space<hbm>>)
        tpu.yield
      }) : () -> ()
    }
    %scan3A_9 = arith.constant 4 : i32
    return
  }
}

module attributes {stable_mosaic.version = 14 : i64} {
  func.func @_mm_body(%arg0: i32, %arg1: memref<1280x128xf32, #tpu.memory_space<vmem>>, %arg2: memref<128x128xf32, #tpu.memory_space<vmem>>, %arg3: memref<1280x128xf32, #tpu.memory_space<vmem>>) attributes {dimension_semantics = [#tpu.dimension_semantics<arbitrary>], iteration_bounds = array<i64: 8>, scalar_prefetch = 0 : i64, scratch_operands = 0 : i64, tpu.core_type = #tpu.core_type<tc>, window_params = [{transform_indices = @transform_0, window_bounds = array<i64: 1280, 128>}, {pipeline_mode = #tpu.pipeline_mode<synchronous>, transform_indices = @transform_1, window_bounds = array<i64: 128, 128>}, {transform_indices = @transform_2, window_bounds = array<i64: 1280, 128>}]} {
    %get3A = arith.constant 0 : index
    %get3A_0 = arith.constant 0 : index
    %get3A_1 = vector.load %arg1[%get3A, %get3A_0] : memref<1280x128xf32, #tpu.memory_space<vmem>>, vector<1280x128xf32>
    %get3A_2 = arith.constant 0 : index
    %get3A_3 = arith.constant 0 : index
    %get3A_4 = vector.load %arg2[%get3A_2, %get3A_3] : memref<128x128xf32, #tpu.memory_space<vmem>>, vector<128x128xf32>
    %dot_general3A = arith.constant dense<0.000000e+00> : vector<1280x128xf32>
    %dot_general3A_5 = tpu.matmul %get3A_1, %get3A_4, %dot_general3A {dimension_numbers = #tpu.dot_dimension_numbers<[1], [0], [0], [1], [0, 0, 1, 1], [], []>, transpose_lhs_hint = false} : vector<1280x128xf32>, vector<128x128xf32>, vector<1280x128xf32> -> vector<1280x128xf32>
    %swap3A = arith.constant 0 : index
    %swap3A_6 = arith.constant 0 : index
    %swap3A_7 = vector.load %arg3[%swap3A, %swap3A_6] : memref<1280x128xf32, #tpu.memory_space<vmem>>, vector<1280x128xf32>
    tpu.vector_store %arg3[%swap3A, %swap3A_6], %dot_general3A_5 {strides = array<i32>} : memref<1280x128xf32, #tpu.memory_space<vmem>>, vector<1280x128xf32>,
    return
  }
  func.func @transform_0(%arg0: i32) -> (i32, i32) {
    %c0_i32 = arith.constant 0 : i32
    %c0_i32_0 = arith.constant 0 : i32
    return %arg0, %c0_i32 : i32, i32
  }
  func.func @transform_1(%arg0: i32) -> (i32, i32) {
    %c0_i32 = arith.constant 0 : i32
    %c0_i32_0 = arith.constant 0 : i32
    %c0_i32_1 = arith.constant 0 : i32
    return %c0_i32, %c0_i32_0 : i32, i32
  }
  func.func @transform_2(%arg0: i32) -> (i32, i32) {
    %c0_i32 = arith.constant 0 : i32
    %c0_i32_0 = arith.constant 0 : i32
    return %arg0, %c0_i32 : i32, i32
  }
}

module attributes {stable_mosaic.version = 14 : i64} {
  func.func @body(%arg0: i32, %arg1: memref<1280x128xf32, #tpu.memory_space<vmem>>, %arg2: memref<2x1280x64xf32, #tpu.memory_space<vmem>>, %arg3: memref<8x64xf32, #tpu.memory_space<vmem>>, %arg4: memref<64x64xf32, #tpu.memory_space<vmem>>, %arg5: memref<1280x64xf32, #tpu.memory_space<vmem>>, %arg6: memref<8x64xf32, #tpu.memory_space<vmem>>) attributes {dimension_semantics = [#tpu.dimension_semantics<arbitrary>], iteration_bounds = array<i64: 8>, scalar_prefetch = 0 : i64, scratch_operands = 0 : i64, tpu.core_type = #tpu.core_type<tc>, window_params = [{transform_indices = @transform_0, window_bounds = array<i64: 1280, 128>}, {transform_indices = @transform_1, window_bounds = array<i64: 2, 1280, 64>}, {pipeline_mode = #tpu.pipeline_mode<synchronous>, transform_indices = @transform_2, window_bounds = array<i64: 8, 64>}, {pipeline_mode = #tpu.pipeline_mode<synchronous>, transform_indices = @transform_3, window_bounds = array<i64: 64, 64>}, {transform_indices = @transform_4, window_bounds = array<i64: 1280, 64>}, {pipeline_mode = #tpu.pipeline_mode<synchronous>, transform_indices = @transform_5, window_bounds = array<i64: 8, 64>}]} {
    %get3A = arith.constant 0 : index
    %get3A_0 = arith.constant 0 : index
    %get3A_1 = arith.constant 0 : index
    %get3A_2 = vector.load %arg2[%get3A, %get3A_0, %get3A_1] : memref<2x1280x64xf32, #tpu.memory_space<vmem>>, vector<1x1280x64xf32>
    %get3A_3 = vector.shape_cast %get3A_2 : vector<1x1280x64xf32> to vector<1280x64xf32>
    %get3A_4 = arith.constant 1 : index
    %get3A_5 = arith.constant 0 : index
    %get3A_6 = arith.constant 0 : index
    %get3A_7 = vector.load %arg2[%get3A_4, %get3A_5, %get3A_6] : memref<2x1280x64xf32, #tpu.memory_space<vmem>>, vector<1x1280x64xf32>
    %get3A_8 = vector.shape_cast %get3A_7 : vector<1x1280x64xf32> to vector<1280x64xf32>
    %add3A = arith.addf %get3A_3, %get3A_8 : vector<1280x64xf32>
    %get3A_9 = arith.constant 0 : index
    %get3A_10 = arith.constant 0 : index
    %get3A_11 = vector.load %arg1[%get3A_9, %get3A_10] : memref<1280x128xf32, #tpu.memory_space<vmem>>, vector<1280x128xf32>
    %slice3A = vector.extract_strided_slice %get3A_11 {offsets = [0, 0], sizes = [1280, 64], strides = [1, 1]} : vector<1280x128xf32> to vector<1280x64xf32>
    %get3A_12 = arith.constant 0 : index
    %get3A_13 = arith.constant 0 : index
    %get3A_14 = vector.load %arg3[%get3A_12, %get3A_13] : memref<8x64xf32, #tpu.memory_space<vmem>>, vector<1x64xf32>
    %mul3A = vector.broadcast %get3A_14 : vector<1x64xf32> to vector<1280x64xf32>
    %mul3A_15 = arith.mulf %slice3A, %mul3A : vector<1280x64xf32>
    %add3A_16 = arith.addf %mul3A_15, %add3A : vector<1280x64xf32>
    %get3A_17 = arith.constant 1 : index
    %get3A_18 = arith.constant 0 : index
    %get3A_19 = vector.load %arg3[%get3A_17, %get3A_18] : memref<8x64xf32, #tpu.memory_space<vmem>>, vector<1x64xf32>
    %add3A_20 = vector.broadcast %get3A_19 : vector<1x64xf32> to vector<1280x64xf32>
    %add3A_21 = arith.addf %add3A_16, %add3A_20 : vector<1280x64xf32>
    %max3A = arith.constant 0.000000e+00 : f32
    %max3A_22 = vector.broadcast %max3A : f32 to vector<1280x64xf32>
    %max3A_23 = arith.maximumf %add3A_21, %max3A_22 : vector<1280x64xf32>
    %get3A_24 = arith.constant 0 : index
    %get3A_25 = arith.constant 0 : index
    %get3A_26 = vector.load %arg4[%get3A_24, %get3A_25] : memref<64x64xf32, #tpu.memory_space<vmem>>, vector<64x64xf32>
    %dot_general3A = arith.constant dense<0.000000e+00> : vector<1280x64xf32>
    %dot_general3A_27 = tpu.matmul %max3A_23, %get3A_26, %dot_general3A {dimension_numbers = #tpu.dot_dimension_numbers<[1], [0], [0], [1], [0, 0, 1, 1], [], []>, transpose_lhs_hint = false} : vector<1280x64xf32>, vector<64x64xf32>, vector<1280x64xf32> -> vector<1280x64xf32>
    %get3A_28 = arith.constant 2 : index
    %get3A_29 = arith.constant 0 : index
    %get3A_30 = vector.load %arg3[%get3A_28, %get3A_29] : memref<8x64xf32, #tpu.memory_space<vmem>>, vector<1x64xf32>
    %add3A_31 = vector.broadcast %get3A_30 : vector<1x64xf32> to vector<1280x64xf32>
    %add3A_32 = arith.addf %dot_general3A_27, %add3A_31 : vector<1280x64xf32>
    %max3A_33 = arith.constant 0.000000e+00 : f32
    %max3A_34 = vector.broadcast %max3A_33 : f32 to vector<1280x64xf32>
    %max3A_35 = arith.maximumf %add3A_32, %max3A_34 : vector<1280x64xf32>
    %swap3A = arith.constant 0 : index
    %swap3A_36 = arith.constant 0 : index
    %swap3A_37 = vector.load %arg5[%swap3A, %swap3A_36] : memref<1280x64xf32, #tpu.memory_space<vmem>>, vector<1280x64xf32>
    tpu.vector_store %arg5[%swap3A, %swap3A_36], %max3A_35 {strides = array<i32>} : memref<1280x64xf32, #tpu.memory_space<vmem>>, vector<1280x64xf32>,
    %eq3A = arith.constant 0 : i32
    %eq3A_38 = arith.cmpi eq, %arg0, %eq3A : i32
    %convert_element_type3A = arith.extui %eq3A_38 : i1 to i32
    %cond3A = arith.constant 0 : i32
    %cond3A_39 = arith.cmpi ne, %convert_element_type3A, %cond3A : i32
    scf.if %cond3A_39 {
      %broadcast_in_dim3A_70 = arith.constant 0.000000e+00 : f32
      %broadcast_in_dim3A_71 = vector.broadcast %broadcast_in_dim3A_70 : f32 to vector<8x64xf32>
      %swap3A_72 = arith.constant 0 : index
      %swap3A_73 = arith.constant 0 : index
      %swap3A_74 = vector.load %arg6[%swap3A_72, %swap3A_73] : memref<8x64xf32, #tpu.memory_space<vmem>>, vector<8x64xf32>
      tpu.vector_store %arg6[%swap3A_72, %swap3A_73], %broadcast_in_dim3A_71 {strides = array<i32>} : memref<8x64xf32, #tpu.memory_space<vmem>>, vector<8x64xf32>,
    } else {
    }
    %mul3A_40 = arith.constant 1280 : i32
    %mul3A_41 = arith.muli %arg0, %mul3A_40 : i32
    %iota3A = tpu.iota {dimensions = array<i32: 0>} : vector<1280x1xi32>
    %add3A_42 = vector.broadcast %mul3A_41 : i32 to vector<1280x1xi32>
    %add3A_43 = arith.addi %add3A_42, %iota3A : vector<1280x1xi32>
    %lt3A = arith.constant 10000 : i32
    %lt3A_44 = vector.broadcast %lt3A : i32 to vector<1280x1xi32>
    %lt3A_45 = arith.cmpi slt, %add3A_43, %lt3A_44 : vector<1280x1xi32>
    %jit3A = arith.constant 0.000000e+00 : f32
    %broadcast_in_dim3A = vector.shape_cast %lt3A_45 : vector<1280x1xi1> to vector<1280x1xi1>
    %broadcast_in_dim3A_46 = vector.broadcast %broadcast_in_dim3A : vector<1280x1xi1> to vector<1280x64xi1>
    %broadcast_in_dim3A_47 = vector.broadcast %jit3A : f32 to vector<1280x64xf32>
    %select_n3A = arith.select %broadcast_in_dim3A_46, %max3A_35, %broadcast_in_dim3A_47 : vector<1280x64xi1>, vector<1280x64xf32>
    %sub3A = arith.constant 0.699999988 : f32
    %sub3A_48 = vector.broadcast %sub3A : f32 to vector<1280x64xf32>
    %sub3A_49 = arith.subf %max3A_35, %sub3A_48 : vector<1280x64xf32>
    %jit3A_50 = arith.constant 0.000000e+00 : f32
    %broadcast_in_dim3A_51 = vector.shape_cast %lt3A_45 : vector<1280x1xi1> to vector<1280x1xi1>
    %broadcast_in_dim3A_52 = vector.broadcast %broadcast_in_dim3A_51 : vector<1280x1xi1> to vector<1280x64xi1>
    %broadcast_in_dim3A_53 = vector.broadcast %jit3A_50 : f32 to vector<1280x64xf32>
    %select_n3A_54 = arith.select %broadcast_in_dim3A_52, %sub3A_49, %broadcast_in_dim3A_53 : vector<1280x64xi1>, vector<1280x64xf32>
    %reduce_sum3A = arith.constant dense<0.000000e+00> : vector<64xf32>
    %reduce_sum3A_55 = vector.multi_reduction <add>, %select_n3A, %reduce_sum3A [0] : vector<1280x64xf32> to vector<64xf32>
    %mul3A_56 = arith.mulf %select_n3A_54, %select_n3A_54 : vector<1280x64xf32>
    %reduce_sum3A_57 = arith.constant dense<0.000000e+00> : vector<64xf32>
    %reduce_sum3A_58 = vector.multi_reduction <add>, %mul3A_56, %reduce_sum3A_57 [0] : vector<1280x64xf32> to vector<64xf32>
    %get3A_59 = arith.constant 0 : index
    %get3A_60 = arith.constant 0 : index
    %get3A_61 = vector.load %arg6[%get3A_59, %get3A_60] : memref<8x64xf32, #tpu.memory_space<vmem>>, vector<8x64xf32>
    %broadcast_in_dim3A_62 = vector.shape_cast %reduce_sum3A_55 : vector<64xf32> to vector<1x64xf32>
    %broadcast_in_dim3A_63 = vector.shape_cast %reduce_sum3A_58 : vector<64xf32> to vector<1x64xf32>
    %broadcast_in_dim3A_64 = arith.constant 0.000000e+00 : f32
    %broadcast_in_dim3A_65 = vector.broadcast %broadcast_in_dim3A_64 : f32 to vector<6x64xf32>
    %concatenate3A = tpu.concatenate %broadcast_in_dim3A_62, %broadcast_in_dim3A_63, %broadcast_in_dim3A_65 in 0 : vector<1x64xf32>, vector<1x64xf32>, vector<6x64xf32> -> vector<8x64xf32>
    %add3A_66 = arith.addf %get3A_61, %concatenate3A : vector<8x64xf32>
    %swap3A_67 = arith.constant 0 : index
    %swap3A_68 = arith.constant 0 : index
    %swap3A_69 = vector.load %arg6[%swap3A_67, %swap3A_68] : memref<8x64xf32, #tpu.memory_space<vmem>>, vector<8x64xf32>
    tpu.vector_store %arg6[%swap3A_67, %swap3A_68], %add3A_66 {strides = array<i32>} : memref<8x64xf32, #tpu.memory_space<vmem>>, vector<8x64xf32>,
    return
  }
  func.func @transform_0(%arg0: i32) -> (i32, i32) {
    %c0_i32 = arith.constant 0 : i32
    %c0_i32_0 = arith.constant 0 : i32
    return %arg0, %c0_i32 : i32, i32
  }
  func.func @transform_1(%arg0: i32) -> (i32, i32, i32) {
    %c0_i32 = arith.constant 0 : i32
    %c0_i32_0 = arith.constant 0 : i32
    %c0_i32_1 = arith.constant 0 : i32
    return %c0_i32, %arg0, %c0_i32_0 : i32, i32, i32
  }
  func.func @transform_2(%arg0: i32) -> (i32, i32) {
    %c0_i32 = arith.constant 0 : i32
    %c0_i32_0 = arith.constant 0 : i32
    %c0_i32_1 = arith.constant 0 : i32
    return %c0_i32, %c0_i32_0 : i32, i32
  }
  func.func @transform_3(%arg0: i32) -> (i32, i32) {
    %c0_i32 = arith.constant 0 : i32
    %c0_i32_0 = arith.constant 0 : i32
    %c0_i32_1 = arith.constant 0 : i32
    return %c0_i32, %c0_i32_0 : i32, i32
  }
  func.func @transform_4(%arg0: i32) -> (i32, i32) {
    %c0_i32 = arith.constant 0 : i32
    %c0_i32_0 = arith.constant 0 : i32
    return %arg0, %c0_i32 : i32, i32
  }
  func.func @transform_5(%arg0: i32) -> (i32, i32) {
    %c0_i32 = arith.constant 0 : i32
    %c0_i32_0 = arith.constant 0 : i32
    %c0_i32_1 = arith.constant 0 : i32
    return %c0_i32, %c0_i32_0 : i32, i32
  }
}

module attributes {stable_mosaic.version = 14 : i64} {
  func.func @body(%arg0: i32, %arg1: memref<1280x64xf32, #tpu.memory_space<vmem>>, %arg2: memref<8x64xf32, #tpu.memory_space<vmem>>, %arg3: memref<8x64xf32, #tpu.memory_space<vmem>>, %arg4: memref<64x128xf32, #tpu.memory_space<vmem>>, %arg5: memref<1280x128xf32, #tpu.memory_space<vmem>>) attributes {dimension_semantics = [#tpu.dimension_semantics<arbitrary>], iteration_bounds = array<i64: 8>, scalar_prefetch = 0 : i64, scratch_operands = 0 : i64, tpu.core_type = #tpu.core_type<tc>, window_params = [{transform_indices = @transform_0, window_bounds = array<i64: 1280, 64>}, {pipeline_mode = #tpu.pipeline_mode<synchronous>, transform_indices = @transform_1, window_bounds = array<i64: 8, 64>}, {pipeline_mode = #tpu.pipeline_mode<synchronous>, transform_indices = @transform_2, window_bounds = array<i64: 8, 64>}, {pipeline_mode = #tpu.pipeline_mode<synchronous>, transform_indices = @transform_3, window_bounds = array<i64: 64, 128>}, {transform_indices = @transform_4, window_bounds = array<i64: 1280, 128>}]} {
    %get3A = arith.constant 0 : index
    %get3A_0 = arith.constant 0 : index
    %get3A_1 = vector.load %arg1[%get3A, %get3A_0] : memref<1280x64xf32, #tpu.memory_space<vmem>>, vector<1280x64xf32>
    %get3A_2 = arith.constant 0 : index
    %get3A_3 = arith.constant 0 : index
    %get3A_4 = vector.load %arg2[%get3A_2, %get3A_3] : memref<8x64xf32, #tpu.memory_space<vmem>>, vector<1x64xf32>
    %div3A = arith.constant 1.000000e+04 : f32
    %div3A_5 = vector.broadcast %div3A : f32 to vector<1x64xf32>
    %div3A_6 = arith.divf %get3A_4, %div3A_5 : vector<1x64xf32>
    %sub3A = arith.constant 0.699999988 : f32
    %sub3A_7 = vector.broadcast %sub3A : f32 to vector<1x64xf32>
    %sub3A_8 = arith.subf %div3A_6, %sub3A_7 : vector<1x64xf32>
    %get3A_9 = arith.constant 1 : index
    %get3A_10 = arith.constant 0 : index
    %get3A_11 = vector.load %arg2[%get3A_9, %get3A_10] : memref<8x64xf32, #tpu.memory_space<vmem>>, vector<1x64xf32>
    %div3A_12 = arith.constant 1.000000e+04 : f32
    %div3A_13 = vector.broadcast %div3A_12 : f32 to vector<1x64xf32>
    %div3A_14 = arith.divf %get3A_11, %div3A_13 : vector<1x64xf32>
    %mul3A = arith.mulf %sub3A_8, %sub3A_8 : vector<1x64xf32>
    %sub3A_15 = arith.subf %div3A_14, %mul3A : vector<1x64xf32>
    %add3A = arith.constant 9.99999974E-6 : f32
    %add3A_16 = vector.broadcast %add3A : f32 to vector<1x64xf32>
    %add3A_17 = arith.addf %sub3A_15, %add3A_16 : vector<1x64xf32>
    %rsqrt3A = math.rsqrt %add3A_17 : vector<1x64xf32>
    %sub3A_18 = vector.broadcast %div3A_6 : vector<1x64xf32> to vector<1280x64xf32>
    %sub3A_19 = arith.subf %get3A_1, %sub3A_18 : vector<1280x64xf32>
    %get3A_20 = arith.constant 0 : index
    %get3A_21 = arith.constant 0 : index
    %get3A_22 = vector.load %arg3[%get3A_20, %get3A_21] : memref<8x64xf32, #tpu.memory_space<vmem>>, vector<1x64xf32>
    %mul3A_23 = arith.mulf %rsqrt3A, %get3A_22 : vector<1x64xf32>
    %mul3A_24 = vector.broadcast %mul3A_23 : vector<1x64xf32> to vector<1280x64xf32>
    %mul3A_25 = arith.mulf %sub3A_19, %mul3A_24 : vector<1280x64xf32>
    %get3A_26 = arith.constant 1 : index
    %get3A_27 = arith.constant 0 : index
    %get3A_28 = vector.load %arg3[%get3A_26, %get3A_27] : memref<8x64xf32, #tpu.memory_space<vmem>>, vector<1x64xf32>
    %add3A_29 = vector.broadcast %get3A_28 : vector<1x64xf32> to vector<1280x64xf32>
    %add3A_30 = arith.addf %mul3A_25, %add3A_29 : vector<1280x64xf32>
    %get3A_31 = arith.constant 0 : index
    %get3A_32 = arith.constant 0 : index
    %get3A_33 = vector.load %arg4[%get3A_31, %get3A_32] : memref<64x128xf32, #tpu.memory_space<vmem>>, vector<64x128xf32>
    %dot_general3A = arith.constant dense<0.000000e+00> : vector<1280x128xf32>
    %dot_general3A_34 = tpu.matmul %add3A_30, %get3A_33, %dot_general3A {dimension_numbers = #tpu.dot_dimension_numbers<[1], [0], [0], [1], [0, 0, 1, 1], [], []>, transpose_lhs_hint = false} : vector<1280x64xf32>, vector<64x128xf32>, vector<1280x128xf32> -> vector<1280x128xf32>
    %swap3A = arith.constant 0 : index
    %swap3A_35 = arith.constant 0 : index
    %swap3A_36 = vector.load %arg5[%swap3A, %swap3A_35] : memref<1280x128xf32, #tpu.memory_space<vmem>>, vector<1280x128xf32>
    tpu.vector_store %arg5[%swap3A, %swap3A_35], %dot_general3A_34 {strides = array<i32>} : memref<1280x128xf32, #tpu.memory_space<vmem>>, vector<1280x128xf32>,
    return
  }
  func.func @transform_0(%arg0: i32) -> (i32, i32) {
    %c0_i32 = arith.constant 0 : i32
    %c0_i32_0 = arith.constant 0 : i32
    return %arg0, %c0_i32 : i32, i32
  }
  func.func @transform_1(%arg0: i32) -> (i32, i32) {
    %c0_i32 = arith.constant 0 : i32
    %c0_i32_0 = arith.constant 0 : i32
    %c0_i32_1 = arith.constant 0 : i32
    return %c0_i32, %c0_i32_0 : i32, i32
  }
  func.func @transform_2(%arg0: i32) -> (i32, i32) {
    %c0_i32 = arith.constant 0 : i32
    %c0_i32_0 = arith.constant 0 : i32
    %c0_i32_1 = arith.constant 0 : i32
    return %c0_i32, %c0_i32_0 : i32, i32
  }
  func.func @transform_3(%arg0: i32) -> (i32, i32) {
    %c0_i32 = arith.constant 0 : i32
    %c0_i32_0 = arith.constant 0 : i32
    %c0_i32_1 = arith.constant 0 : i32
    return %c0_i32, %c0_i32_0 : i32, i32
  }
  func.func @transform_4(%arg0: i32) -> (i32, i32) {
    %c0_i32 = arith.constant 0 : i32
    %c0_i32_0 = arith.constant 0 : i32
    return %arg0, %c0_i32 : i32, i32
  }
}

module attributes {stable_mosaic.version = 14 : i64} {
  func.func @body(%arg0: i32, %arg1: memref<1280x64xf32, #tpu.memory_space<vmem>>, %arg2: memref<8x64xf32, #tpu.memory_space<vmem>>, %arg3: memref<8x64xf32, #tpu.memory_space<vmem>>, %arg4: memref<8x128xf32, #tpu.memory_space<vmem>>, %arg5: memref<64x64xf32, #tpu.memory_space<vmem>>, %arg6: memref<64x128xf32, #tpu.memory_space<vmem>>, %arg7: memref<1280x128xf32, #tpu.memory_space<vmem>>) attributes {dimension_semantics = [#tpu.dimension_semantics<arbitrary>], iteration_bounds = array<i64: 8>, scalar_prefetch = 0 : i64, scratch_operands = 0 : i64, tpu.core_type = #tpu.core_type<tc>, window_params = [{transform_indices = @transform_0, window_bounds = array<i64: 1280, 64>}, {pipeline_mode = #tpu.pipeline_mode<synchronous>, transform_indices = @transform_1, window_bounds = array<i64: 8, 64>}, {pipeline_mode = #tpu.pipeline_mode<synchronous>, transform_indices = @transform_2, window_bounds = array<i64: 8, 64>}, {pipeline_mode = #tpu.pipeline_mode<synchronous>, transform_indices = @transform_3, window_bounds = array<i64: 8, 128>}, {pipeline_mode = #tpu.pipeline_mode<synchronous>, transform_indices = @transform_4, window_bounds = array<i64: 64, 64>}, {pipeline_mode = #tpu.pipeline_mode<synchronous>, transform_indices = @transform_5, window_bounds = array<i64: 64, 128>}, {transform_indices = @transform_6, window_bounds = array<i64: 1280, 128>}]} {
    %get3A = arith.constant 0 : index
    %get3A_0 = arith.constant 0 : index
    %get3A_1 = vector.load %arg1[%get3A, %get3A_0] : memref<1280x64xf32, #tpu.memory_space<vmem>>, vector<1280x64xf32>
    %get3A_2 = arith.constant 0 : index
    %get3A_3 = arith.constant 0 : index
    %get3A_4 = vector.load %arg2[%get3A_2, %get3A_3] : memref<8x64xf32, #tpu.memory_space<vmem>>, vector<1x64xf32>
    %div3A = arith.constant 1.000000e+04 : f32
    %div3A_5 = vector.broadcast %div3A : f32 to vector<1x64xf32>
    %div3A_6 = arith.divf %get3A_4, %div3A_5 : vector<1x64xf32>
    %sub3A = arith.constant 0.699999988 : f32
    %sub3A_7 = vector.broadcast %sub3A : f32 to vector<1x64xf32>
    %sub3A_8 = arith.subf %div3A_6, %sub3A_7 : vector<1x64xf32>
    %get3A_9 = arith.constant 1 : index
    %get3A_10 = arith.constant 0 : index
    %get3A_11 = vector.load %arg2[%get3A_9, %get3A_10] : memref<8x64xf32, #tpu.memory_space<vmem>>, vector<1x64xf32>
    %div3A_12 = arith.constant 1.000000e+04 : f32
    %div3A_13 = vector.broadcast %div3A_12 : f32 to vector<1x64xf32>
    %div3A_14 = arith.divf %get3A_11, %div3A_13 : vector<1x64xf32>
    %mul3A = arith.mulf %sub3A_8, %sub3A_8 : vector<1x64xf32>
    %sub3A_15 = arith.subf %div3A_14, %mul3A : vector<1x64xf32>
    %add3A = arith.constant 9.99999974E-6 : f32
    %add3A_16 = vector.broadcast %add3A : f32 to vector<1x64xf32>
    %add3A_17 = arith.addf %sub3A_15, %add3A_16 : vector<1x64xf32>
    %rsqrt3A = math.rsqrt %add3A_17 : vector<1x64xf32>
    %sub3A_18 = vector.broadcast %div3A_6 : vector<1x64xf32> to vector<1280x64xf32>
    %sub3A_19 = arith.subf %get3A_1, %sub3A_18 : vector<1280x64xf32>
    %get3A_20 = arith.constant 0 : index
    %get3A_21 = arith.constant 0 : index
    %get3A_22 = vector.load %arg3[%get3A_20, %get3A_21] : memref<8x64xf32, #tpu.memory_space<vmem>>, vector<1x64xf32>
    %mul3A_23 = arith.mulf %rsqrt3A, %get3A_22 : vector<1x64xf32>
    %mul3A_24 = vector.broadcast %mul3A_23 : vector<1x64xf32> to vector<1280x64xf32>
    %mul3A_25 = arith.mulf %sub3A_19, %mul3A_24 : vector<1280x64xf32>
    %get3A_26 = arith.constant 1 : index
    %get3A_27 = arith.constant 0 : index
    %get3A_28 = vector.load %arg3[%get3A_26, %get3A_27] : memref<8x64xf32, #tpu.memory_space<vmem>>, vector<1x64xf32>
    %add3A_29 = vector.broadcast %get3A_28 : vector<1x64xf32> to vector<1280x64xf32>
    %add3A_30 = arith.addf %mul3A_25, %add3A_29 : vector<1280x64xf32>
    %get3A_31 = arith.constant 0 : index
    %get3A_32 = arith.constant 0 : index
    %get3A_33 = vector.load %arg5[%get3A_31, %get3A_32] : memref<64x64xf32, #tpu.memory_space<vmem>>, vector<64x64xf32>
    %dot_general3A = arith.constant dense<0.000000e+00> : vector<1280x64xf32>
    %dot_general3A_34 = tpu.matmul %add3A_30, %get3A_33, %dot_general3A {dimension_numbers = #tpu.dot_dimension_numbers<[1], [0], [0], [1], [0, 0, 1, 1], [], []>, transpose_lhs_hint = false} : vector<1280x64xf32>, vector<64x64xf32>, vector<1280x64xf32> -> vector<1280x64xf32>
    %get3A_35 = arith.constant 2 : index
    %get3A_36 = arith.constant 0 : index
    %get3A_37 = vector.load %arg3[%get3A_35, %get3A_36] : memref<8x64xf32, #tpu.memory_space<vmem>>, vector<1x64xf32>
    %add3A_38 = vector.broadcast %get3A_37 : vector<1x64xf32> to vector<1280x64xf32>
    %add3A_39 = arith.addf %dot_general3A_34, %add3A_38 : vector<1280x64xf32>
    %max3A = arith.constant 0.000000e+00 : f32
    %max3A_40 = vector.broadcast %max3A : f32 to vector<1280x64xf32>
    %max3A_41 = arith.maximumf %add3A_39, %max3A_40 : vector<1280x64xf32>
    %get3A_42 = arith.constant 0 : index
    %get3A_43 = arith.constant 0 : index
    %get3A_44 = vector.load %arg6[%get3A_42, %get3A_43] : memref<64x128xf32, #tpu.memory_space<vmem>>, vector<64x128xf32>
    %dot_general3A_45 = arith.constant dense<0.000000e+00> : vector<1280x128xf32>
    %dot_general3A_46 = tpu.matmul %max3A_41, %get3A_44, %dot_general3A_45 {dimension_numbers = #tpu.dot_dimension_numbers<[1], [0], [0], [1], [0, 0, 1, 1], [], []>, transpose_lhs_hint = false} : vector<1280x64xf32>, vector<64x128xf32>, vector<1280x128xf32> -> vector<1280x128xf32>
    %get3A_47 = arith.constant 0 : index
    %get3A_48 = arith.constant 0 : index
    %get3A_49 = vector.load %arg4[%get3A_47, %get3A_48] : memref<8x128xf32, #tpu.memory_space<vmem>>, vector<1x128xf32>
    %add3A_50 = vector.broadcast %get3A_49 : vector<1x128xf32> to vector<1280x128xf32>
    %add3A_51 = arith.addf %dot_general3A_46, %add3A_50 : vector<1280x128xf32>
    %max3A_52 = arith.constant 0.000000e+00 : f32
    %max3A_53 = vector.broadcast %max3A_52 : f32 to vector<1280x128xf32>
    %max3A_54 = arith.maximumf %add3A_51, %max3A_53 : vector<1280x128xf32>
    %swap3A = arith.constant 0 : index
    %swap3A_55 = arith.constant 0 : index
    %swap3A_56 = vector.load %arg7[%swap3A, %swap3A_55] : memref<1280x128xf32, #tpu.memory_space<vmem>>, vector<1280x128xf32>
    tpu.vector_store %arg7[%swap3A, %swap3A_55], %max3A_54 {strides = array<i32>} : memref<1280x128xf32, #tpu.memory_space<vmem>>, vector<1280x128xf32>,
    return
  }
  func.func @transform_0(%arg0: i32) -> (i32, i32) {
    %c0_i32 = arith.constant 0 : i32
    %c0_i32_0 = arith.constant 0 : i32
    return %arg0, %c0_i32 : i32, i32
  }
  func.func @transform_1(%arg0: i32) -> (i32, i32) {
    %c0_i32 = arith.constant 0 : i32
    %c0_i32_0 = arith.constant 0 : i32
    %c0_i32_1 = arith.constant 0 : i32
    return %c0_i32, %c0_i32_0 : i32, i32
  }
  func.func @transform_2(%arg0: i32) -> (i32, i32) {
    %c0_i32 = arith.constant 0 : i32
    %c0_i32_0 = arith.constant 0 : i32
    %c0_i32_1 = arith.constant 0 : i32
    return %c0_i32, %c0_i32_0 : i32, i32
  }
  func.func @transform_3(%arg0: i32) -> (i32, i32) {
    %c0_i32 = arith.constant 0 : i32
    %c0_i32_0 = arith.constant 0 : i32
    %c0_i32_1 = arith.constant 0 : i32
    return %c0_i32, %c0_i32_0 : i32, i32
  }
  func.func @transform_4(%arg0: i32) -> (i32, i32) {
    %c0_i32 = arith.constant 0 : i32
    %c0_i32_0 = arith.constant 0 : i32
    %c0_i32_1 = arith.constant 0 : i32
    return %c0_i32, %c0_i32_0 : i32, i32
  }
  func.func @transform_5(%arg0: i32) -> (i32, i32) {
    %c0_i32 = arith.constant 0 : i32
    %c0_i32_0 = arith.constant 0 : i32
    %c0_i32_1 = arith.constant 0 : i32
    return %c0_i32, %c0_i32_0 : i32, i32
  }
  func.func @transform_6(%arg0: i32) -> (i32, i32) {
    %c0_i32 = arith.constant 0 : i32
    %c0_i32_0 = arith.constant 0 : i32
    return %arg0, %c0_i32 : i32, i32
  }
}

module attributes {stable_mosaic.version = 14 : i64} {
  func.func @_pair_body(%arg0: i32, %arg1: memref<2048x2x128xf32, #tpu.memory_space<vmem>>, %arg2: memref<8x64xf32, #tpu.memory_space<vmem>>, %arg3: memref<128x64xf32, #tpu.memory_space<vmem>>, %arg4: memref<64x121xf32, #tpu.memory_space<vmem>>, %arg5: memref<8x121xf32, #tpu.memory_space<vmem>>, %arg6: memref<2048x121xf32, #tpu.memory_space<vmem>>) attributes {dimension_semantics = [#tpu.dimension_semantics<arbitrary>], iteration_bounds = array<i64: 8>, scalar_prefetch = 0 : i64, scratch_operands = 0 : i64, tpu.core_type = #tpu.core_type<tc>, window_params = [{transform_indices = @transform_0, window_bounds = array<i64: 2048, 2, 128>}, {pipeline_mode = #tpu.pipeline_mode<synchronous>, transform_indices = @transform_1, window_bounds = array<i64: 8, 64>}, {pipeline_mode = #tpu.pipeline_mode<synchronous>, transform_indices = @transform_2, window_bounds = array<i64: 128, 64>}, {pipeline_mode = #tpu.pipeline_mode<synchronous>, transform_indices = @transform_3, window_bounds = array<i64: 64, 121>}, {pipeline_mode = #tpu.pipeline_mode<synchronous>, transform_indices = @transform_4, window_bounds = array<i64: 8, 121>}, {transform_indices = @transform_5, window_bounds = array<i64: 2048, 121>}]} {
    %get3A = arith.constant 0 : index
    %get3A_0 = arith.constant 0 : index
    %get3A_1 = arith.constant 0 : index
    %get3A_2 = vector.load %arg1[%get3A, %get3A_0, %get3A_1] : memref<2048x2x128xf32, #tpu.memory_space<vmem>>, vector<2048x1x128xf32>
    %get3A_3 = vector.shape_cast %get3A_2 : vector<2048x1x128xf32> to vector<2048x128xf32>
    %get3A_4 = arith.constant 0 : index
    %get3A_5 = arith.constant 1 : index
    %get3A_6 = arith.constant 0 : index
    %get3A_7 = vector.load %arg1[%get3A_4, %get3A_5, %get3A_6] : memref<2048x2x128xf32, #tpu.memory_space<vmem>>, vector<2048x1x128xf32>
    %get3A_8 = vector.shape_cast %get3A_7 : vector<2048x1x128xf32> to vector<2048x128xf32>
    %mul3A = arith.mulf %get3A_3, %get3A_8 : vector<2048x128xf32>
    %get3A_9 = arith.constant 0 : index
    %get3A_10 = arith.constant 0 : index
    %get3A_11 = vector.load %arg3[%get3A_9, %get3A_10] : memref<128x64xf32, #tpu.memory_space<vmem>>, vector<128x64xf32>
    %dot_general3A = arith.constant dense<0.000000e+00> : vector<2048x64xf32>
    %dot_general3A_12 = tpu.matmul %mul3A, %get3A_11, %dot_general3A {dimension_numbers = #tpu.dot_dimension_numbers<[1], [0], [0], [1], [0, 0, 1, 1], [], []>, transpose_lhs_hint = false} : vector<2048x128xf32>, vector<128x64xf32>, vector<2048x64xf32> -> vector<2048x64xf32>
    %get3A_13 = arith.constant 0 : index
    %get3A_14 = arith.constant 0 : index
    %get3A_15 = vector.load %arg2[%get3A_13, %get3A_14] : memref<8x64xf32, #tpu.memory_space<vmem>>, vector<1x64xf32>
    %add3A = vector.broadcast %get3A_15 : vector<1x64xf32> to vector<2048x64xf32>
    %add3A_16 = arith.addf %dot_general3A_12, %add3A : vector<2048x64xf32>
    %max3A = arith.constant 0.000000e+00 : f32
    %max3A_17 = vector.broadcast %max3A : f32 to vector<2048x64xf32>
    %max3A_18 = arith.maximumf %add3A_16, %max3A_17 : vector<2048x64xf32>
    %get3A_19 = arith.constant 0 : index
    %get3A_20 = arith.constant 0 : index
    %get3A_21 = vector.load %arg4[%get3A_19, %get3A_20] : memref<64x121xf32, #tpu.memory_space<vmem>>, vector<64x121xf32>
    %dot_general3A_22 = arith.constant dense<0.000000e+00> : vector<2048x121xf32>
    %dot_general3A_23 = tpu.matmul %max3A_18, %get3A_21, %dot_general3A_22 {dimension_numbers = #tpu.dot_dimension_numbers<[1], [0], [0], [1], [0, 0, 1, 1], [], []>, transpose_lhs_hint = false} : vector<2048x64xf32>, vector<64x121xf32>, vector<2048x121xf32> -> vector<2048x121xf32>
    %get3A_24 = arith.constant 0 : index
    %get3A_25 = arith.constant 0 : index
    %get3A_26 = vector.load %arg5[%get3A_24, %get3A_25] : memref<8x121xf32, #tpu.memory_space<vmem>>, vector<1x121xf32>
    %add3A_27 = vector.broadcast %get3A_26 : vector<1x121xf32> to vector<2048x121xf32>
    %add3A_28 = arith.addf %dot_general3A_23, %add3A_27 : vector<2048x121xf32>
    %swap3A = arith.constant 0 : index
    %swap3A_29 = arith.constant 0 : index
    %swap3A_30 = vector.load %arg6[%swap3A, %swap3A_29] : memref<2048x121xf32, #tpu.memory_space<vmem>>, vector<2048x121xf32>
    tpu.vector_store %arg6[%swap3A, %swap3A_29], %add3A_28 {strides = array<i32>} : memref<2048x121xf32, #tpu.memory_space<vmem>>, vector<2048x121xf32>,
    return
  }
  func.func @transform_0(%arg0: i32) -> (i32, i32, i32) {
    %c0_i32 = arith.constant 0 : i32
    %c0_i32_0 = arith.constant 0 : i32
    %c0_i32_1 = arith.constant 0 : i32
    return %arg0, %c0_i32, %c0_i32_0 : i32, i32, i32
  }
  func.func @transform_1(%arg0: i32) -> (i32, i32) {
    %c0_i32 = arith.constant 0 : i32
    %c0_i32_0 = arith.constant 0 : i32
    %c0_i32_1 = arith.constant 0 : i32
    return %c0_i32, %c0_i32_0 : i32, i32
  }
  func.func @transform_2(%arg0: i32) -> (i32, i32) {
    %c0_i32 = arith.constant 0 : i32
    %c0_i32_0 = arith.constant 0 : i32
    %c0_i32_1 = arith.constant 0 : i32
    return %c0_i32, %c0_i32_0 : i32, i32
  }
  func.func @transform_3(%arg0: i32) -> (i32, i32) {
    %c0_i32 = arith.constant 0 : i32
    %c0_i32_0 = arith.constant 0 : i32
    %c0_i32_1 = arith.constant 0 : i32
    return %c0_i32, %c0_i32_0 : i32, i32
  }
  func.func @transform_4(%arg0: i32) -> (i32, i32) {
    %c0_i32 = arith.constant 0 : i32
    %c0_i32_0 = arith.constant 0 : i32
    %c0_i32_1 = arith.constant 0 : i32
    return %c0_i32, %c0_i32_0 : i32, i32
  }
  func.func @transform_5(%arg0: i32) -> (i32, i32) {
    %c0_i32 = arith.constant 0 : i32
    %c0_i32_0 = arith.constant 0 : i32
    return %arg0, %c0_i32 : i32, i32
  }
}

</mosaic_0001>

<sc_bundles>
// kernel: kernel.12.cloned.1.call-start
scs
__scs_entry_jumppad:
0x0: {  	(pc) =	sbr.rel $0x88, $3  }
0x1: {  	(tag) =	ssettag $0x0;
	lr =	simm.s32 $0x1  }
0x2: {  	[smem:$0x3F87] =	sst lr;
	_ =	strace $0xD0000000  }
0x3: {  	_ = 	snop  }
0x4: {  	_ = 	snop  }
0x5: {  	_ = 	snop  }
0x6: {  	_ = 	snop  }
0x7: {  	_ = 	snop  }
__scs_overlays_trampoline_lowered:
0x8: {  	[smem:$0x3F96] =	sst s0  }
0x9: {  	[smem:$0x3F97] =	sst s1  }
0xa: {  	[smem:$0x3F98] =	sst s2  }
0xb: {  	[smem:$0x3F99] =	sst s3  }
0xc: {  	[smem:$0x3F9A] =	sst s4  }
0xd: {  	[smem:$0x3F9B] =	sst s5  }
0xe: {  	[smem:$0x3F9C] =	sst s6  }
0xf: {  	[smem:$0x3F9D] =	sst s7  }
0x10: {  	[smem:$0x3F9E] =	sst s8  }
0x11: {  	[smem:$0x3F9F] =	sst s9;
	s0 =	simm.s32 @!p0 $0x0  }
0x12: {  	s1 =	sld [smem:$0x3F85];
	s0 =	simm.s32 @p0 $0x1  }
0x13: {  	[smem:$0x3FA0] =	sst s0;
	s0 =	simm.s32 @!p1 $0x0  }
0x14: {  	s2 =	sld [smem:$0x3F84];
	s0 =	simm.s32 @p1 $0x1  }
0x15: {  	[smem:$0x3FA1] =	sst s0;
	s0 =	simm.s32 @!p2 $0x0  }
0x16: {  	s3 =	sld [smem:$0x3FDB];
	s0 =	simm.s32 @p2 $0x1  }
0x17: {  	s4 =	simm.s32 $0x1BF5;
	[smem:$0x3FA3] =	sst s0  }
0x18: {  	s0 =	sld [smem:$0x3F86];
	_ =	swait.ge [sflag:s4], $0x0  }
0x19: {  	s7 =	sld [smem:$0x3F87]  }
0x1a: {  	s8 =	sadd.s32 $0xFFFFE003, lr  }
0x1b: {  	s9 =	sadd.s32 $0xFFFFFEF7, lr;
	s5 =	simm.s32 $0xFFFFFFFF;
	p2 =	slt.u32 s8, $0xFFFFF086  }
0x1c: {  	p1 =	slt.u32 s9, $0xF7A;
	s5 =	simm.s32 @!p2 $0x0  }
0x1d: {  	s5 =	simm.s32 @p1 $0x1;
	p0 =	seq.s32 s7, s2  }
0x1e: {  	s7 =	smul.u32 @!p0 $0xF7A, s2;
	p2 =	seq.s32 @!p0 s5, $0x0  }
0x1f: {  	s9 =	smul.u32 $0xF7A, s1;
	s8 =	simm.s32 @!p0 $0x1BF5;
	p2 =	por !p2, p0  }
0x20: {  	[sflag:s8] =	ssyncset.s32 @!p0 $0xFFFFF086;
	s6 =	sadd.s32 @!p0 s3, s7;
	s7 =	simm.s32 @!p0 $0x108  }
0x21: {  	s3 =	sadd.s32 s3, s9;
	s6 =	sadd.s32 @!p0 $0x88, s6;
	s7 =	simm.s32 @p2 $0x1082  }
0x22: {  	[simem:s7], [sflag:s8] =	dma.local @!p0 [hbm:s6], $0xF7A  }
0x23: {  	s9 =	sor.u32 $0xD0000000, s2;
	s6 =	simm.s32 $0x108;
	_ =	swait.ge @!p0 [sflag:s8], $0x0  }
0x24: {  	s3 =	sadd.s32 $0x88, s3;
	s6 =	simm.s32 @!p1 $0x1082;
	[sflag:s4] =	ssyncset.s32 $0xFFFFF086  }
0x25: {  	[simem:s6], [sflag:s4] =	dma.local [hbm:s3], $0xF7A  }
0x26: {  	[smem:$0x3F87] =	sst s1;
	(tag) =	ssettag s2;
	_ =	strace s9  }
0x27: {  	s1 =	sld [smem:$0x3F97]  }
0x28: {  	s2 =	sld [smem:$0x3F98]  }
0x29: {  	s4 =	sld [smem:$0x3F9A]  }
0x2a: {  	p0 =	seq.s32 s5, $0x0;
	s5 =	sld [smem:$0x3F9B]  }
0x2b: {  	s6 =	sld [smem:$0x3F9C]  }
0x2c: {  	s7 =	sld [smem:$0x3F9D]  }
0x2d: {  	s3 =	simm.s32 $0x108;
	s8 =	sld [smem:$0x3F9E]  }
0x2e: {  	s3 =	simm.s32 @!p0 $0x1082;
	s9 =	sld [smem:$0x3F9F]  }
0x2f: {  	lr =	sadd.s32 s0, s3;
	s0 =	sld [smem:$0x3F96]  }
0x30: {  	s3 =	sld [smem:$0x3F99]  }
0x31: {  	[smem:$0x3FA2] =	sst s10  }
0x32: {  	s10 =	sld [smem:$0x3FA0];
	_ =	sdelay $0x3  }
0x33: {  	p0 =	seq.s32 s10, $0x1;
	s10 =	sld [smem:$0x3FA2];
	_ =	sdelay $0x3  }
0x34: {  	[smem:$0x3FA2] =	sst s10  }
0x35: {  	s10 =	sld [smem:$0x3FA1];
	_ =	sdelay $0x3  }
0x36: {  	p1 =	seq.s32 s10, $0x1;
	s10 =	sld [smem:$0x3FA2];
	_ =	sdelay $0x3  }
0x37: {  	[smem:$0x3FA2] =	sst s10  }
0x38: {  	s10 =	sld [smem:$0x3FA3]  }
0x39: {  	_ = 	snop;
	(pc) =	sbr.ind lr, $3  }
0x3a: {  	_ = 	snop  }
0x3b: {  	_ = 	snop  }
0x3c: {  	p2 =	seq.s32 s10, $0x1;
	s10 =	sld [smem:$0x3FA2]  }
0x3d: {  	_ =	shalt  }
0x3e: {  	_ =	shalt  }
0x3f: {  	_ =	shalt  }
0x40: {  	_ =	shalt  }
0x41: {  	_ =	shalt  }
0x42: {  	_ =	shalt  }
0x43: {  	_ =	shalt  }
0x44: {  	_ =	shalt  }
0x45: {  	_ =	shalt  }
0x46: {  	_ =	shalt  }
0x47: {  	_ =	shalt  }
0x48: {  	_ =	shalt  }
0x49: {  	_ =	shalt  }
0x4a: {  	_ =	shalt  }
0x4b: {  	_ =	shalt  }
0x4c: {  	_ =	shalt  }
0x4d: {  	_ =	shalt  }
0x4e: {  	_ =	shalt  }
0x4f: {  	_ =	shalt  }
0x50: {  	_ =	shalt  }
0x51: {  	_ =	shalt  }
0x52: {  	_ =	shalt  }
0x53: {  	_ =	shalt  }
0x54: {  	_ =	shalt  }
0x55: {  	_ =	shalt  }
0x56: {  	_ =	shalt  }
0x57: {  	_ =	shalt  }
0x58: {  	_ =	shalt  }
0x59: {  	_ =	shalt  }
0x5a: {  	_ =	shalt  }
0x5b: {  	_ =	shalt  }
0x5c: {  	_ =	shalt  }
0x5d: {  	_ =	shalt  }
0x5e: {  	_ =	shalt  }
0x5f: {  	_ =	shalt  }
0x60: {  	_ =	shalt  }
0x61: {  	_ =	shalt  }
0x62: {  	_ =	shalt  }
0x63: {  	_ =	shalt  }
0x64: {  	_ =	shalt  }
0x65: {  	_ =	shalt  }
0x66: {  	_ =	shalt  }
0x67: {  	_ =	shalt  }
0x68: {  	_ =	shalt  }
0x69: {  	_ =	shalt  }
0x6a: {  	_ =	shalt  }
0x6b: {  	_ =	shalt  }
0x6c: {  	_ =	shalt  }
0x6d: {  	_ =	shalt  }
0x6e: {  	_ =	shalt  }
0x6f: {  	_ =	shalt  }
0x70: {  	_ =	shalt  }
0x71: {  	_ =	shalt  }
0x72: {  	_ =	shalt  }
0x73: {  	_ =	shalt  }
0x74: {  	_ =	shalt  }
0x75: {  	_ =	shalt  }
0x76: {  	_ =	shalt  }
0x77: {  	_ =	shalt  }
0x78: {  	_ =	shalt  }
0x79: {  	_ =	shalt  }
0x7a: {  	_ =	shalt  }
0x7b: {  	_ =	shalt  }
0x7c: {  	_ =	shalt  }
0x7d: {  	_ =	shalt  }
0x7e: {  	_ =	shalt  }
0x7f: {  	_ =	shalt  }
0x80: {  	_ =	shalt  }
0x81: {  	_ =	shalt  }
0x82: {  	_ =	shalt  }
0x83: {  	_ =	shalt  }
0x84: {  	_ =	shalt  }
0x85: {  	_ =	shalt  }
0x86: {  	_ =	shalt  }
0x87: {  	_ =	shalt  }
.Lfunc_end0:
.L_simem_size_0:
called_computation_lowered:
.L_overlay_start_0:
0x88: {  	s2 =	sld [smem:$0x3FD9]  }
0x89: {  	s3 =	sld [smem:$0x3FFE];
	_ =	sdelay $0x1  }
0x8a: {  	s1 =	srdreg.scid  }
0x8b: {  	s0 =	sand.u32 $0x1, s1  }
0x8c: {  	s16 =	sshll.u32 s0, $0xA;
	s2 =	sadd.s32 s3, s2  }
0x8d: {  	s2 =	sadd.s32 s2, s16  }
0x8e: {  	[smem:$0x3FAE] =	sst s2  }
0x8f: {  	_ = 	snop  }
0x90: {  	(tm) =	ssettm $0x1  }
0x91: {  	s17 =	sld [smem:$0x3FFB];
	_ =	sdelay $0x3  }
0x92: {  	_ =	strace s17  }
0x93: {  	s2 =	sld [smem:$0x3FFC];
	_ =	sdelay $0x3  }
0x94: {  	_ =	strace s2  }
0x95: {  	s2 =	sld [smem:$0x3FFD];
	_ =	sdelay $0x3  }
0x96: {  	_ =	strace s2  }
0x97: {  	_ =	strace $0x8FFFFFFF  }
0x98: {  	s18 =	sld [smem:$0x3FDB];
	_ =	sdelay $0x1  }
0x99: {  	s19 =	simm.s32 $_scs_section_size  }
0x9a: {  	s4 =	simm.s32 $_size__tile_overlayer_lowered;
	s5 =	simm.s32 $_tile_overlayer_lowered  }
0x9b: {  	s22 =	simm.s32 $0x1BFF;
	s21 =	sshll.u32 s5, $0x1;
	s2 =	sadd.s32 s19, s18  }
0x9c: {  	s6 =	simm.s32 $0x0;
	s20 =	sshll.u32 s4, $0x1;
	s4 =	sadd.s32 s21, s2  }
0x9d: {  	[timem:s6], [sflag:s22] =	dma.local [hbm:s4], s20  }
0x9e: {  	_ =	swait.ge [sflag:s22], s20  }
0x9f: {  	s3 =	ssub.s32 $0x0, s20;
	[sflag:s22] =	ssyncset.done $0x0  }
0xa0: {  	[sflag:s22] =	ssyncadd.s32 s3;
	_ =	sdelay $0x1  }
0xa1: {  	s23 =	simm.s32 $0x1B8B  }
0xa2: {  	_ =	swait.ge [sflag:s23], $0x1  }
0xa3: {  	[sflag:s23] =	ssyncset.done $0x0  }
0xa4: {  	s25 =	simm.s32 $0x1B8E;
	s24 =	sld [smem:$0x3FFE];
	[sflag:s23] =	ssyncadd.s32 $0xFFFFFFFF  }
0xa5: {  	s26 =	simm.s32 $execute0_lowered;
	[smem:$0x3FD2] =	sst s25  }
0xa6: {  	s4 =	sshll.u32 s26, $0x1;
	_ =	strace $0x80000046;
	[dreg:$0x1] =	wrdreg $0xFFFFFFFF  }
0xa7: {  	s28 =	simm.s32 $_size_execute0_lowered;
	s2 =	sadd.s32 s2, s4;
	[dreg:$0x0] =	wrdreg $0x0  }
0xa8: {  	s4 =	sshll.u32 s28, $0x1;
	[dreg:$0x2] =	wrdreg s2  }
0xa9: {  	[dreg:$0x3] =	wrdreg s4  }
0xaa: {  	[dreg:$0x4] =	wrdreg $0xC0  }
0xab: {  	_ =	task [dreg:s6], $0x5FFFF  }
0xac: {  	[dreg:$0x1] =	wrdreg $0xFFFFFFFF  }
0xad: {  	[dreg:$0x0] =	wrdreg $0x60  }
0xae: {  	[dreg:$0x2] =	wrdreg s24  }
0xaf: {  	[dreg:$0x3] =	wrdreg $0xC5800  }
0xb0: {  	[dreg:$0x4] =	wrdreg $0xA  }
0xb1: {  	_ =	task.clear_ibuf [dreg:s6], $0x5FFFF;
	_ =	strace $0x90000046  }
0xb2: {  	s29 =	simm.s32 $0xA;
	_ =	strace $0x80000048  }
0xb3: {  	_ =	swait.ge [sflag:s29], $0x1  }
0xb4: {  	[sflag:s29] =	ssyncadd.s32 $0xFFFFFFFF  }
0xb5: {  	_ =	strace $0x90000048  }
0xb6: {  	_ =	sfence  }
0xb7: {  	s30 =	sld [smem:$0x0];
	_ =	sdelay $0x2  }
0xb8: {  	s31 =	sshll.u32 s1, $0xD;
	s1 =	sshrl.u32 s1, $0x2  }
0xb9: {  	s3 =	sand.u32 $0x4000, s31;
	s1 =	sadd.s32 s1, s30  }
0xba: {  	s0 =	sor.u32 s3, s0;
	s1 =	sshll.u32 s1, $0x11  }
0xbb: {  	s0 =	sor.u32 s1, s0  }
0xbc: {  	s0 =	sadd.s32 $0x8F2B, s0  }
0xbd: {  	[sflag:s0] =	ssyncadd.remote.s32 $0x1  }
0xbe: {  	_ =	sfence.sel $0xFFFF  }
0xbf: {  	[dreg:$0x0] =	wrdreg $0xFFFFFFFF;
	(pc) =	sbr.abs _section_cstart, $3  }
0xc0: {  	[dreg:$0x1] =	wrdreg $0xFFFFFFFF  }
0xc1: {  	_ =	task.clear_ibuf [dreg:s6], $0x2FFFF;
	_ =	strace $0x9FFFFFFF  }
0xc2: {  	(tm) =	ssettm $0x7FFFFFFF  }
0xc3: {  	_ =	shalt  }
tec
execute0_lowered:
.L_overlay_start_1:
0x0: {  	(tag) =	ssettag $0x1  }
0x1: {  	s8 =	rddreg [dreg:$0x0]  }
0x2: {  	s1 =	rddreg [dreg:$0x1]  }
0x3: {  	s2 =	srdreg.scid;
	s0 =	rddreg [dreg:$0x2]  }
0x4: {  	s3 =	simm.s32 $0x0;
	s13 =	simm.s32 $0x2;
	s14 =	simm.s32 $0x80  }
0x5: {  	s15 =	simm.s32 $0x100;
	s16 =	simm.s32 $0x180;
	s17 =	simm.s32 $0x1  }
0x6: {  	s18 =	simm.s32 $0x4180;
	s19 =	simm.s32 $0x8180;
	s9 =	sand.u32 $0x1, s2  }
0x7: {  	s2 =	stileid.u32;
	[smem:$0x7FF] =	sst s3;
	s4 =	sadd.s32 $0x23A00, s8  }
0x8: {  	s5 =	sadd.s32 $0x19A00, s8;
	s6 =	sadd.s32 $0xFA00, s8;
	s10 =	smul.u32 $0xA4000, s9  }
0x9: {  	s7 =	sadd.s32 $0x5A00, s8;
	s11 =	smul.u32 $0xA400, s2;
	_ =	strace $0x80000047  }
0xa: {  	s29 =	ssub.s32 $0x2, s9;
	s12 =	smul.u32 $0x29000, s2;
	s9 =	sshll.u32 s9, $0x4  }
0xb: {  	s30 =	sshrl.u32 s29, $0x1;
	s9 =	sor.u32 s2, s9;
	s10 =	sadd.s32 s11, s10  }
0xc: {  	s11 =	ssub.s32 s29, s30;
	s31 =	sshrl.u32 s12, $0x2;
	s10 =	sshrl.u32 s10, $0x3  }
0xd: {  	s9 =	smul.u32 $0x2800, s9;
	s12 =	simm.s32 $0xC180;
	s10 =	sadd.s32 s10, s8  }
0xe: {  	v0 =	vimm.f32 $0.0e+00;
	s11 =	smax.u32 s11, $0x1;
	s8 =	sadd.s32 s31, s1;
	s10 =	sadd.s32 $0x4BA00, s10  }
.LBB2_1:
0xf: {  	s20 =	simm.s32 $0x0;
	s21 =	simm.s32 $0x200  }
.LBB2_2:
0x10: {  	p0 =	sne.s32 s21, $0xFE00;
	[tilespmem:s20+$0x81F0] =	vst v0  }
0x11: {  	[tilespmem:s20+$0x4180] =	vst v0  }
0x12: {  	[tilespmem:s20+$0x8180] =	vst v0  }
0x13: {  	[tilespmem:s20+$0x4190] =	vst v0  }
0x14: {  	[tilespmem:s20+$0x8190] =	vst v0  }
0x15: {  	[tilespmem:s20+$0x41A0] =	vst v0  }
0x16: {  	[tilespmem:s20+$0x81A0] =	vst v0  }
0x17: {  	[tilespmem:s20+$0x41B0] =	vst v0  }
0x18: {  	[tilespmem:s20+$0x81B0] =	vst v0  }
0x19: {  	[tilespmem:s20+$0x41C0] =	vst v0  }
0x1a: {  	[tilespmem:s20+$0x81C0] =	vst v0  }
.Ltmp0:
0x1b: {  	[tilespmem:s20+$0x41D0] =	vst v0;
	(pc) =	sbr.rel @p0 .LBB2_2-.Ltmp0, $4  }
0x1c: {  	[tilespmem:s20+$0x81D0] =	vst v0  }
0x1d: {  	[tilespmem:s20+$0x41E0] =	vst v0  }
0x1e: {  	[tilespmem:s20+$0x81E0] =	vst v0  }
0x1f: {  	[tilespmem:s20+$0x41F0] =	vst v0;
	s20 =	sshra.s32 s21, $0x2;
	s21 =	sadd.s32 $0x200, s21  }
0x20: {  	[tilespmem:s20+$0x81F0] =	vst v0  }
0x21: {  	[tilespmem:s20+$0x4180] =	vst v0  }
0x22: {  	[tilespmem:s20+$0x8180] =	vst v0  }
0x23: {  	[tilespmem:s20+$0x4190] =	vst v0  }
0x24: {  	[tilespmem:s20+$0x8190] =	vst v0  }
0x25: {  	[tilespmem:s20+$0x41A0] =	vst v0  }
0x26: {  	[tilespmem:s20+$0x81A0] =	vst v0  }
0x27: {  	[tilespmem:s20+$0x41B0] =	vst v0  }
0x28: {  	[tilespmem:s20+$0x81B0] =	vst v0  }
0x29: {  	[tilespmem:s20+$0x41C0] =	vst v0  }
0x2a: {  	[tilespmem:s20+$0x81C0] =	vst v0  }
0x2b: {  	[tilespmem:s20+$0x41D0] =	vst v0  }
0x2c: {  	[tilespmem:s20+$0x81D0] =	vst v0  }
0x2d: {  	[tilespmem:s20+$0x41E0] =	vst v0  }
0x2e: {  	[tilespmem:s20+$0x81E0] =	vst v0  }
0x2f: {  	[tilespmem:s20+$0x41F0] =	vst v0  }
0x30: {  	[tilespmem:$0xC180] =	vst v0  }
0x31: {  	[tilespmem:$0xC190] =	vst v0  }
0x32: {  	[tilespmem:$0xC1A0] =	vst v0  }
0x33: {  	[tilespmem:$0xC1B0] =	vst v0  }
0x34: {  	[tilespmem:$0xC1C0] =	vst v0  }
0x35: {  	[tilespmem:$0xC1D0] =	vst v0  }
0x36: {  	[tilespmem:$0xC1E0] =	vst v0  }
0x37: {  	[tilespmem:$0xC1F0] =	vst v0  }
0x38: {  	[tilespmem:$0xC200] =	vst v0  }
0x39: {  	[tilespmem:$0xC210] =	vst v0  }
0x3a: {  	[tilespmem:$0xC220] =	vst v0  }
0x3b: {  	[tilespmem:$0xC230] =	vst v0  }
0x3c: {  	[tilespmem:$0xC240] =	vst v0  }
0x3d: {  	[tilespmem:$0xC250] =	vst v0  }
0x3e: {  	[tilespmem:$0xC260] =	vst v0  }
0x3f: {  	[tilespmem:$0xC270] =	vst v0  }
0x40: {  	[tilespmem:$0xC280] =	vst v0  }
0x41: {  	[tilespmem:$0xC290] =	vst v0  }
0x42: {  	[tilespmem:$0xC2A0] =	vst v0  }
0x43: {  	[tilespmem:$0xC2B0] =	vst v0  }
0x44: {  	[tilespmem:$0xC2C0] =	vst v0  }
0x45: {  	[tilespmem:$0xC2D0] =	vst v0  }
0x46: {  	[tilespmem:$0xC2E0] =	vst v0  }
0x47: {  	[tilespmem:$0xC2F0] =	vst v0  }
0x48: {  	[tilespmem:$0xC300] =	vst v0  }
0x49: {  	[tilespmem:$0xC310] =	vst v0  }
0x4a: {  	[tilespmem:$0xC320] =	vst v0  }
0x4b: {  	[tilespmem:$0xC330] =	vst v0  }
0x4c: {  	[tilespmem:$0xC340] =	vst v0  }
0x4d: {  	[tilespmem:$0xC350] =	vst v0  }
0x4e: {  	[tilespmem:$0xC360] =	vst v0  }
0x4f: {  	[tilespmem:$0xC370] =	vst v0  }
0x50: {  	[tilespmem:$0xC380] =	vst v0  }
0x51: {  	[tilespmem:$0xC390] =	vst v0  }
0x52: {  	[tilespmem:$0xC3A0] =	vst v0  }
0x53: {  	[tilespmem:$0xC3B0] =	vst v0  }
0x54: {  	[tilespmem:$0xC3C0] =	vst v0  }
0x55: {  	[tilespmem:$0xC3D0] =	vst v0  }
0x56: {  	[tilespmem:$0xC3E0] =	vst v0  }
0x57: {  	[tilespmem:$0xC3F0] =	vst v0  }
0x58: {  	[tilespmem:$0xC400] =	vst v0  }
0x59: {  	[tilespmem:$0xC410] =	vst v0  }
0x5a: {  	[tilespmem:$0xC420] =	vst v0  }
0x5b: {  	[tilespmem:$0xC430] =	vst v0  }
0x5c: {  	[tilespmem:$0xC440] =	vst v0  }
0x5d: {  	[tilespmem:$0xC450] =	vst v0  }
0x5e: {  	[tilespmem:$0xC460] =	vst v0  }
0x5f: {  	[tilespmem:$0xC470] =	vst v0  }
0x60: {  	[tilespmem:$0xC480] =	vst v0  }
0x61: {  	[tilespmem:$0xC490] =	vst v0  }
0x62: {  	[tilespmem:$0xC4A0] =	vst v0  }
0x63: {  	[tilespmem:$0xC4B0] =	vst v0  }
0x64: {  	[tilespmem:$0xC4C0] =	vst v0  }
0x65: {  	[tilespmem:$0xC4D0] =	vst v0  }
0x66: {  	[tilespmem:$0xC4E0] =	vst v0  }
0x67: {  	[tilespmem:$0xC4F0] =	vst v0  }
0x68: {  	[tilespmem:$0xC500] =	vst v0  }
0x69: {  	[tilespmem:$0xC510] =	vst v0  }
0x6a: {  	[tilespmem:$0xC520] =	vst v0  }
0x6b: {  	[tilespmem:$0xC530] =	vst v0  }
0x6c: {  	[tilespmem:$0xC540] =	vst v0  }
0x6d: {  	[tilespmem:$0xC550] =	vst v0  }
0x6e: {  	[tilespmem:$0xC560] =	vst v0  }
0x6f: {  	s31 =	sadd.s32 $0x0, s8;
	[tilespmem:$0xC570] =	vst v0  }
0x70: {  	[spmem:s31] =	stream.linear.scatter [tilespmem:s12], [sflag:$0x2], $0x400, $0x38;
	[tilespmem:$0x16980] =	vst v63  }
0x71: {  	s20 =	simm.s32 $0x1000;
	_ =	swait.ge [sflag:s13], $0x400  }
.LBB2_4:
0x72: {  	s21 =	sshra.s32 s20, $0x2;
	[sflag:s13] =	ssyncset.done $0x0;
	p0 =	sne.s32 s20, $0x28000  }
.Ltmp1:
0x73: {  	s21 =	sadd.s32 s21, s8;
	[sflag:s13] =	ssyncadd.s32 $0xFFFFFC00;
	(pc) =	sbr.rel @p0 .LBB2_4-.Ltmp1, $3  }
0x74: {  	[spmem:s21] =	stream.linear.scatter [tilespmem:s12], [sflag:$0x2], $0x400, $0x38;
	[tilespmem:$0x16980] =	vst v63  }
0x75: {  	s20 =	sadd.s32 $0x1000, s20;
	_ =	sdelay $0x1  }
0x76: {  	_ =	swait.ge [sflag:s13], $0x400  }
0x77: {  	[sflag:s13] =	ssyncset.done $0x0  }
0x78: {  	[sflag:s13] =	ssyncadd.s32 $0xFFFFFC00  }
0x79: {  	s20 =	simm.s32 $0x0;
	s21 =	simm.s32 $0x0;
	[bflag:$0x0] =	sbarrier.arrive $0xFFFF  }
.LBB2_6:
0x7a: {  	s22 =	sshll.u32 s21, $0x7  }
0x7b: {  	s23 =	sand.u32 $0x3C00, s22  }
0x7c: {  	s22 =	sand.u32 $0x380, s22;
	s23 =	sadd.s32 s9, s23  }
0x7d: {  	s22 =	sor.u32 s22, s23  }
0x7e: {  	s22 =	sshrl.u32 s22, $0x3  }
0x7f: {  	s30 =	sadd.s32 s5, s22  }
0x80: {  	[tilespmem:s20], [sflag:$0x2] =	stream.linear.gather [hbm4b:s30+s20], $0x80, $0x38;
	[tilespmem:$0x16980] =	vst v63  }
0x81: {  	_ =	swait.ge [sflag:s13], $0x80  }
0x82: {  	[sflag:s13] =	ssyncset.done $0x0  }
0x83: {  	s31 =	sadd.s32 s6, s22;
	[sflag:s13] =	ssyncadd.s32 $0xFFFFFF80  }
0x84: {  	[tilespmem:s14], [sflag:$0x2] =	stream.linear.gather [hbm4b:s31+s20], $0x80, $0x38;
	[tilespmem:$0x16980] =	vst v63  }
0x85: {  	_ =	swait.ge [sflag:s13], $0x80  }
0x86: {  	[sflag:s13] =	ssyncset.done $0x0  }
0x87: {  	s22 =	sadd.s32 s7, s22;
	[sflag:s13] =	ssyncadd.s32 $0xFFFFFF80  }
0x88: {  	[tilespmem:s15], [sflag:$0x2] =	stream.linear.gather [hbm4b:s22+s20], $0x80, $0x38;
	[tilespmem:$0x16980] =	vst v63  }
0x89: {  	_ =	swait.ge [sflag:s13], $0x80  }
0x8a: {  	[sflag:s13] =	ssyncset.done $0x0  }
0x8b: {  	[sflag:s13] =	ssyncadd.s32 $0xFFFFFF80  }
0x8c: {  	[tilespmem:s16], [sflag:$0x1] =	stream.indirect.gather [hbm4b:s4+s14], $0x80, s20, s14, $0xb8;
	[tilespmem:$0x16980] =	vst v63  }
0x8d: {  	_ =	swait.ge [sflag:s17], $0x4000  }
0x8e: {  	[sflag:s17] =	ssyncset.done $0x0  }
0x8f: {  	s22 =	simm.s32 $0x0;
	[sflag:s17] =	ssyncadd.s32 $0xFFFFC000  }
0x90: {  	v1 =	vld [tilespmem:s22+$0x1B0]  }
0x91: {  	v4 =	vld [tilespmem:s22+$0x180];
	_ =	sdelay $0x1  }
0x92: {  	v3 =	vld [tilespmem:s22+$0x190];
	_ =	sdelay $0x1  }
0x93: {  	v2 =	vld [tilespmem:s22+$0x1A0];
	[tilespmem:s22+$0x81F0] =	vst v1  }
0x94: {  	[tilespmem:s22+$0x4180] =	vst v4  }
0x95: {  	s24 =	simm.s32 $0x400;
	s23 =	simm.s32 $0x80;
	[tilespmem:s22+$0x81C0] =	vst v4  }
.LBB2_7:
0x96: {  	p0 =	sne.s32 s24, $0xFE00;
	v4 =	vld [tilespmem:s23+$0x1B0];
	[tilespmem:s22+$0x4190] =	vst v3  }
0x97: {  	v5 =	vld [tilespmem:s23+$0x180];
	[tilespmem:s22+$0x81D0] =	vst v3  }
0x98: {  	v3 =	vld [tilespmem:s23+$0x190];
	[tilespmem:s22+$0x41A0] =	vst v2  }
.Ltmp2:
0x99: {  	[tilespmem:s22+$0x81E0] =	vst v2;
	v2 =	vld [tilespmem:s23+$0x1A0];
	(pc) =	sbr.rel @p0 .LBB2_7-.Ltmp2, $4  }
0x9a: {  	[tilespmem:s22+$0x41B0] =	vst v1;
	s22 =	smov.u32 s23  }
0x9b: {  	[tilespmem:s22+$0x81F0] =	vst v4;
	v1 =	vmov v4  }
0x9c: {  	[tilespmem:s22+$0x4180] =	vst v5  }
0x9d: {  	s23 =	sshra.s32 s24, $0x2;
	s24 =	sadd.s32 $0x200, s24;
	[tilespmem:s22+$0x81C0] =	vst v5  }
0x9e: {  	v4 =	vld [tilespmem:s23+$0x1B0];
	[tilespmem:s22+$0x4190] =	vst v3  }
0x9f: {  	v5 =	vld [tilespmem:s23+$0x180];
	[tilespmem:s22+$0x81D0] =	vst v3  }
0xa0: {  	v3 =	vld [tilespmem:s23+$0x190];
	[tilespmem:s22+$0x41A0] =	vst v2  }
0xa1: {  	v6 =	vld [tilespmem:s23+$0x1A0];
	[tilespmem:s22+$0x81E0] =	vst v2  }
0xa2: {  	[tilespmem:s22+$0x41B0] =	vst v1  }
0xa3: {  	[tilespmem:s23+$0x81F0] =	vst v4  }
0xa4: {  	[tilespmem:s23+$0x41B0] =	vst v4  }
0xa5: {  	[tilespmem:s23+$0x4180] =	vst v5  }
0xa6: {  	[tilespmem:s23+$0x81C0] =	vst v5  }
0xa7: {  	[tilespmem:s23+$0x4190] =	vst v3  }
0xa8: {  	[tilespmem:s23+$0x81D0] =	vst v3  }
0xa9: {  	[tilespmem:s23+$0x41A0] =	vst v6  }
0xaa: {  	[tilespmem:s23+$0x81E0] =	vst v6  }
0xab: {  	[spmem:s1] =	stream.indirect.scatter.add.f32 [tilespmem:s18], [sflag:$0x2], $0x80, s14, s14, $0xb8;
	[tilespmem:$0x16980] =	vst v63  }
0xac: {  	s21 =	sadd.s32 $0x1, s21;
	_ =	swait.ge [sflag:s13], $0x4000  }
0xad: {  	p0 =	sne.s32 s21, $0x50;
	[sflag:s13] =	ssyncset.done $0x0  }
.Ltmp3:
0xae: {  	[sflag:s13] =	ssyncadd.s32 $0xFFFFC000;
	(pc) =	sbr.rel @p0 .LBB2_6-.Ltmp3, $4  }
0xaf: {  	[spmem:s1] =	stream.indirect.scatter.add.f32 [tilespmem:s19], [sflag:$0x2], $0x80, s15, s14, $0xb8;
	[tilespmem:$0x16980] =	vst v63  }
0xb0: {  	_ =	swait.ge [sflag:s13], $0x4000  }
0xb1: {  	[sflag:s13] =	ssyncset.done $0x0  }
0xb2: {  	[sflag:s13] =	ssyncadd.s32 $0xFFFFC000  }
0xb3: {  	s3 =	sadd.s32 $0x1, s3  }
0xb4: {  	s20 =	sshll.u32 s2, $0x6;
	[bflag:$0x0] =	sbarrier.arrive $0xFFFF;
	p0 =	sne.s32 s3, s11  }
.Ltmp4:
0xb5: {  	s21 =	sshrl.u32 s8, $0x3;
	s20 =	sor.u32 $0x1C02, s20;
	(pc) =	sbr.rel @p0 .LBB2_1-.Ltmp4, $4  }
0xb6: {  	[hbm:s10], [sflag:s20] =	dma.local [spmem:s21], $0x1480  }
0xb7: {  	_ =	swait.ge [sflag:s13], $0x1480  }
0xb8: {  	[sflag:s13] =	ssyncset.done $0x0  }
0xb9: {  	[sflag:s13] =	ssyncadd.s32 $0xFFFFEB80  }
0xba: {  	_ =	sfence.sel $0x180000  }
0xbb: {  	[bflag:$0x0] =	sbarrier.arrive $0xFFFF  }
0xbc: {  	p0 =	sne.s32 s2, $0x0;
	_ =	strace $0x90000047  }
0xbd: {  	s0 =	sadd.s32 @!p0 $0x100000, s0;
	[bflag:$0x2] =	sbarrier.arrive $0xFFFF  }
0xbe: {  	[sflag:s0] =	ssyncadd.tile.s32 @!p0 $0x1;
	_ =	shalt  }
.Lfunc_end2:
_tile_overlayer_lowered:
.L_overlay_start_2:
0xbf: {  	(tag) =	ssettag $0x2  }
0xc0: {  	s0 =	rddreg [dreg:$0x0];
	s2 =	stileid.u32  }
0xc1: {  	s1 =	rddreg [dreg:$0x1];
	p0 =	sne.s32 s2, $0x0  }
0xc2: {  	s3 =	rddreg [dreg:$0x2];
	[bflag:$0x3] =	sbarrier.arrive $0xFFFF;
	s2 =	simm.s32 @!p0 $0x1C02  }
0xc3: {  	[timem:s3], [sflag:s2] =	dma.local @!p0 [hbm:s0], s1  }
0xc4: {  	s0 =	simm.s32 @!p0 $0x2  }
0xc5: {  	_ =	swait.ge @!p0 [sflag:s0], s1  }
0xc6: {  	s1 =	ssub.s32 @!p0 $0x0, s1;
	[sflag:s0] =	ssyncset.done @!p0 $0x0  }
0xc7: {  	[sflag:s0] =	ssyncadd.s32 @!p0 s1  }
0xc8: {  	[bflag:$0x3] =	sbarrier.arrive $0xFFFF  }
0xc9: {  	_ =	shalt  }

// kernel: kernel.15.cloned.1.call-start
scs
__scs_entry_jumppad:
0x0: {  	(pc) =	sbr.rel $0x88, $3  }
0x1: {  	(tag) =	ssettag $0x0;
	lr =	simm.s32 $0x1  }
0x2: {  	[smem:$0x3F87] =	sst lr;
	_ =	strace $0xD0000000  }
0x3: {  	_ = 	snop  }
0x4: {  	_ = 	snop  }
0x5: {  	_ = 	snop  }
0x6: {  	_ = 	snop  }
0x7: {  	_ = 	snop  }
__scs_overlays_trampoline_lowered:
0x8: {  	[smem:$0x3F96] =	sst s0  }
0x9: {  	[smem:$0x3F97] =	sst s1  }
0xa: {  	[smem:$0x3F98] =	sst s2  }
0xb: {  	[smem:$0x3F99] =	sst s3  }
0xc: {  	[smem:$0x3F9A] =	sst s4  }
0xd: {  	[smem:$0x3F9B] =	sst s5  }
0xe: {  	[smem:$0x3F9C] =	sst s6  }
0xf: {  	[smem:$0x3F9D] =	sst s7  }
0x10: {  	[smem:$0x3F9E] =	sst s8  }
0x11: {  	[smem:$0x3F9F] =	sst s9;
	s0 =	simm.s32 @!p0 $0x0  }
0x12: {  	s1 =	sld [smem:$0x3F85];
	s0 =	simm.s32 @p0 $0x1  }
0x13: {  	[smem:$0x3FA0] =	sst s0;
	s0 =	simm.s32 @!p1 $0x0  }
0x14: {  	s2 =	sld [smem:$0x3F84];
	s0 =	simm.s32 @p1 $0x1  }
0x15: {  	[smem:$0x3FA1] =	sst s0;
	s0 =	simm.s32 @!p2 $0x0  }
0x16: {  	s3 =	sld [smem:$0x3FDB];
	s0 =	simm.s32 @p2 $0x1  }
0x17: {  	s4 =	simm.s32 $0x1BF5;
	[smem:$0x3FA3] =	sst s0  }
0x18: {  	s0 =	sld [smem:$0x3F86];
	_ =	swait.ge [sflag:s4], $0x0  }
0x19: {  	s7 =	sld [smem:$0x3F87]  }
0x1a: {  	s8 =	sadd.s32 $0xFFFFE003, lr  }
0x1b: {  	s9 =	sadd.s32 $0xFFFFFEF7, lr;
	s5 =	simm.s32 $0xFFFFFFFF;
	p2 =	slt.u32 s8, $0xFFFFF086  }
0x1c: {  	p1 =	slt.u32 s9, $0xF7A;
	s5 =	simm.s32 @!p2 $0x0  }
0x1d: {  	s5 =	simm.s32 @p1 $0x1;
	p0 =	seq.s32 s7, s2  }
0x1e: {  	s7 =	smul.u32 @!p0 $0xF7A, s2;
	p2 =	seq.s32 @!p0 s5, $0x0  }
0x1f: {  	s9 =	smul.u32 $0xF7A, s1;
	s8 =	simm.s32 @!p0 $0x1BF5;
	p2 =	por !p2, p0  }
0x20: {  	[sflag:s8] =	ssyncset.s32 @!p0 $0xFFFFF086;
	s6 =	sadd.s32 @!p0 s3, s7;
	s7 =	simm.s32 @!p0 $0x108  }
0x21: {  	s3 =	sadd.s32 s3, s9;
	s6 =	sadd.s32 @!p0 $0x88, s6;
	s7 =	simm.s32 @p2 $0x1082  }
0x22: {  	[simem:s7], [sflag:s8] =	dma.local @!p0 [hbm:s6], $0xF7A  }
0x23: {  	s9 =	sor.u32 $0xD0000000, s2;
	s6 =	simm.s32 $0x108;
	_ =	swait.ge @!p0 [sflag:s8], $0x0  }
0x24: {  	s3 =	sadd.s32 $0x88, s3;
	s6 =	simm.s32 @!p1 $0x1082;
	[sflag:s4] =	ssyncset.s32 $0xFFFFF086  }
0x25: {  	[simem:s6], [sflag:s4] =	dma.local [hbm:s3], $0xF7A  }
0x26: {  	[smem:$0x3F87] =	sst s1;
	(tag) =	ssettag s2;
	_ =	strace s9  }
0x27: {  	s1 =	sld [smem:$0x3F97]  }
0x28: {  	s2 =	sld [smem:$0x3F98]  }
0x29: {  	s4 =	sld [smem:$0x3F9A]  }
0x2a: {  	p0 =	seq.s32 s5, $0x0;
	s5 =	sld [smem:$0x3F9B]  }
0x2b: {  	s6 =	sld [smem:$0x3F9C]  }
0x2c: {  	s7 =	sld [smem:$0x3F9D]  }
0x2d: {  	s3 =	simm.s32 $0x108;
	s8 =	sld [smem:$0x3F9E]  }
0x2e: {  	s3 =	simm.s32 @!p0 $0x1082;
	s9 =	sld [smem:$0x3F9F]  }
0x2f: {  	lr =	sadd.s32 s0, s3;
	s0 =	sld [smem:$0x3F96]  }
0x30: {  	s3 =	sld [smem:$0x3F99]  }
0x31: {  	[smem:$0x3FA2] =	sst s10  }
0x32: {  	s10 =	sld [smem:$0x3FA0];
	_ =	sdelay $0x3  }
0x33: {  	p0 =	seq.s32 s10, $0x1;
	s10 =	sld [smem:$0x3FA2];
	_ =	sdelay $0x3  }
0x34: {  	[smem:$0x3FA2] =	sst s10  }
0x35: {  	s10 =	sld [smem:$0x3FA1];
	_ =	sdelay $0x3  }
0x36: {  	p1 =	seq.s32 s10, $0x1;
	s10 =	sld [smem:$0x3FA2];
	_ =	sdelay $0x3  }
0x37: {  	[smem:$0x3FA2] =	sst s10  }
0x38: {  	s10 =	sld [smem:$0x3FA3]  }
0x39: {  	_ = 	snop;
	(pc) =	sbr.ind lr, $3  }
0x3a: {  	_ = 	snop  }
0x3b: {  	_ = 	snop  }
0x3c: {  	p2 =	seq.s32 s10, $0x1;
	s10 =	sld [smem:$0x3FA2]  }
0x3d: {  	_ =	shalt  }
0x3e: {  	_ =	shalt  }
0x3f: {  	_ =	shalt  }
0x40: {  	_ =	shalt  }
0x41: {  	_ =	shalt  }
0x42: {  	_ =	shalt  }
0x43: {  	_ =	shalt  }
0x44: {  	_ =	shalt  }
0x45: {  	_ =	shalt  }
0x46: {  	_ =	shalt  }
0x47: {  	_ =	shalt  }
0x48: {  	_ =	shalt  }
0x49: {  	_ =	shalt  }
0x4a: {  	_ =	shalt  }
0x4b: {  	_ =	shalt  }
0x4c: {  	_ =	shalt  }
0x4d: {  	_ =	shalt  }
0x4e: {  	_ =	shalt  }
0x4f: {  	_ =	shalt  }
0x50: {  	_ =	shalt  }
0x51: {  	_ =	shalt  }
0x52: {  	_ =	shalt  }
0x53: {  	_ =	shalt  }
0x54: {  	_ =	shalt  }
0x55: {  	_ =	shalt  }
0x56: {  	_ =	shalt  }
0x57: {  	_ =	shalt  }
0x58: {  	_ =	shalt  }
0x59: {  	_ =	shalt  }
0x5a: {  	_ =	shalt  }
0x5b: {  	_ =	shalt  }
0x5c: {  	_ =	shalt  }
0x5d: {  	_ =	shalt  }
0x5e: {  	_ =	shalt  }
0x5f: {  	_ =	shalt  }
0x60: {  	_ =	shalt  }
0x61: {  	_ =	shalt  }
0x62: {  	_ =	shalt  }
0x63: {  	_ =	shalt  }
0x64: {  	_ =	shalt  }
0x65: {  	_ =	shalt  }
0x66: {  	_ =	shalt  }
0x67: {  	_ =	shalt  }
0x68: {  	_ =	shalt  }
0x69: {  	_ =	shalt  }
0x6a: {  	_ =	shalt  }
0x6b: {  	_ =	shalt  }
0x6c: {  	_ =	shalt  }
0x6d: {  	_ =	shalt  }
0x6e: {  	_ =	shalt  }
0x6f: {  	_ =	shalt  }
0x70: {  	_ =	shalt  }
0x71: {  	_ =	shalt  }
0x72: {  	_ =	shalt  }
0x73: {  	_ =	shalt  }
0x74: {  	_ =	shalt  }
0x75: {  	_ =	shalt  }
0x76: {  	_ =	shalt  }
0x77: {  	_ =	shalt  }
0x78: {  	_ =	shalt  }
0x79: {  	_ =	shalt  }
0x7a: {  	_ =	shalt  }
0x7b: {  	_ =	shalt  }
0x7c: {  	_ =	shalt  }
0x7d: {  	_ =	shalt  }
0x7e: {  	_ =	shalt  }
0x7f: {  	_ =	shalt  }
0x80: {  	_ =	shalt  }
0x81: {  	_ =	shalt  }
0x82: {  	_ =	shalt  }
0x83: {  	_ =	shalt  }
0x84: {  	_ =	shalt  }
0x85: {  	_ =	shalt  }
0x86: {  	_ =	shalt  }
0x87: {  	_ =	shalt  }
.Lfunc_end0:
.L_simem_size_0:
called_computation.1_lowered:
.L_overlay_start_0:
0x88: {  	s2 =	sld [smem:$0x3FD9]  }
0x89: {  	s3 =	sld [smem:$0x3FFE];
	_ =	sdelay $0x1  }
0x8a: {  	s1 =	srdreg.scid  }
0x8b: {  	s0 =	sand.u32 $0x1, s1  }
0x8c: {  	s17 =	sshll.u32 s0, $0xA;
	s2 =	sadd.s32 s3, s2  }
0x8d: {  	s2 =	sadd.s32 s2, s17  }
0x8e: {  	[smem:$0x3FAE] =	sst s2  }
0x8f: {  	_ = 	snop  }
0x90: {  	(tm) =	ssettm $0x1  }
0x91: {  	s18 =	sld [smem:$0x3FFB];
	_ =	sdelay $0x3  }
0x92: {  	_ =	strace s18  }
0x93: {  	s2 =	sld [smem:$0x3FFC];
	_ =	sdelay $0x3  }
0x94: {  	_ =	strace s2  }
0x95: {  	s2 =	sld [smem:$0x3FFD];
	_ =	sdelay $0x3  }
0x96: {  	_ =	strace s2  }
0x97: {  	_ =	strace $0x8FFFFFFF  }
0x98: {  	s19 =	sld [smem:$0x3FDB];
	_ =	sdelay $0x1  }
0x99: {  	s20 =	simm.s32 $_scs_section_size  }
0x9a: {  	s4 =	simm.s32 $_size__tile_overlayer_lowered;
	s5 =	simm.s32 $_tile_overlayer_lowered  }
0x9b: {  	s6 =	simm.s32 $0x1BFF;
	s21 =	sshll.u32 s5, $0x1;
	s3 =	sadd.s32 s20, s19  }
0x9c: {  	s22 =	simm.s32 $0x0;
	s4 =	sshll.u32 s4, $0x1;
	s5 =	sadd.s32 s21, s3  }
0x9d: {  	[timem:s22], [sflag:s6] =	dma.local [hbm:s5], s4  }
0x9e: {  	_ =	swait.ge [sflag:s6], s4  }
0x9f: {  	s4 =	ssub.s32 $0x0, s4;
	[sflag:s6] =	ssyncset.done $0x0  }
0xa0: {  	[sflag:s6] =	ssyncadd.s32 s4;
	_ =	sdelay $0x1  }
0xa1: {  	s23 =	simm.s32 $0x1B8B  }
0xa2: {  	_ =	swait.ge [sflag:s23], $0x1  }
0xa3: {  	[sflag:s23] =	ssyncset.done $0x0  }
0xa4: {  	[sflag:s23] =	ssyncadd.s32 $0xFFFFFFFF  }
0xa5: {  	s4 =	sld [smem:$0x0]  }
0xa6: {  	s5 =	sand.u32 $0xFFFFFFFE, s1  }
0xa7: {  	p0 =	sne.s32 s1, s5  }
0xa8: {  	s5 =	sshll.u32 @p0 s5, $0xE  }
0xa9: {  	s5 =	sadd.s32 @p0 $0x11B8D, s5;
	s6 =	sshll.u32 @p0 s4, $0x11  }
0xaa: {  	s5 =	sor.u32 @p0 s6, s5  }
0xab: {  	[sflag:s5] =	ssyncadd.remote.s32 @p0 $0x1;
	_ =	sdelay $0x1  }
0xac: {  	s5 =	simm.s32 @p0 $0x1B8D  }
0xad: {  	_ =	swait.eq @p0 [sflag:s5], $0x1  }
0xae: {  	[sflag:s5] =	ssyncadd.s32 @p0 $0xFFFFFFFF  }
0xaf: {  	s6 =	sshll.u32 @!p0 s1, $0xE  }
0xb0: {  	s6 =	sor.u32 @!p0 $0x4000, s6;
	s5 =	simm.s32 @!p0 $0x1B8D  }
0xb1: {  	s4 =	sshll.u32 @!p0 s4, $0x11;
	s6 =	sadd.s32 @!p0 $0x11B8D, s6;
	_ =	swait.eq @!p0 [sflag:s5], $0x1  }
0xb2: {  	s4 =	sor.u32 @!p0 s4, s6;
	[sflag:s5] =	ssyncadd.s32 @!p0 $0xFFFFFFFF  }
0xb3: {  	s25 =	simm.s32 $0x1B8E;
	s24 =	sld [smem:$0x3FFE];
	[sflag:s4] =	ssyncadd.remote.s32 @!p0 $0x1  }
0xb4: {  	s26 =	simm.s32 $execute0_lowered;
	[smem:$0x3FD2] =	sst s25  }
0xb5: {  	s5 =	sshll.u32 s26, $0x1;
	_ =	strace $0x8000004C;
	[dreg:$0x1] =	wrdreg $0xFFFFFFFF  }
0xb6: {  	s28 =	simm.s32 $_size_execute0_lowered;
	s3 =	sadd.s32 s3, s5;
	[dreg:$0x0] =	wrdreg $0x0  }
0xb7: {  	s5 =	sshll.u32 s28, $0x1;
	[dreg:$0x2] =	wrdreg s3  }
0xb8: {  	[dreg:$0x3] =	wrdreg s5  }
0xb9: {  	[dreg:$0x4] =	wrdreg $0xC0  }
0xba: {  	_ =	task [dreg:s22], $0x5FFFF  }
0xbb: {  	[dreg:$0x1] =	wrdreg $0xFFFFFFFF  }
0xbc: {  	[dreg:$0x0] =	wrdreg $0x60  }
0xbd: {  	[dreg:$0x2] =	wrdreg s24  }
0xbe: {  	[dreg:$0x3] =	wrdreg $0xC5800  }
0xbf: {  	[dreg:$0x4] =	wrdreg $0xA  }
0xc0: {  	_ =	task.clear_ibuf [dreg:s22], $0x5FFFF;
	_ =	strace $0x9000004C  }
0xc1: {  	s29 =	simm.s32 $0xA;
	_ =	strace $0x8000004E  }
0xc2: {  	_ =	swait.ge [sflag:s29], $0x1  }
0xc3: {  	[sflag:s29] =	ssyncadd.s32 $0xFFFFFFFF  }
0xc4: {  	_ =	strace $0x9000004E  }
0xc5: {  	_ =	sfence  }
0xc6: {  	s30 =	sld [smem:$0x0];
	_ =	sdelay $0x2  }
0xc7: {  	s31 =	sshll.u32 s1, $0xD;
	s1 =	sshrl.u32 s1, $0x2  }
0xc8: {  	s4 =	sand.u32 $0x4000, s31;
	s1 =	sadd.s32 s1, s30  }
0xc9: {  	s0 =	sor.u32 s4, s0;
	s1 =	sshll.u32 s1, $0x11  }
0xca: {  	s0 =	sor.u32 s1, s0  }
0xcb: {  	s0 =	sadd.s32 $0x8F2B, s0  }
0xcc: {  	[sflag:s0] =	ssyncadd.remote.s32 $0x1  }
0xcd: {  	_ =	sfence.sel $0xFFFF  }
0xce: {  	[dreg:$0x0] =	wrdreg $0xFFFFFFFF;
	(pc) =	sbr.abs _section_cstart, $3  }
0xcf: {  	[dreg:$0x1] =	wrdreg $0xFFFFFFFF  }
0xd0: {  	_ =	task.clear_ibuf [dreg:s22], $0x2FFFF;
	_ =	strace $0x9FFFFFFF  }
0xd1: {  	(tm) =	ssettm $0x7FFFFFFF  }
tec
execute0_lowered:
.L_overlay_start_1:
0x0: {  	(tag) =	ssettag $0x1  }
0x1: {  	s8 =	rddreg [dreg:$0x0]  }
0x2: {  	s1 =	rddreg [dreg:$0x1]  }
0x3: {  	s2 =	srdreg.scid;
	s0 =	rddreg [dreg:$0x2]  }
0x4: {  	s3 =	simm.s32 $0x0;
	s13 =	simm.s32 $0x2;
	s14 =	simm.s32 $0x80  }
0x5: {  	s15 =	simm.s32 $0x100;
	s16 =	simm.s32 $0x180;
	s17 =	simm.s32 $0x1  }
0x6: {  	s18 =	simm.s32 $0x4180;
	s19 =	simm.s32 $0x8180;
	s9 =	sand.u32 $0x1, s2  }
0x7: {  	s2 =	stileid.u32;
	[smem:$0x7FF] =	sst s3;
	s4 =	sadd.s32 $0x23A00, s8  }
0x8: {  	s5 =	sadd.s32 $0x19A00, s8;
	s6 =	sadd.s32 $0xFA00, s8;
	s10 =	smul.u32 $0xA4000, s9  }
0x9: {  	s7 =	sadd.s32 $0x5A00, s8;
	s11 =	smul.u32 $0xA400, s2;
	_ =	strace $0x8000004D  }
0xa: {  	s29 =	ssub.s32 $0x2, s9;
	s12 =	smul.u32 $0x29000, s2;
	s9 =	sshll.u32 s9, $0x4  }
0xb: {  	s30 =	sshrl.u32 s29, $0x1;
	s9 =	sor.u32 s2, s9;
	s10 =	sadd.s32 s11, s10  }
0xc: {  	s11 =	ssub.s32 s29, s30;
	s31 =	sshrl.u32 s12, $0x2;
	s10 =	sshrl.u32 s10, $0x3  }
0xd: {  	s9 =	smul.u32 $0x2800, s9;
	s12 =	simm.s32 $0xC180;
	s10 =	sadd.s32 s10, s8  }
0xe: {  	v0 =	vimm.f32 $0.0e+00;
	s11 =	smax.u32 s11, $0x1;
	s8 =	sadd.s32 s31, s1;
	s10 =	sadd.s32 $0x4BA00, s10  }
.LBB2_1:
0xf: {  	s20 =	simm.s32 $0x0;
	s21 =	simm.s32 $0x200  }
.LBB2_2:
0x10: {  	p0 =	sne.s32 s21, $0xFE00;
	[tilespmem:s20+$0x81F0] =	vst v0  }
0x11: {  	[tilespmem:s20+$0x4180] =	vst v0  }
0x12: {  	[tilespmem:s20+$0x8180] =	vst v0  }
0x13: {  	[tilespmem:s20+$0x4190] =	vst v0  }
0x14: {  	[tilespmem:s20+$0x8190] =	vst v0  }
0x15: {  	[tilespmem:s20+$0x41A0] =	vst v0  }
0x16: {  	[tilespmem:s20+$0x81A0] =	vst v0  }
0x17: {  	[tilespmem:s20+$0x41B0] =	vst v0  }
0x18: {  	[tilespmem:s20+$0x81B0] =	vst v0  }
0x19: {  	[tilespmem:s20+$0x41C0] =	vst v0  }
0x1a: {  	[tilespmem:s20+$0x81C0] =	vst v0  }
.Ltmp0:
0x1b: {  	[tilespmem:s20+$0x41D0] =	vst v0;
	(pc) =	sbr.rel @p0 .LBB2_2-.Ltmp0, $4  }
0x1c: {  	[tilespmem:s20+$0x81D0] =	vst v0  }
0x1d: {  	[tilespmem:s20+$0x41E0] =	vst v0  }
0x1e: {  	[tilespmem:s20+$0x81E0] =	vst v0  }
0x1f: {  	[tilespmem:s20+$0x41F0] =	vst v0;
	s20 =	sshra.s32 s21, $0x2;
	s21 =	sadd.s32 $0x200, s21  }
0x20: {  	[tilespmem:s20+$0x81F0] =	vst v0  }
0x21: {  	[tilespmem:s20+$0x4180] =	vst v0  }
0x22: {  	[tilespmem:s20+$0x8180] =	vst v0  }
0x23: {  	[tilespmem:s20+$0x4190] =	vst v0  }
0x24: {  	[tilespmem:s20+$0x8190] =	vst v0  }
0x25: {  	[tilespmem:s20+$0x41A0] =	vst v0  }
0x26: {  	[tilespmem:s20+$0x81A0] =	vst v0  }
0x27: {  	[tilespmem:s20+$0x41B0] =	vst v0  }
0x28: {  	[tilespmem:s20+$0x81B0] =	vst v0  }
0x29: {  	[tilespmem:s20+$0x41C0] =	vst v0  }
0x2a: {  	[tilespmem:s20+$0x81C0] =	vst v0  }
0x2b: {  	[tilespmem:s20+$0x41D0] =	vst v0  }
0x2c: {  	[tilespmem:s20+$0x81D0] =	vst v0  }
0x2d: {  	[tilespmem:s20+$0x41E0] =	vst v0  }
0x2e: {  	[tilespmem:s20+$0x81E0] =	vst v0  }
0x2f: {  	[tilespmem:s20+$0x41F0] =	vst v0  }
0x30: {  	[tilespmem:$0xC180] =	vst v0  }
0x31: {  	[tilespmem:$0xC190] =	vst v0  }
0x32: {  	[tilespmem:$0xC1A0] =	vst v0  }
0x33: {  	[tilespmem:$0xC1B0] =	vst v0  }
0x34: {  	[tilespmem:$0xC1C0] =	vst v0  }
0x35: {  	[tilespmem:$0xC1D0] =	vst v0  }
0x36: {  	[tilespmem:$0xC1E0] =	vst v0  }
0x37: {  	[tilespmem:$0xC1F0] =	vst v0  }
0x38: {  	[tilespmem:$0xC200] =	vst v0  }
0x39: {  	[tilespmem:$0xC210] =	vst v0  }
0x3a: {  	[tilespmem:$0xC220] =	vst v0  }
0x3b: {  	[tilespmem:$0xC230] =	vst v0  }
0x3c: {  	[tilespmem:$0xC240] =	vst v0  }
0x3d: {  	[tilespmem:$0xC250] =	vst v0  }
0x3e: {  	[tilespmem:$0xC260] =	vst v0  }
0x3f: {  	[tilespmem:$0xC270] =	vst v0  }
0x40: {  	[tilespmem:$0xC280] =	vst v0  }
0x41: {  	[tilespmem:$0xC290] =	vst v0  }
0x42: {  	[tilespmem:$0xC2A0] =	vst v0  }
0x43: {  	[tilespmem:$0xC2B0] =	vst v0  }
0x44: {  	[tilespmem:$0xC2C0] =	vst v0  }
0x45: {  	[tilespmem:$0xC2D0] =	vst v0  }
0x46: {  	[tilespmem:$0xC2E0] =	vst v0  }
0x47: {  	[tilespmem:$0xC2F0] =	vst v0  }
0x48: {  	[tilespmem:$0xC300] =	vst v0  }
0x49: {  	[tilespmem:$0xC310] =	vst v0  }
0x4a: {  	[tilespmem:$0xC320] =	vst v0  }
0x4b: {  	[tilespmem:$0xC330] =	vst v0  }
0x4c: {  	[tilespmem:$0xC340] =	vst v0  }
0x4d: {  	[tilespmem:$0xC350] =	vst v0  }
0x4e: {  	[tilespmem:$0xC360] =	vst v0  }
0x4f: {  	[tilespmem:$0xC370] =	vst v0  }
0x50: {  	[tilespmem:$0xC380] =	vst v0  }
0x51: {  	[tilespmem:$0xC390] =	vst v0  }
0x52: {  	[tilespmem:$0xC3A0] =	vst v0  }
0x53: {  	[tilespmem:$0xC3B0] =	vst v0  }
0x54: {  	[tilespmem:$0xC3C0] =	vst v0  }
0x55: {  	[tilespmem:$0xC3D0] =	vst v0  }
0x56: {  	[tilespmem:$0xC3E0] =	vst v0  }
0x57: {  	[tilespmem:$0xC3F0] =	vst v0  }
0x58: {  	[tilespmem:$0xC400] =	vst v0  }
0x59: {  	[tilespmem:$0xC410] =	vst v0  }
0x5a: {  	[tilespmem:$0xC420] =	vst v0  }
0x5b: {  	[tilespmem:$0xC430] =	vst v0  }
0x5c: {  	[tilespmem:$0xC440] =	vst v0  }
0x5d: {  	[tilespmem:$0xC450] =	vst v0  }
0x5e: {  	[tilespmem:$0xC460] =	vst v0  }
0x5f: {  	[tilespmem:$0xC470] =	vst v0  }
0x60: {  	[tilespmem:$0xC480] =	vst v0  }
0x61: {  	[tilespmem:$0xC490] =	vst v0  }
0x62: {  	[tilespmem:$0xC4A0] =	vst v0  }
0x63: {  	[tilespmem:$0xC4B0] =	vst v0  }
0x64: {  	[tilespmem:$0xC4C0] =	vst v0  }
0x65: {  	[tilespmem:$0xC4D0] =	vst v0  }
0x66: {  	[tilespmem:$0xC4E0] =	vst v0  }
0x67: {  	[tilespmem:$0xC4F0] =	vst v0  }
0x68: {  	[tilespmem:$0xC500] =	vst v0  }
0x69: {  	[tilespmem:$0xC510] =	vst v0  }
0x6a: {  	[tilespmem:$0xC520] =	vst v0  }
0x6b: {  	[tilespmem:$0xC530] =	vst v0  }
0x6c: {  	[tilespmem:$0xC540] =	vst v0  }
0x6d: {  	[tilespmem:$0xC550] =	vst v0  }
0x6e: {  	[tilespmem:$0xC560] =	vst v0  }
0x6f: {  	s31 =	sadd.s32 $0x0, s8;
	[tilespmem:$0xC570] =	vst v0  }
0x70: {  	[spmem:s31] =	stream.linear.scatter [tilespmem:s12], [sflag:$0x2], $0x400, $0x38;
	[tilespmem:$0x16980] =	vst v63  }
0x71: {  	s20 =	simm.s32 $0x1000;
	_ =	swait.ge [sflag:s13], $0x400  }
.LBB2_4:
0x72: {  	s21 =	sshra.s32 s20, $0x2;
	[sflag:s13] =	ssyncset.done $0x0;
	p0 =	sne.s32 s20, $0x28000  }
.Ltmp1:
0x73: {  	s21 =	sadd.s32 s21, s8;
	[sflag:s13] =	ssyncadd.s32 $0xFFFFFC00;
	(pc) =	sbr.rel @p0 .LBB2_4-.Ltmp1, $3  }
0x74: {  	[spmem:s21] =	stream.linear.scatter [tilespmem:s12], [sflag:$0x2], $0x400, $0x38;
	[tilespmem:$0x16980] =	vst v63  }
0x75: {  	s20 =	sadd.s32 $0x1000, s20;
	_ =	sdelay $0x1  }
0x76: {  	_ =	swait.ge [sflag:s13], $0x400  }
0x77: {  	[sflag:s13] =	ssyncset.done $0x0  }
0x78: {  	[sflag:s13] =	ssyncadd.s32 $0xFFFFFC00  }
0x79: {  	s20 =	simm.s32 $0x0;
	s21 =	simm.s32 $0x0;
	[bflag:$0x0] =	sbarrier.arrive $0xFFFF  }
.LBB2_6:
0x7a: {  	s22 =	sshll.u32 s21, $0x7  }
0x7b: {  	s23 =	sand.u32 $0x3C00, s22  }
0x7c: {  	s22 =	sand.u32 $0x380, s22;
	s23 =	sadd.s32 s9, s23  }
0x7d: {  	s22 =	sor.u32 s22, s23  }
0x7e: {  	s22 =	sshrl.u32 s22, $0x3  }
0x7f: {  	s30 =	sadd.s32 s5, s22  }
0x80: {  	[tilespmem:s20], [sflag:$0x2] =	stream.linear.gather [hbm4b:s30+s20], $0x80, $0x38;
	[tilespmem:$0x16980] =	vst v63  }
0x81: {  	_ =	swait.ge [sflag:s13], $0x80  }
0x82: {  	[sflag:s13] =	ssyncset.done $0x0  }
0x83: {  	s31 =	sadd.s32 s6, s22;
	[sflag:s13] =	ssyncadd.s32 $0xFFFFFF80  }
0x84: {  	[tilespmem:s14], [sflag:$0x2] =	stream.linear.gather [hbm4b:s31+s20], $0x80, $0x38;
	[tilespmem:$0x16980] =	vst v63  }
0x85: {  	_ =	swait.ge [sflag:s13], $0x80  }
0x86: {  	[sflag:s13] =	ssyncset.done $0x0  }
0x87: {  	s22 =	sadd.s32 s7, s22;
	[sflag:s13] =	ssyncadd.s32 $0xFFFFFF80  }
0x88: {  	[tilespmem:s15], [sflag:$0x2] =	stream.linear.gather [hbm4b:s22+s20], $0x80, $0x38;
	[tilespmem:$0x16980] =	vst v63  }
0x89: {  	_ =	swait.ge [sflag:s13], $0x80  }
0x8a: {  	[sflag:s13] =	ssyncset.done $0x0  }
0x8b: {  	[sflag:s13] =	ssyncadd.s32 $0xFFFFFF80  }
0x8c: {  	[tilespmem:s16], [sflag:$0x1] =	stream.indirect.gather [hbm4b:s4+s14], $0x80, s20, s14, $0xb8;
	[tilespmem:$0x16980] =	vst v63  }
0x8d: {  	_ =	swait.ge [sflag:s17], $0x4000  }
0x8e: {  	[sflag:s17] =	ssyncset.done $0x0  }
0x8f: {  	s22 =	simm.s32 $0x0;
	[sflag:s17] =	ssyncadd.s32 $0xFFFFC000  }
0x90: {  	v1 =	vld [tilespmem:s22+$0x1B0]  }
0x91: {  	v4 =	vld [tilespmem:s22+$0x180];
	_ =	sdelay $0x1  }
0x92: {  	v3 =	vld [tilespmem:s22+$0x190];
	_ =	sdelay $0x1  }
0x93: {  	v2 =	vld [tilespmem:s22+$0x1A0];
	[tilespmem:s22+$0x81F0] =	vst v1  }
0x94: {  	[tilespmem:s22+$0x4180] =	vst v4  }
0x95: {  	s24 =	simm.s32 $0x400;
	s23 =	simm.s32 $0x80;
	[tilespmem:s22+$0x81C0] =	vst v4  }
.LBB2_7:
0x96: {  	p0 =	sne.s32 s24, $0xFE00;
	v4 =	vld [tilespmem:s23+$0x1B0];
	[tilespmem:s22+$0x4190] =	vst v3  }
0x97: {  	v5 =	vld [tilespmem:s23+$0x180];
	[tilespmem:s22+$0x81D0] =	vst v3  }
0x98: {  	v3 =	vld [tilespmem:s23+$0x190];
	[tilespmem:s22+$0x41A0] =	vst v2  }
.Ltmp2:
0x99: {  	[tilespmem:s22+$0x81E0] =	vst v2;
	v2 =	vld [tilespmem:s23+$0x1A0];
	(pc) =	sbr.rel @p0 .LBB2_7-.Ltmp2, $4  }
0x9a: {  	[tilespmem:s22+$0x41B0] =	vst v1;
	s22 =	smov.u32 s23  }
0x9b: {  	[tilespmem:s22+$0x81F0] =	vst v4;
	v1 =	vmov v4  }
0x9c: {  	[tilespmem:s22+$0x4180] =	vst v5  }
0x9d: {  	s23 =	sshra.s32 s24, $0x2;
	s24 =	sadd.s32 $0x200, s24;
	[tilespmem:s22+$0x81C0] =	vst v5  }
0x9e: {  	v4 =	vld [tilespmem:s23+$0x1B0];
	[tilespmem:s22+$0x4190] =	vst v3  }
0x9f: {  	v5 =	vld [tilespmem:s23+$0x180];
	[tilespmem:s22+$0x81D0] =	vst v3  }
0xa0: {  	v3 =	vld [tilespmem:s23+$0x190];
	[tilespmem:s22+$0x41A0] =	vst v2  }
0xa1: {  	v6 =	vld [tilespmem:s23+$0x1A0];
	[tilespmem:s22+$0x81E0] =	vst v2  }
0xa2: {  	[tilespmem:s22+$0x41B0] =	vst v1  }
0xa3: {  	[tilespmem:s23+$0x81F0] =	vst v4  }
0xa4: {  	[tilespmem:s23+$0x41B0] =	vst v4  }
0xa5: {  	[tilespmem:s23+$0x4180] =	vst v5  }
0xa6: {  	[tilespmem:s23+$0x81C0] =	vst v5  }
0xa7: {  	[tilespmem:s23+$0x4190] =	vst v3  }
0xa8: {  	[tilespmem:s23+$0x81D0] =	vst v3  }
0xa9: {  	[tilespmem:s23+$0x41A0] =	vst v6  }
0xaa: {  	[tilespmem:s23+$0x81E0] =	vst v6  }
0xab: {  	[spmem:s1] =	stream.indirect.scatter.add.f32 [tilespmem:s18], [sflag:$0x2], $0x80, s14, s14, $0xb8;
	[tilespmem:$0x16980] =	vst v63  }
0xac: {  	s21 =	sadd.s32 $0x1, s21;
	_ =	swait.ge [sflag:s13], $0x4000  }
0xad: {  	p0 =	sne.s32 s21, $0x50;
	[sflag:s13] =	ssyncset.done $0x0  }
.Ltmp3:
0xae: {  	[sflag:s13] =	ssyncadd.s32 $0xFFFFC000;
	(pc) =	sbr.rel @p0 .LBB2_6-.Ltmp3, $4  }
0xaf: {  	[spmem:s1] =	stream.indirect.scatter.add.f32 [tilespmem:s19], [sflag:$0x2], $0x80, s15, s14, $0xb8;
	[tilespmem:$0x16980] =	vst v63  }
0xb0: {  	_ =	swait.ge [sflag:s13], $0x4000  }
0xb1: {  	[sflag:s13] =	ssyncset.done $0x0  }
0xb2: {  	[sflag:s13] =	ssyncadd.s32 $0xFFFFC000  }
0xb3: {  	s3 =	sadd.s32 $0x1, s3  }
0xb4: {  	s20 =	sshll.u32 s2, $0x6;
	[bflag:$0x0] =	sbarrier.arrive $0xFFFF;
	p0 =	sne.s32 s3, s11  }
.Ltmp4:
0xb5: {  	s21 =	sshrl.u32 s8, $0x3;
	s20 =	sor.u32 $0x1C02, s20;
	(pc) =	sbr.rel @p0 .LBB2_1-.Ltmp4, $4  }
0xb6: {  	[hbm:s10], [sflag:s20] =	dma.local [spmem:s21], $0x1480  }
0xb7: {  	_ =	swait.ge [sflag:s13], $0x1480  }
0xb8: {  	[sflag:s13] =	ssyncset.done $0x0  }
0xb9: {  	[sflag:s13] =	ssyncadd.s32 $0xFFFFEB80  }
0xba: {  	_ =	sfence.sel $0x180000  }
0xbb: {  	[bflag:$0x0] =	sbarrier.arrive $0xFFFF  }
0xbc: {  	p0 =	sne.s32 s2, $0x0;
	_ =	strace $0x9000004D  }
0xbd: {  	s0 =	sadd.s32 @!p0 $0x100000, s0;
	[bflag:$0x2] =	sbarrier.arrive $0xFFFF  }
0xbe: {  	[sflag:s0] =	ssyncadd.tile.s32 @!p0 $0x1;
	_ =	shalt  }
.Lfunc_end2:
_tile_overlayer_lowered:
.L_overlay_start_2:
0xbf: {  	(tag) =	ssettag $0x2  }
0xc0: {  	s0 =	rddreg [dreg:$0x0];
	s2 =	stileid.u32  }
0xc1: {  	s1 =	rddreg [dreg:$0x1];
	p0 =	sne.s32 s2, $0x0  }
0xc2: {  	s3 =	rddreg [dreg:$0x2];
	[bflag:$0x3] =	sbarrier.arrive $0xFFFF;
	s2 =	simm.s32 @!p0 $0x1C02  }
0xc3: {  	[timem:s3], [sflag:s2] =	dma.local @!p0 [hbm:s0], s1  }
0xc4: {  	s0 =	simm.s32 @!p0 $0x2  }
0xc5: {  	_ =	swait.ge @!p0 [sflag:s0], s1  }
0xc6: {  	s1 =	ssub.s32 @!p0 $0x0, s1;
	[sflag:s0] =	ssyncset.done @!p0 $0x0  }
0xc7: {  	[sflag:s0] =	ssyncadd.s32 @!p0 s1  }
0xc8: {  	[bflag:$0x3] =	sbarrier.arrive $0xFFFF  }
0xc9: {  	_ =	shalt  }

// kernel: kernel.18.cloned.1.call-start
scs
__scs_entry_jumppad:
0x0: {  	(pc) =	sbr.rel $0x88, $3  }
0x1: {  	(tag) =	ssettag $0x0;
	lr =	simm.s32 $0x1  }
0x2: {  	[smem:$0x3F87] =	sst lr;
	_ =	strace $0xD0000000  }
0x3: {  	_ = 	snop  }
0x4: {  	_ = 	snop  }
0x5: {  	_ = 	snop  }
0x6: {  	_ = 	snop  }
0x7: {  	_ = 	snop  }
__scs_overlays_trampoline_lowered:
0x8: {  	[smem:$0x3F96] =	sst s0  }
0x9: {  	[smem:$0x3F97] =	sst s1  }
0xa: {  	[smem:$0x3F98] =	sst s2  }
0xb: {  	[smem:$0x3F99] =	sst s3  }
0xc: {  	[smem:$0x3F9A] =	sst s4  }
0xd: {  	[smem:$0x3F9B] =	sst s5  }
0xe: {  	[smem:$0x3F9C] =	sst s6  }
0xf: {  	[smem:$0x3F9D] =	sst s7  }
0x10: {  	[smem:$0x3F9E] =	sst s8  }
0x11: {  	[smem:$0x3F9F] =	sst s9;
	s0 =	simm.s32 @!p0 $0x0  }
0x12: {  	s1 =	sld [smem:$0x3F85];
	s0 =	simm.s32 @p0 $0x1  }
0x13: {  	[smem:$0x3FA0] =	sst s0;
	s0 =	simm.s32 @!p1 $0x0  }
0x14: {  	s2 =	sld [smem:$0x3F84];
	s0 =	simm.s32 @p1 $0x1  }
0x15: {  	[smem:$0x3FA1] =	sst s0;
	s0 =	simm.s32 @!p2 $0x0  }
0x16: {  	s3 =	sld [smem:$0x3FDB];
	s0 =	simm.s32 @p2 $0x1  }
0x17: {  	s4 =	simm.s32 $0x1BF5;
	[smem:$0x3FA3] =	sst s0  }
0x18: {  	s0 =	sld [smem:$0x3F86];
	_ =	swait.ge [sflag:s4], $0x0  }
0x19: {  	s7 =	sld [smem:$0x3F87]  }
0x1a: {  	s8 =	sadd.s32 $0xFFFFE003, lr  }
0x1b: {  	s9 =	sadd.s32 $0xFFFFFEF7, lr;
	s5 =	simm.s32 $0xFFFFFFFF;
	p2 =	slt.u32 s8, $0xFFFFF086  }
0x1c: {  	p1 =	slt.u32 s9, $0xF7A;
	s5 =	simm.s32 @!p2 $0x0  }
0x1d: {  	s5 =	simm.s32 @p1 $0x1;
	p0 =	seq.s32 s7, s2  }
0x1e: {  	s7 =	smul.u32 @!p0 $0xF7A, s2;
	p2 =	seq.s32 @!p0 s5, $0x0  }
0x1f: {  	s9 =	smul.u32 $0xF7A, s1;
	s8 =	simm.s32 @!p0 $0x1BF5;
	p2 =	por !p2, p0  }
0x20: {  	[sflag:s8] =	ssyncset.s32 @!p0 $0xFFFFF086;
	s6 =	sadd.s32 @!p0 s3, s7;
	s7 =	simm.s32 @!p0 $0x108  }
0x21: {  	s3 =	sadd.s32 s3, s9;
	s6 =	sadd.s32 @!p0 $0x88, s6;
	s7 =	simm.s32 @p2 $0x1082  }
0x22: {  	[simem:s7], [sflag:s8] =	dma.local @!p0 [hbm:s6], $0xF7A  }
0x23: {  	s9 =	sor.u32 $0xD0000000, s2;
	s6 =	simm.s32 $0x108;
	_ =	swait.ge @!p0 [sflag:s8], $0x0  }
0x24: {  	s3 =	sadd.s32 $0x88, s3;
	s6 =	simm.s32 @!p1 $0x1082;
	[sflag:s4] =	ssyncset.s32 $0xFFFFF086  }
0x25: {  	[simem:s6], [sflag:s4] =	dma.local [hbm:s3], $0xF7A  }
0x26: {  	[smem:$0x3F87] =	sst s1;
	(tag) =	ssettag s2;
	_ =	strace s9  }
0x27: {  	s1 =	sld [smem:$0x3F97]  }
0x28: {  	s2 =	sld [smem:$0x3F98]  }
0x29: {  	s4 =	sld [smem:$0x3F9A]  }
0x2a: {  	p0 =	seq.s32 s5, $0x0;
	s5 =	sld [smem:$0x3F9B]  }
0x2b: {  	s6 =	sld [smem:$0x3F9C]  }
0x2c: {  	s7 =	sld [smem:$0x3F9D]  }
0x2d: {  	s3 =	simm.s32 $0x108;
	s8 =	sld [smem:$0x3F9E]  }
0x2e: {  	s3 =	simm.s32 @!p0 $0x1082;
	s9 =	sld [smem:$0x3F9F]  }
0x2f: {  	lr =	sadd.s32 s0, s3;
	s0 =	sld [smem:$0x3F96]  }
0x30: {  	s3 =	sld [smem:$0x3F99]  }
0x31: {  	[smem:$0x3FA2] =	sst s10  }
0x32: {  	s10 =	sld [smem:$0x3FA0];
	_ =	sdelay $0x3  }
0x33: {  	p0 =	seq.s32 s10, $0x1;
	s10 =	sld [smem:$0x3FA2];
	_ =	sdelay $0x3  }
0x34: {  	[smem:$0x3FA2] =	sst s10  }
0x35: {  	s10 =	sld [smem:$0x3FA1];
	_ =	sdelay $0x3  }
0x36: {  	p1 =	seq.s32 s10, $0x1;
	s10 =	sld [smem:$0x3FA2];
	_ =	sdelay $0x3  }
0x37: {  	[smem:$0x3FA2] =	sst s10  }
0x38: {  	s10 =	sld [smem:$0x3FA3]  }
0x39: {  	_ = 	snop;
	(pc) =	sbr.ind lr, $3  }
0x3a: {  	_ = 	snop  }
0x3b: {  	_ = 	snop  }
0x3c: {  	p2 =	seq.s32 s10, $0x1;
	s10 =	sld [smem:$0x3FA2]  }
0x3d: {  	_ =	shalt  }
0x3e: {  	_ =	shalt  }
0x3f: {  	_ =	shalt  }
0x40: {  	_ =	shalt  }
0x41: {  	_ =	shalt  }
0x42: {  	_ =	shalt  }
0x43: {  	_ =	shalt  }
0x44: {  	_ =	shalt  }
0x45: {  	_ =	shalt  }
0x46: {  	_ =	shalt  }
0x47: {  	_ =	shalt  }
0x48: {  	_ =	shalt  }
0x49: {  	_ =	shalt  }
0x4a: {  	_ =	shalt  }
0x4b: {  	_ =	shalt  }
0x4c: {  	_ =	shalt  }
0x4d: {  	_ =	shalt  }
0x4e: {  	_ =	shalt  }
0x4f: {  	_ =	shalt  }
0x50: {  	_ =	shalt  }
0x51: {  	_ =	shalt  }
0x52: {  	_ =	shalt  }
0x53: {  	_ =	shalt  }
0x54: {  	_ =	shalt  }
0x55: {  	_ =	shalt  }
0x56: {  	_ =	shalt  }
0x57: {  	_ =	shalt  }
0x58: {  	_ =	shalt  }
0x59: {  	_ =	shalt  }
0x5a: {  	_ =	shalt  }
0x5b: {  	_ =	shalt  }
0x5c: {  	_ =	shalt  }
0x5d: {  	_ =	shalt  }
0x5e: {  	_ =	shalt  }
0x5f: {  	_ =	shalt  }
0x60: {  	_ =	shalt  }
0x61: {  	_ =	shalt  }
0x62: {  	_ =	shalt  }
0x63: {  	_ =	shalt  }
0x64: {  	_ =	shalt  }
0x65: {  	_ =	shalt  }
0x66: {  	_ =	shalt  }
0x67: {  	_ =	shalt  }
0x68: {  	_ =	shalt  }
0x69: {  	_ =	shalt  }
0x6a: {  	_ =	shalt  }
0x6b: {  	_ =	shalt  }
0x6c: {  	_ =	shalt  }
0x6d: {  	_ =	shalt  }
0x6e: {  	_ =	shalt  }
0x6f: {  	_ =	shalt  }
0x70: {  	_ =	shalt  }
0x71: {  	_ =	shalt  }
0x72: {  	_ =	shalt  }
0x73: {  	_ =	shalt  }
0x74: {  	_ =	shalt  }
0x75: {  	_ =	shalt  }
0x76: {  	_ =	shalt  }
0x77: {  	_ =	shalt  }
0x78: {  	_ =	shalt  }
0x79: {  	_ =	shalt  }
0x7a: {  	_ =	shalt  }
0x7b: {  	_ =	shalt  }
0x7c: {  	_ =	shalt  }
0x7d: {  	_ =	shalt  }
0x7e: {  	_ =	shalt  }
0x7f: {  	_ =	shalt  }
0x80: {  	_ =	shalt  }
0x81: {  	_ =	shalt  }
0x82: {  	_ =	shalt  }
0x83: {  	_ =	shalt  }
0x84: {  	_ =	shalt  }
0x85: {  	_ =	shalt  }
0x86: {  	_ =	shalt  }
0x87: {  	_ =	shalt  }
.Lfunc_end0:
.L_simem_size_0:
called_computation.2_lowered:
.L_overlay_start_0:
0x88: {  	s2 =	sld [smem:$0x3FD9]  }
0x89: {  	s3 =	sld [smem:$0x3FFE];
	_ =	sdelay $0x1  }
0x8a: {  	s1 =	srdreg.scid  }
0x8b: {  	s0 =	sand.u32 $0x1, s1  }
0x8c: {  	s17 =	sshll.u32 s0, $0xA;
	s2 =	sadd.s32 s3, s2  }
0x8d: {  	s2 =	sadd.s32 s2, s17  }
0x8e: {  	[smem:$0x3FAE] =	sst s2  }
0x8f: {  	_ = 	snop  }
0x90: {  	s18 =	sld [smem:$0x3FB0]  }
0x91: {  	s4 =	sld [smem:$0x3FD0];
	(tm) =	ssettm $0x1  }
0x92: {  	s19 =	sld [smem:$0x3FFB];
	_ =	sdelay $0x3  }
0x93: {  	_ =	strace s19  }
0x94: {  	s2 =	sld [smem:$0x3FFC];
	_ =	sdelay $0x3  }
0x95: {  	_ =	strace s2  }
0x96: {  	s2 =	sld [smem:$0x3FFD];
	_ =	sdelay $0x3  }
0x97: {  	_ =	strace s2  }
0x98: {  	_ =	strace $0x8FFFFFFF  }
0x99: {  	s20 =	sld [smem:$0x3FDB];
	_ =	sdelay $0x1  }
0x9a: {  	s5 =	simm.s32 $_scs_section_size  }
0x9b: {  	s6 =	simm.s32 $_size__tile_overlayer_lowered;
	s7 =	simm.s32 $_tile_overlayer_lowered  }
0x9c: {  	s8 =	simm.s32 $0x1BFF;
	s21 =	sshll.u32 s7, $0x1;
	s5 =	sadd.s32 s5, s20  }
0x9d: {  	s22 =	simm.s32 $0x0;
	s6 =	sshll.u32 s6, $0x1;
	s7 =	sadd.s32 s21, s5  }
0x9e: {  	[timem:s22], [sflag:s8] =	dma.local [hbm:s7], s6  }
0x9f: {  	_ =	swait.ge [sflag:s8], s6  }
0xa0: {  	s6 =	ssub.s32 $0x0, s6;
	[sflag:s8] =	ssyncset.done $0x0  }
0xa1: {  	[sflag:s8] =	ssyncadd.s32 s6;
	_ =	sdelay $0x1  }
0xa2: {  	s23 =	simm.s32 $0x1B8B  }
0xa3: {  	_ =	swait.ge [sflag:s23], $0x1  }
0xa4: {  	[sflag:s23] =	ssyncset.done $0x0  }
0xa5: {  	[sflag:s23] =	ssyncadd.s32 $0xFFFFFFFF  }
0xa6: {  	s6 =	sld [smem:$0x0]  }
0xa7: {  	s7 =	sand.u32 $0xFFFFFFFE, s1  }
0xa8: {  	p0 =	sne.s32 s1, s7  }
0xa9: {  	s7 =	sshll.u32 @p0 s7, $0xE  }
0xaa: {  	s7 =	sadd.s32 @p0 $0x11B8D, s7;
	s8 =	sshll.u32 @p0 s6, $0x11  }
0xab: {  	s7 =	sor.u32 @p0 s8, s7  }
0xac: {  	[sflag:s7] =	ssyncadd.remote.s32 @p0 $0x1;
	_ =	sdelay $0x1  }
0xad: {  	s7 =	simm.s32 @p0 $0x1B8D  }
0xae: {  	_ =	swait.eq @p0 [sflag:s7], $0x1  }
0xaf: {  	[sflag:s7] =	ssyncadd.s32 @p0 $0xFFFFFFFF  }
0xb0: {  	s8 =	sshll.u32 @!p0 s1, $0xE  }
0xb1: {  	s8 =	sor.u32 @!p0 $0x4000, s8;
	s7 =	simm.s32 @!p0 $0x1B8D  }
0xb2: {  	s6 =	sshll.u32 @!p0 s6, $0x11;
	s8 =	sadd.s32 @!p0 $0x11B8D, s8;
	_ =	swait.eq @!p0 [sflag:s7], $0x1  }
0xb3: {  	s6 =	sor.u32 @!p0 s6, s8;
	[sflag:s7] =	ssyncadd.s32 @!p0 $0xFFFFFFFF  }
0xb4: {  	s25 =	simm.s32 $0x1B8E;
	s24 =	sld [smem:$0x3FFE];
	[sflag:s6] =	ssyncadd.remote.s32 @!p0 $0x1  }
0xb5: {  	s26 =	simm.s32 $execute0_lowered;
	[smem:$0x3FD2] =	sst s25  }
0xb6: {  	s7 =	sshll.u32 s26, $0x1;
	_ =	strace $0x80000049;
	[dreg:$0x1] =	wrdreg $0xFFFFFFFF  }
0xb7: {  	s28 =	simm.s32 $_size_execute0_lowered;
	s5 =	sadd.s32 s5, s7;
	[dreg:$0x0] =	wrdreg $0x0  }
0xb8: {  	s7 =	sshll.u32 s28, $0x1;
	[dreg:$0x2] =	wrdreg s5  }
0xb9: {  	[dreg:$0x3] =	wrdreg s7  }
0xba: {  	[dreg:$0x4] =	wrdreg $0xC0  }
0xbb: {  	_ =	task [dreg:s22], $0x5FFFF  }
0xbc: {  	[dreg:$0x1] =	wrdreg $0xFFFFFFFF  }
0xbd: {  	[dreg:$0x0] =	wrdreg $0x60  }
0xbe: {  	[dreg:$0x2] =	wrdreg s24  }
0xbf: {  	[dreg:$0x3] =	wrdreg s18  }
0xc0: {  	[dreg:$0x4] =	wrdreg s4  }
0xc1: {  	[dreg:$0x5] =	wrdreg $0x9  }
0xc2: {  	_ =	task.clear_ibuf [dreg:s22], $0x6FFFF;
	_ =	strace $0x90000049  }
0xc3: {  	s29 =	simm.s32 $0x9;
	_ =	strace $0x8000004B  }
0xc4: {  	_ =	swait.ge [sflag:s29], $0x1  }
0xc5: {  	[sflag:s29] =	ssyncadd.s32 $0xFFFFFFFF  }
0xc6: {  	_ =	strace $0x9000004B  }
0xc7: {  	_ =	sfence  }
0xc8: {  	s30 =	sld [smem:$0x0];
	_ =	sdelay $0x2  }
0xc9: {  	s31 =	sshll.u32 s1, $0xD;
	s1 =	sshrl.u32 s1, $0x2  }
0xca: {  	s4 =	sand.u32 $0x4000, s31;
	s1 =	sadd.s32 s1, s30  }
0xcb: {  	s0 =	sor.u32 s4, s0;
	s1 =	sshll.u32 s1, $0x11  }
0xcc: {  	s0 =	sor.u32 s1, s0  }
0xcd: {  	s0 =	sadd.s32 $0x8F2B, s0  }
0xce: {  	[sflag:s0] =	ssyncadd.remote.s32 $0x1  }
0xcf: {  	_ =	sfence.sel $0xFFFF  }
0xd0: {  	[dreg:$0x0] =	wrdreg $0xFFFFFFFF;
	(pc) =	sbr.abs _section_cstart, $3  }
0xd1: {  	[dreg:$0x1] =	wrdreg $0xFFFFFFFF  }
0xd2: {  	_ =	task.clear_ibuf [dreg:s22], $0x2FFFF;
	_ =	strace $0x9FFFFFFF  }
0xd3: {  	(tm) =	ssettm $0x7FFFFFFF  }
tec
execute0_lowered:
.L_overlay_start_1:
0x0: {  	(tag) =	ssettag $0x1  }
0x1: {  	s5 =	rddreg [dreg:$0x0];
	s1 =	srdreg.scid  }
0x2: {  	s3 =	rddreg [dreg:$0x1];
	s0 =	stileid.u32;
	s14 =	sand.u32 $0x1, s1  }
0x3: {  	s8 =	rddreg [dreg:$0x2];
	s6 =	sshll.u32 s0, $0x9;
	s4 =	sshll.u32 s14, $0xD  }
0x4: {  	s2 =	simm.s32 $0x0;
	s1 =	rddreg [dreg:$0x3];
	s9 =	sor.u32 s6, s4  }
0x5: {  	[smem:$0x7FF] =	sst s2;
	s4 =	sshrl.u32 s9, $0x3  }
0x6: {  	_ =	strace $0x8000004A;
	s4 =	sadd.s32 s3, s4;
	s3 =	simm.s32 $0x2  }
0x7: {  	[tilespmem:s2], [sflag:$0x2] =	stream.linear.gather [hbm4b:s4+s2], $0x80, $0x38;
	[tilespmem:$0x4080] =	vst v63  }
0x8: {  	_ =	swait.ge [sflag:s3], $0x80  }
0x9: {  	s7 =	simm.s32 $0x1;
	[sflag:s3] =	ssyncset.done $0x0  }
0xa: {  	s5 =	sadd.s32 $0x74A00, s5;
	s6 =	simm.s32 $0x80;
	[sflag:s3] =	ssyncadd.s32 $0xFFFFFF80  }
0xb: {  	[tilespmem:s6], [sflag:$0x1] =	stream.indirect.gather [hbm4b:s5+s6], $0x80, s2, s6, $0xb8;
	[tilespmem:$0x4080] =	vst v63  }
0xc: {  	_ =	swait.ge [sflag:s7], $0x4000  }
0xd: {  	s9 =	sshll.u32 s9, $0x4;
	[sflag:s7] =	ssyncset.done $0x0  }
0xe: {  	s8 =	sadd.s32 s8, s9;
	[sflag:s7] =	ssyncadd.s32 $0xFFFFC000  }
0xf: {  	[hbm4b:s8+s2] =	stream.linear.scatter [tilespmem:s6], [sflag:$0x2], $0x4000, $0x38;
	[tilespmem:$0x4080] =	vst v63  }
0x10: {  	_ =	swait.ge [sflag:s3], $0x4000  }
0x11: {  	[sflag:s3] =	ssyncset.done $0x0  }
0x12: {  	s9 =	sadd.s32 $0x10, s4;
	[sflag:s3] =	ssyncadd.s32 $0xFFFFC000  }
0x13: {  	[tilespmem:s2], [sflag:$0x2] =	stream.linear.gather [hbm4b:s9+s2], $0x80, $0x38;
	[tilespmem:$0x4080] =	vst v63  }
0x14: {  	_ =	swait.ge [sflag:s3], $0x80  }
0x15: {  	[sflag:s3] =	ssyncset.done $0x0  }
0x16: {  	[sflag:s3] =	ssyncadd.s32 $0xFFFFFF80  }
0x17: {  	[tilespmem:s6], [sflag:$0x1] =	stream.indirect.gather [hbm4b:s5+s6], $0x80, s2, s6, $0xb8;
	[tilespmem:$0x4080] =	vst v63  }
0x18: {  	_ =	swait.ge [sflag:s7], $0x4000  }
0x19: {  	[sflag:s7] =	ssyncset.done $0x0  }
0x1a: {  	s10 =	sadd.s32 $0x800, s8;
	[sflag:s7] =	ssyncadd.s32 $0xFFFFC000  }
0x1b: {  	[hbm4b:s10+s2] =	stream.linear.scatter [tilespmem:s6], [sflag:$0x2], $0x4000, $0x38;
	[tilespmem:$0x4080] =	vst v63  }
0x1c: {  	_ =	swait.ge [sflag:s3], $0x4000  }
0x1d: {  	[sflag:s3] =	ssyncset.done $0x0  }
0x1e: {  	s11 =	sadd.s32 $0x20, s4;
	[sflag:s3] =	ssyncadd.s32 $0xFFFFC000  }
0x1f: {  	[tilespmem:s2], [sflag:$0x2] =	stream.linear.gather [hbm4b:s11+s2], $0x80, $0x38;
	[tilespmem:$0x4080] =	vst v63  }
0x20: {  	_ =	swait.ge [sflag:s3], $0x80  }
0x21: {  	[sflag:s3] =	ssyncset.done $0x0  }
0x22: {  	[sflag:s3] =	ssyncadd.s32 $0xFFFFFF80  }
0x23: {  	[tilespmem:s6], [sflag:$0x1] =	stream.indirect.gather [hbm4b:s5+s6], $0x80, s2, s6, $0xb8;
	[tilespmem:$0x4080] =	vst v63  }
0x24: {  	_ =	swait.ge [sflag:s7], $0x4000  }
0x25: {  	[sflag:s7] =	ssyncset.done $0x0  }
0x26: {  	s12 =	sadd.s32 $0x1000, s8;
	[sflag:s7] =	ssyncadd.s32 $0xFFFFC000  }
0x27: {  	[hbm4b:s12+s2] =	stream.linear.scatter [tilespmem:s6], [sflag:$0x2], $0x4000, $0x38;
	[tilespmem:$0x4080] =	vst v63  }
0x28: {  	_ =	swait.ge [sflag:s3], $0x4000  }
0x29: {  	[sflag:s3] =	ssyncset.done $0x0  }
0x2a: {  	s14 =	ssub.s32 $0x2, s14;
	s13 =	sadd.s32 $0x30, s4;
	[sflag:s3] =	ssyncadd.s32 $0xFFFFC000  }
0x2b: {  	[tilespmem:s2], [sflag:$0x2] =	stream.linear.gather [hbm4b:s13+s2], $0x80, $0x38;
	[tilespmem:$0x4080] =	vst v63  }
0x2c: {  	s15 =	sshrl.u32 s14, $0x1;
	_ =	swait.ge [sflag:s3], $0x80  }
0x2d: {  	s14 =	ssub.s32 s14, s15;
	[sflag:s3] =	ssyncset.done $0x0  }
0x2e: {  	s15 =	smax.u32 s14, $0x1;
	[sflag:s3] =	ssyncadd.s32 $0xFFFFFF80  }
0x2f: {  	[tilespmem:s6], [sflag:$0x1] =	stream.indirect.gather [hbm4b:s5+s6], $0x80, s2, s6, $0xb8;
	[tilespmem:$0x4080] =	vst v63  }
0x30: {  	p0 =	sne.s32 s15, $0x1;
	_ =	swait.ge [sflag:s7], $0x4000  }
.Ltmp0:
0x31: {  	[sflag:s7] =	ssyncset.done $0x0;
	(pc) =	sbr.rel @!p0 .LBB2_2-.Ltmp0, $4  }
0x32: {  	s14 =	sadd.s32 $0x1800, s8;
	[sflag:s7] =	ssyncadd.s32 $0xFFFFC000  }
0x33: {  	[hbm4b:s14+s2] =	stream.linear.scatter [tilespmem:s6], [sflag:$0x2], $0x4000, $0x38;
	[tilespmem:$0x4080] =	vst v63  }
0x34: {  	_ =	swait.ge [sflag:s3], $0x4000  }
0x35: {  	s15 =	sadd.s32 $0xFFFFFFFF, s15;
	[sflag:s3] =	ssyncset.done $0x0  }
.LBB2_1:
0x36: {  	p0 =	sne.s32 s15, $0x1;
	s15 =	sadd.s32 $0xFFFFFFFF, s15;
	[sflag:s3] =	ssyncadd.s32 $0xFFFFC000  }
0x37: {  	[tilespmem:s2], [sflag:$0x2] =	stream.linear.gather [hbm4b:s4+s2], $0x80, $0x38;
	[tilespmem:$0x4080] =	vst v63  }
0x38: {  	_ =	swait.ge [sflag:s3], $0x80  }
0x39: {  	[sflag:s3] =	ssyncset.done $0x0  }
0x3a: {  	[sflag:s3] =	ssyncadd.s32 $0xFFFFFF80  }
0x3b: {  	[tilespmem:s6], [sflag:$0x1] =	stream.indirect.gather [hbm4b:s5+s6], $0x80, s2, s6, $0xb8;
	[tilespmem:$0x4080] =	vst v63  }
0x3c: {  	_ =	swait.ge [sflag:s7], $0x4000  }
0x3d: {  	[sflag:s7] =	ssyncset.done $0x0  }
0x3e: {  	[sflag:s7] =	ssyncadd.s32 $0xFFFFC000  }
0x3f: {  	[hbm4b:s8+s2] =	stream.linear.scatter [tilespmem:s6], [sflag:$0x2], $0x4000, $0x38;
	[tilespmem:$0x4080] =	vst v63  }
0x40: {  	_ =	swait.ge [sflag:s3], $0x4000  }
0x41: {  	[sflag:s3] =	ssyncset.done $0x0  }
0x42: {  	[sflag:s3] =	ssyncadd.s32 $0xFFFFC000  }
0x43: {  	[tilespmem:s2], [sflag:$0x2] =	stream.linear.gather [hbm4b:s9+s2], $0x80, $0x38;
	[tilespmem:$0x4080] =	vst v63  }
0x44: {  	_ =	swait.ge [sflag:s3], $0x80  }
0x45: {  	[sflag:s3] =	ssyncset.done $0x0  }
0x46: {  	[sflag:s3] =	ssyncadd.s32 $0xFFFFFF80  }
0x47: {  	[tilespmem:s6], [sflag:$0x1] =	stream.indirect.gather [hbm4b:s5+s6], $0x80, s2, s6, $0xb8;
	[tilespmem:$0x4080] =	vst v63  }
0x48: {  	_ =	swait.ge [sflag:s7], $0x4000  }
0x49: {  	[sflag:s7] =	ssyncset.done $0x0  }
0x4a: {  	[sflag:s7] =	ssyncadd.s32 $0xFFFFC000  }
0x4b: {  	[hbm4b:s10+s2] =	stream.linear.scatter [tilespmem:s6], [sflag:$0x2], $0x4000, $0x38;
	[tilespmem:$0x4080] =	vst v63  }
0x4c: {  	_ =	swait.ge [sflag:s3], $0x4000  }
0x4d: {  	[sflag:s3] =	ssyncset.done $0x0  }
0x4e: {  	[sflag:s3] =	ssyncadd.s32 $0xFFFFC000  }
0x4f: {  	[tilespmem:s2], [sflag:$0x2] =	stream.linear.gather [hbm4b:s11+s2], $0x80, $0x38;
	[tilespmem:$0x4080] =	vst v63  }
0x50: {  	_ =	swait.ge [sflag:s3], $0x80  }
0x51: {  	[sflag:s3] =	ssyncset.done $0x0  }
0x52: {  	[sflag:s3] =	ssyncadd.s32 $0xFFFFFF80  }
0x53: {  	[tilespmem:s6], [sflag:$0x1] =	stream.indirect.gather [hbm4b:s5+s6], $0x80, s2, s6, $0xb8;
	[tilespmem:$0x4080] =	vst v63  }
0x54: {  	_ =	swait.ge [sflag:s7], $0x4000  }
0x55: {  	[sflag:s7] =	ssyncset.done $0x0  }
0x56: {  	[sflag:s7] =	ssyncadd.s32 $0xFFFFC000  }
0x57: {  	[hbm4b:s12+s2] =	stream.linear.scatter [tilespmem:s6], [sflag:$0x2], $0x4000, $0x38;
	[tilespmem:$0x4080] =	vst v63  }
0x58: {  	_ =	swait.ge [sflag:s3], $0x4000  }
0x59: {  	[sflag:s3] =	ssyncset.done $0x0  }
0x5a: {  	[sflag:s3] =	ssyncadd.s32 $0xFFFFC000  }
0x5b: {  	[tilespmem:s2], [sflag:$0x2] =	stream.linear.gather [hbm4b:s13+s2], $0x80, $0x38;
	[tilespmem:$0x4080] =	vst v63  }
0x5c: {  	_ =	swait.ge [sflag:s3], $0x80  }
0x5d: {  	[sflag:s3] =	ssyncset.done $0x0  }
0x5e: {  	[sflag:s3] =	ssyncadd.s32 $0xFFFFFF80  }
0x5f: {  	[tilespmem:s6], [sflag:$0x1] =	stream.indirect.gather [hbm4b:s5+s6], $0x80, s2, s6, $0xb8;
	[tilespmem:$0x4080] =	vst v63  }
0x60: {  	_ =	swait.ge [sflag:s7], $0x4000  }
.Ltmp1:
0x61: {  	[sflag:s7] =	ssyncset.done $0x0;
	(pc) =	sbr.rel @p0 .LBB2_1-.Ltmp1, $4  }
0x62: {  	[sflag:s7] =	ssyncadd.s32 $0xFFFFC000  }
0x63: {  	[hbm4b:s14+s2] =	stream.linear.scatter [tilespmem:s6], [sflag:$0x2], $0x4000, $0x38;
	[tilespmem:$0x4080] =	vst v63  }
0x64: {  	_ =	swait.ge [sflag:s3], $0x4000  }
0x65: {  	[sflag:s3] =	ssyncset.done $0x0  }
.LBB2_2:
0x66: {  	[sflag:s3] =	ssyncadd.s32 $0xFFFFC000  }
0x67: {  	_ =	sfence.sel $0x180000  }
0x68: {  	[bflag:$0x0] =	sbarrier.arrive $0xFFFF  }
0x69: {  	p0 =	sne.s32 s0, $0x0;
	_ =	strace $0x9000004A  }
0x6a: {  	s0 =	sadd.s32 @!p0 $0x100000, s1;
	[bflag:$0x2] =	sbarrier.arrive $0xFFFF  }
0x6b: {  	[sflag:s0] =	ssyncadd.tile.s32 @!p0 $0x1;
	_ =	shalt  }
.Lfunc_end2:
_tile_overlayer_lowered:
.L_overlay_start_2:
0x6c: {  	(tag) =	ssettag $0x2  }
0x6d: {  	s0 =	rddreg [dreg:$0x0];
	s2 =	stileid.u32  }
0x6e: {  	s1 =	rddreg [dreg:$0x1];
	p0 =	sne.s32 s2, $0x0  }
0x6f: {  	s3 =	rddreg [dreg:$0x2];
	[bflag:$0x3] =	sbarrier.arrive $0xFFFF;
	s2 =	simm.s32 @!p0 $0x1C02  }
0x70: {  	[timem:s3], [sflag:s2] =	dma.local @!p0 [hbm:s0], s1  }
0x71: {  	s0 =	simm.s32 @!p0 $0x2  }
0x72: {  	_ =	swait.ge @!p0 [sflag:s0], s1  }
0x73: {  	s1 =	ssub.s32 @!p0 $0x0, s1;
	[sflag:s0] =	ssyncset.done @!p0 $0x0  }
0x74: {  	[sflag:s0] =	ssyncadd.s32 @!p0 s1  }
0x75: {  	[bflag:$0x3] =	sbarrier.arrive $0xFFFF  }
0x76: {  	_ =	shalt  }

// kernel: kernel.21.cloned.1.call-start
scs
__scs_entry_jumppad:
0x0: {  	(pc) =	sbr.rel $0x88, $3  }
0x1: {  	(tag) =	ssettag $0x0;
	lr =	simm.s32 $0x1  }
0x2: {  	[smem:$0x3F87] =	sst lr;
	_ =	strace $0xD0000000  }
0x3: {  	_ = 	snop  }
0x4: {  	_ = 	snop  }
0x5: {  	_ = 	snop  }
0x6: {  	_ = 	snop  }
0x7: {  	_ = 	snop  }
__scs_overlays_trampoline_lowered:
0x8: {  	[smem:$0x3F96] =	sst s0  }
0x9: {  	[smem:$0x3F97] =	sst s1  }
0xa: {  	[smem:$0x3F98] =	sst s2  }
0xb: {  	[smem:$0x3F99] =	sst s3  }
0xc: {  	[smem:$0x3F9A] =	sst s4  }
0xd: {  	[smem:$0x3F9B] =	sst s5  }
0xe: {  	[smem:$0x3F9C] =	sst s6  }
0xf: {  	[smem:$0x3F9D] =	sst s7  }
0x10: {  	[smem:$0x3F9E] =	sst s8  }
0x11: {  	[smem:$0x3F9F] =	sst s9;
	s0 =	simm.s32 @!p0 $0x0  }
0x12: {  	s1 =	sld [smem:$0x3F85];
	s0 =	simm.s32 @p0 $0x1  }
0x13: {  	[smem:$0x3FA0] =	sst s0;
	s0 =	simm.s32 @!p1 $0x0  }
0x14: {  	s2 =	sld [smem:$0x3F84];
	s0 =	simm.s32 @p1 $0x1  }
0x15: {  	[smem:$0x3FA1] =	sst s0;
	s0 =	simm.s32 @!p2 $0x0  }
0x16: {  	s3 =	sld [smem:$0x3FDB];
	s0 =	simm.s32 @p2 $0x1  }
0x17: {  	s4 =	simm.s32 $0x1BF5;
	[smem:$0x3FA3] =	sst s0  }
0x18: {  	s0 =	sld [smem:$0x3F86];
	_ =	swait.ge [sflag:s4], $0x0  }
0x19: {  	s7 =	sld [smem:$0x3F87]  }
0x1a: {  	s8 =	sadd.s32 $0xFFFFE003, lr  }
0x1b: {  	s9 =	sadd.s32 $0xFFFFFEF7, lr;
	s5 =	simm.s32 $0xFFFFFFFF;
	p2 =	slt.u32 s8, $0xFFFFF086  }
0x1c: {  	p1 =	slt.u32 s9, $0xF7A;
	s5 =	simm.s32 @!p2 $0x0  }
0x1d: {  	s5 =	simm.s32 @p1 $0x1;
	p0 =	seq.s32 s7, s2  }
0x1e: {  	s7 =	smul.u32 @!p0 $0xF7A, s2;
	p2 =	seq.s32 @!p0 s5, $0x0  }
0x1f: {  	s9 =	smul.u32 $0xF7A, s1;
	s8 =	simm.s32 @!p0 $0x1BF5;
	p2 =	por !p2, p0  }
0x20: {  	[sflag:s8] =	ssyncset.s32 @!p0 $0xFFFFF086;
	s6 =	sadd.s32 @!p0 s3, s7;
	s7 =	simm.s32 @!p0 $0x108  }
0x21: {  	s3 =	sadd.s32 s3, s9;
	s6 =	sadd.s32 @!p0 $0x88, s6;
	s7 =	simm.s32 @p2 $0x1082  }
0x22: {  	[simem:s7], [sflag:s8] =	dma.local @!p0 [hbm:s6], $0xF7A  }
0x23: {  	s9 =	sor.u32 $0xD0000000, s2;
	s6 =	simm.s32 $0x108;
	_ =	swait.ge @!p0 [sflag:s8], $0x0  }
0x24: {  	s3 =	sadd.s32 $0x88, s3;
	s6 =	simm.s32 @!p1 $0x1082;
	[sflag:s4] =	ssyncset.s32 $0xFFFFF086  }
0x25: {  	[simem:s6], [sflag:s4] =	dma.local [hbm:s3], $0xF7A  }
0x26: {  	[smem:$0x3F87] =	sst s1;
	(tag) =	ssettag s2;
	_ =	strace s9  }
0x27: {  	s1 =	sld [smem:$0x3F97]  }
0x28: {  	s2 =	sld [smem:$0x3F98]  }
0x29: {  	s4 =	sld [smem:$0x3F9A]  }
0x2a: {  	p0 =	seq.s32 s5, $0x0;
	s5 =	sld [smem:$0x3F9B]  }
0x2b: {  	s6 =	sld [smem:$0x3F9C]  }
0x2c: {  	s7 =	sld [smem:$0x3F9D]  }
0x2d: {  	s3 =	simm.s32 $0x108;
	s8 =	sld [smem:$0x3F9E]  }
0x2e: {  	s3 =	simm.s32 @!p0 $0x1082;
	s9 =	sld [smem:$0x3F9F]  }
0x2f: {  	lr =	sadd.s32 s0, s3;
	s0 =	sld [smem:$0x3F96]  }
0x30: {  	s3 =	sld [smem:$0x3F99]  }
0x31: {  	[smem:$0x3FA2] =	sst s10  }
0x32: {  	s10 =	sld [smem:$0x3FA0];
	_ =	sdelay $0x3  }
0x33: {  	p0 =	seq.s32 s10, $0x1;
	s10 =	sld [smem:$0x3FA2];
	_ =	sdelay $0x3  }
0x34: {  	[smem:$0x3FA2] =	sst s10  }
0x35: {  	s10 =	sld [smem:$0x3FA1];
	_ =	sdelay $0x3  }
0x36: {  	p1 =	seq.s32 s10, $0x1;
	s10 =	sld [smem:$0x3FA2];
	_ =	sdelay $0x3  }
0x37: {  	[smem:$0x3FA2] =	sst s10  }
0x38: {  	s10 =	sld [smem:$0x3FA3]  }
0x39: {  	_ = 	snop;
	(pc) =	sbr.ind lr, $3  }
0x3a: {  	_ = 	snop  }
0x3b: {  	_ = 	snop  }
0x3c: {  	p2 =	seq.s32 s10, $0x1;
	s10 =	sld [smem:$0x3FA2]  }
0x3d: {  	_ =	shalt  }
0x3e: {  	_ =	shalt  }
0x3f: {  	_ =	shalt  }
0x40: {  	_ =	shalt  }
0x41: {  	_ =	shalt  }
0x42: {  	_ =	shalt  }
0x43: {  	_ =	shalt  }
0x44: {  	_ =	shalt  }
0x45: {  	_ =	shalt  }
0x46: {  	_ =	shalt  }
0x47: {  	_ =	shalt  }
0x48: {  	_ =	shalt  }
0x49: {  	_ =	shalt  }
0x4a: {  	_ =	shalt  }
0x4b: {  	_ =	shalt  }
0x4c: {  	_ =	shalt  }
0x4d: {  	_ =	shalt  }
0x4e: {  	_ =	shalt  }
0x4f: {  	_ =	shalt  }
0x50: {  	_ =	shalt  }
0x51: {  	_ =	shalt  }
0x52: {  	_ =	shalt  }
0x53: {  	_ =	shalt  }
0x54: {  	_ =	shalt  }
0x55: {  	_ =	shalt  }
0x56: {  	_ =	shalt  }
0x57: {  	_ =	shalt  }
0x58: {  	_ =	shalt  }
0x59: {  	_ =	shalt  }
0x5a: {  	_ =	shalt  }
0x5b: {  	_ =	shalt  }
0x5c: {  	_ =	shalt  }
0x5d: {  	_ =	shalt  }
0x5e: {  	_ =	shalt  }
0x5f: {  	_ =	shalt  }
0x60: {  	_ =	shalt  }
0x61: {  	_ =	shalt  }
0x62: {  	_ =	shalt  }
0x63: {  	_ =	shalt  }
0x64: {  	_ =	shalt  }
0x65: {  	_ =	shalt  }
0x66: {  	_ =	shalt  }
0x67: {  	_ =	shalt  }
0x68: {  	_ =	shalt  }
0x69: {  	_ =	shalt  }
0x6a: {  	_ =	shalt  }
0x6b: {  	_ =	shalt  }
0x6c: {  	_ =	shalt  }
0x6d: {  	_ =	shalt  }
0x6e: {  	_ =	shalt  }
0x6f: {  	_ =	shalt  }
0x70: {  	_ =	shalt  }
0x71: {  	_ =	shalt  }
0x72: {  	_ =	shalt  }
0x73: {  	_ =	shalt  }
0x74: {  	_ =	shalt  }
0x75: {  	_ =	shalt  }
0x76: {  	_ =	shalt  }
0x77: {  	_ =	shalt  }
0x78: {  	_ =	shalt  }
0x79: {  	_ =	shalt  }
0x7a: {  	_ =	shalt  }
0x7b: {  	_ =	shalt  }
0x7c: {  	_ =	shalt  }
0x7d: {  	_ =	shalt  }
0x7e: {  	_ =	shalt  }
0x7f: {  	_ =	shalt  }
0x80: {  	_ =	shalt  }
0x81: {  	_ =	shalt  }
0x82: {  	_ =	shalt  }
0x83: {  	_ =	shalt  }
0x84: {  	_ =	shalt  }
0x85: {  	_ =	shalt  }
0x86: {  	_ =	shalt  }
0x87: {  	_ =	shalt  }
.Lfunc_end0:
.L_simem_size_0:
called_computation.3_lowered:
.L_overlay_start_0:
0x88: {  	s2 =	sld [smem:$0x3FD9]  }
0x89: {  	s3 =	sld [smem:$0x3FFE];
	_ =	sdelay $0x1  }
0x8a: {  	s1 =	srdreg.scid  }
0x8b: {  	s0 =	sand.u32 $0x1, s1  }
0x8c: {  	s17 =	sshll.u32 s0, $0xA;
	s2 =	sadd.s32 s3, s2  }
0x8d: {  	s2 =	sadd.s32 s2, s17  }
0x8e: {  	[smem:$0x3FAE] =	sst s2  }
0x8f: {  	_ = 	snop  }
0x90: {  	s2 =	sld [smem:$0x3FD0];
	(tm) =	ssettm $0x1  }
0x91: {  	s18 =	sld [smem:$0x3FFB];
	_ =	sdelay $0x3  }
0x92: {  	_ =	strace s18  }
0x93: {  	s3 =	sld [smem:$0x3FFC];
	_ =	sdelay $0x3  }
0x94: {  	_ =	strace s3  }
0x95: {  	s3 =	sld [smem:$0x3FFD];
	_ =	sdelay $0x3  }
0x96: {  	_ =	strace s3  }
0x97: {  	_ =	strace $0x8FFFFFFF  }
0x98: {  	s19 =	sld [smem:$0x3FDB];
	_ =	sdelay $0x1  }
0x99: {  	s4 =	simm.s32 $_scs_section_size  }
0x9a: {  	s5 =	simm.s32 $_size__tile_overlayer_lowered;
	s6 =	simm.s32 $_tile_overlayer_lowered  }
0x9b: {  	s22 =	simm.s32 $0x1BFF;
	s21 =	sshll.u32 s6, $0x1;
	s3 =	sadd.s32 s4, s19  }
0x9c: {  	s7 =	simm.s32 $0x0;
	s20 =	sshll.u32 s5, $0x1;
	s5 =	sadd.s32 s21, s3  }
0x9d: {  	[timem:s7], [sflag:s22] =	dma.local [hbm:s5], s20  }
0x9e: {  	_ =	swait.ge [sflag:s22], s20  }
0x9f: {  	s4 =	ssub.s32 $0x0, s20;
	[sflag:s22] =	ssyncset.done $0x0  }
0xa0: {  	[sflag:s22] =	ssyncadd.s32 s4;
	_ =	sdelay $0x1  }
0xa1: {  	s23 =	simm.s32 $0x1B8B  }
0xa2: {  	_ =	swait.ge [sflag:s23], $0x1  }
0xa3: {  	[sflag:s23] =	ssyncset.done $0x0  }
0xa4: {  	s25 =	simm.s32 $0x1B8E;
	s24 =	sld [smem:$0x3FFE];
	[sflag:s23] =	ssyncadd.s32 $0xFFFFFFFF  }
0xa5: {  	s26 =	simm.s32 $execute0_lowered;
	[smem:$0x3FD2] =	sst s25  }
0xa6: {  	s5 =	sshll.u32 s26, $0x1;
	_ =	strace $0x8000004F;
	[dreg:$0x1] =	wrdreg $0xFFFFFFFF  }
0xa7: {  	s28 =	simm.s32 $_size_execute0_lowered;
	s3 =	sadd.s32 s3, s5;
	[dreg:$0x0] =	wrdreg $0x0  }
0xa8: {  	s5 =	sshll.u32 s28, $0x1;
	[dreg:$0x2] =	wrdreg s3  }
0xa9: {  	[dreg:$0x3] =	wrdreg s5  }
0xaa: {  	[dreg:$0x4] =	wrdreg $0xC0  }
0xab: {  	_ =	task [dreg:s7], $0x5FFFF  }
0xac: {  	[dreg:$0x1] =	wrdreg $0xFFFFFFFF  }
0xad: {  	[dreg:$0x0] =	wrdreg $0x60  }
0xae: {  	[dreg:$0x2] =	wrdreg s2  }
0xaf: {  	[dreg:$0x3] =	wrdreg s24  }
0xb0: {  	[dreg:$0x4] =	wrdreg $0x9  }
0xb1: {  	_ =	task.clear_ibuf [dreg:s7], $0x5FFFF;
	_ =	strace $0x9000004F  }
0xb2: {  	s29 =	simm.s32 $0x9;
	_ =	strace $0x80000051  }
0xb3: {  	_ =	swait.ge [sflag:s29], $0x1  }
0xb4: {  	[sflag:s29] =	ssyncadd.s32 $0xFFFFFFFF  }
0xb5: {  	_ =	strace $0x90000051  }
0xb6: {  	_ =	sfence  }
0xb7: {  	s30 =	sld [smem:$0x0];
	_ =	sdelay $0x2  }
0xb8: {  	s31 =	sshll.u32 s1, $0xD;
	s1 =	sshrl.u32 s1, $0x2  }
0xb9: {  	s3 =	sand.u32 $0x4000, s31;
	s1 =	sadd.s32 s1, s30  }
0xba: {  	s0 =	sor.u32 s3, s0;
	s1 =	sshll.u32 s1, $0x11  }
0xbb: {  	s0 =	sor.u32 s1, s0  }
0xbc: {  	s0 =	sadd.s32 $0x8F2B, s0  }
0xbd: {  	[sflag:s0] =	ssyncadd.remote.s32 $0x1  }
0xbe: {  	_ =	sfence.sel $0xFFFF  }
0xbf: {  	[dreg:$0x0] =	wrdreg $0xFFFFFFFF;
	(pc) =	sbr.abs _section_cstart, $3  }
0xc0: {  	[dreg:$0x1] =	wrdreg $0xFFFFFFFF  }
0xc1: {  	_ =	task.clear_ibuf [dreg:s7], $0x2FFFF;
	_ =	strace $0x9FFFFFFF  }
0xc2: {  	(tm) =	ssettm $0x7FFFFFFF  }
0xc3: {  	_ =	shalt  }
tec
execute0_lowered:
.L_overlay_start_1:
0x0: {  	(tag) =	ssettag $0x1  }
0x1: {  	s1 =	srdreg.scid  }
0x2: {  	s0 =	stileid.u32;
	s22 =	sand.u32 $0x1, s1  }
0x3: {  	s2 =	rddreg [dreg:$0x0];
	s3 =	sshll.u32 s0, $0xA;
	s1 =	sshll.u32 s22, $0xE  }
0x4: {  	s8 =	rddreg [dreg:$0x1];
	s9 =	sor.u32 s3, s1  }
0x5: {  	s1 =	rddreg [dreg:$0x2];
	s3 =	simm.s32 $0x0;
	s4 =	sshrl.u32 s9, $0x3  }
0x6: {  	[smem:$0x7FF] =	sst s3;
	s21 =	sadd.s32 s4, s8  }
0x7: {  	_ =	strace $0x80000050;
	s4 =	simm.s32 $0x2;
	s5 =	sadd.s32 $0x74A00, s21  }
0x8: {  	[tilespmem:s3], [sflag:$0x2] =	stream.linear.gather [hbm4b:s5+s3], $0x80, $0x38;
	[tilespmem:$0x4080] =	vst v63  }
0x9: {  	_ =	swait.ge [sflag:s4], $0x80  }
0xa: {  	[sflag:s4] =	ssyncset.done $0x0  }
0xb: {  	s6 =	simm.s32 $0x80;
	s7 =	simm.s32 $0x1;
	[sflag:s4] =	ssyncadd.s32 $0xFFFFFF80  }
0xc: {  	[tilespmem:s6], [sflag:$0x1] =	stream.indirect.gather [hbm4b:s2+s6], $0x80, s3, s6, $0xb8;
	[tilespmem:$0x4080] =	vst v63  }
0xd: {  	s9 =	sshll.u32 s9, $0x4;
	_ =	swait.ge [sflag:s7], $0x4000  }
0xe: {  	s23 =	sadd.s32 s9, s8;
	[sflag:s7] =	ssyncset.done $0x0  }
0xf: {  	s8 =	sadd.s32 $0x75A00, s23;
	[sflag:s7] =	ssyncadd.s32 $0xFFFFC000  }
0x10: {  	[hbm4b:s8+s3] =	stream.linear.scatter [tilespmem:s6], [sflag:$0x2], $0x4000, $0x38;
	[tilespmem:$0x4080] =	vst v63  }
0x11: {  	_ =	swait.ge [sflag:s4], $0x4000  }
0x12: {  	[sflag:s4] =	ssyncset.done $0x0  }
0x13: {  	s9 =	sadd.s32 $0x74A10, s21;
	[sflag:s4] =	ssyncadd.s32 $0xFFFFC000  }
0x14: {  	[tilespmem:s3], [sflag:$0x2] =	stream.linear.gather [hbm4b:s9+s3], $0x80, $0x38;
	[tilespmem:$0x4080] =	vst v63  }
0x15: {  	_ =	swait.ge [sflag:s4], $0x80  }
0x16: {  	[sflag:s4] =	ssyncset.done $0x0  }
0x17: {  	[sflag:s4] =	ssyncadd.s32 $0xFFFFFF80  }
0x18: {  	[tilespmem:s6], [sflag:$0x1] =	stream.indirect.gather [hbm4b:s2+s6], $0x80, s3, s6, $0xb8;
	[tilespmem:$0x4080] =	vst v63  }
0x19: {  	_ =	swait.ge [sflag:s7], $0x4000  }
0x1a: {  	[sflag:s7] =	ssyncset.done $0x0  }
0x1b: {  	s10 =	sadd.s32 $0x76200, s23;
	[sflag:s7] =	ssyncadd.s32 $0xFFFFC000  }
0x1c: {  	[hbm4b:s10+s3] =	stream.linear.scatter [tilespmem:s6], [sflag:$0x2], $0x4000, $0x38;
	[tilespmem:$0x4080] =	vst v63  }
0x1d: {  	_ =	swait.ge [sflag:s4], $0x4000  }
0x1e: {  	[sflag:s4] =	ssyncset.done $0x0  }
0x1f: {  	s11 =	sadd.s32 $0x74A20, s21;
	[sflag:s4] =	ssyncadd.s32 $0xFFFFC000  }
0x20: {  	[tilespmem:s3], [sflag:$0x2] =	stream.linear.gather [hbm4b:s11+s3], $0x80, $0x38;
	[tilespmem:$0x4080] =	vst v63  }
0x21: {  	_ =	swait.ge [sflag:s4], $0x80  }
0x22: {  	[sflag:s4] =	ssyncset.done $0x0  }
0x23: {  	[sflag:s4] =	ssyncadd.s32 $0xFFFFFF80  }
0x24: {  	[tilespmem:s6], [sflag:$0x1] =	stream.indirect.gather [hbm4b:s2+s6], $0x80, s3, s6, $0xb8;
	[tilespmem:$0x4080] =	vst v63  }
0x25: {  	_ =	swait.ge [sflag:s7], $0x4000  }
0x26: {  	[sflag:s7] =	ssyncset.done $0x0  }
0x27: {  	s12 =	sadd.s32 $0x76A00, s23;
	[sflag:s7] =	ssyncadd.s32 $0xFFFFC000  }
0x28: {  	[hbm4b:s12+s3] =	stream.linear.scatter [tilespmem:s6], [sflag:$0x2], $0x4000, $0x38;
	[tilespmem:$0x4080] =	vst v63  }
0x29: {  	_ =	swait.ge [sflag:s4], $0x4000  }
0x2a: {  	[sflag:s4] =	ssyncset.done $0x0  }
0x2b: {  	s13 =	sadd.s32 $0x74A30, s21;
	[sflag:s4] =	ssyncadd.s32 $0xFFFFC000  }
0x2c: {  	[tilespmem:s3], [sflag:$0x2] =	stream.linear.gather [hbm4b:s13+s3], $0x80, $0x38;
	[tilespmem:$0x4080] =	vst v63  }
0x2d: {  	_ =	swait.ge [sflag:s4], $0x80  }
0x2e: {  	[sflag:s4] =	ssyncset.done $0x0  }
0x2f: {  	[sflag:s4] =	ssyncadd.s32 $0xFFFFFF80  }
0x30: {  	[tilespmem:s6], [sflag:$0x1] =	stream.indirect.gather [hbm4b:s2+s6], $0x80, s3, s6, $0xb8;
	[tilespmem:$0x4080] =	vst v63  }
0x31: {  	_ =	swait.ge [sflag:s7], $0x4000  }
0x32: {  	[sflag:s7] =	ssyncset.done $0x0  }
0x33: {  	s14 =	sadd.s32 $0x77200, s23;
	[sflag:s7] =	ssyncadd.s32 $0xFFFFC000  }
0x34: {  	[hbm4b:s14+s3] =	stream.linear.scatter [tilespmem:s6], [sflag:$0x2], $0x4000, $0x38;
	[tilespmem:$0x4080] =	vst v63  }
0x35: {  	_ =	swait.ge [sflag:s4], $0x4000  }
0x36: {  	[sflag:s4] =	ssyncset.done $0x0  }
0x37: {  	s15 =	sadd.s32 $0x74A40, s21;
	[sflag:s4] =	ssyncadd.s32 $0xFFFFC000  }
0x38: {  	[tilespmem:s3], [sflag:$0x2] =	stream.linear.gather [hbm4b:s15+s3], $0x80, $0x38;
	[tilespmem:$0x4080] =	vst v63  }
0x39: {  	_ =	swait.ge [sflag:s4], $0x80  }
0x3a: {  	[sflag:s4] =	ssyncset.done $0x0  }
0x3b: {  	[sflag:s4] =	ssyncadd.s32 $0xFFFFFF80  }
0x3c: {  	[tilespmem:s6], [sflag:$0x1] =	stream.indirect.gather [hbm4b:s2+s6], $0x80, s3, s6, $0xb8;
	[tilespmem:$0x4080] =	vst v63  }
0x3d: {  	_ =	swait.ge [sflag:s7], $0x4000  }
0x3e: {  	[sflag:s7] =	ssyncset.done $0x0  }
0x3f: {  	s16 =	sadd.s32 $0x77A00, s23;
	[sflag:s7] =	ssyncadd.s32 $0xFFFFC000  }
0x40: {  	[hbm4b:s16+s3] =	stream.linear.scatter [tilespmem:s6], [sflag:$0x2], $0x4000, $0x38;
	[tilespmem:$0x4080] =	vst v63  }
0x41: {  	_ =	swait.ge [sflag:s4], $0x4000  }
0x42: {  	[sflag:s4] =	ssyncset.done $0x0  }
0x43: {  	s17 =	sadd.s32 $0x74A50, s21;
	[sflag:s4] =	ssyncadd.s32 $0xFFFFC000  }
0x44: {  	[tilespmem:s3], [sflag:$0x2] =	stream.linear.gather [hbm4b:s17+s3], $0x80, $0x38;
	[tilespmem:$0x4080] =	vst v63  }
0x45: {  	_ =	swait.ge [sflag:s4], $0x80  }
0x46: {  	[sflag:s4] =	ssyncset.done $0x0  }
0x47: {  	[sflag:s4] =	ssyncadd.s32 $0xFFFFFF80  }
0x48: {  	[tilespmem:s6], [sflag:$0x1] =	stream.indirect.gather [hbm4b:s2+s6], $0x80, s3, s6, $0xb8;
	[tilespmem:$0x4080] =	vst v63  }
0x49: {  	_ =	swait.ge [sflag:s7], $0x4000  }
0x4a: {  	[sflag:s7] =	ssyncset.done $0x0  }
0x4b: {  	s18 =	sadd.s32 $0x78200, s23;
	[sflag:s7] =	ssyncadd.s32 $0xFFFFC000  }
0x4c: {  	[hbm4b:s18+s3] =	stream.linear.scatter [tilespmem:s6], [sflag:$0x2], $0x4000, $0x38;
	[tilespmem:$0x4080] =	vst v63  }
0x4d: {  	_ =	swait.ge [sflag:s4], $0x4000  }
0x4e: {  	[sflag:s4] =	ssyncset.done $0x0  }
0x4f: {  	s19 =	sadd.s32 $0x74A60, s21;
	[sflag:s4] =	ssyncadd.s32 $0xFFFFC000  }
0x50: {  	[tilespmem:s3], [sflag:$0x2] =	stream.linear.gather [hbm4b:s19+s3], $0x80, $0x38;
	[tilespmem:$0x4080] =	vst v63  }
0x51: {  	_ =	swait.ge [sflag:s4], $0x80  }
0x52: {  	[sflag:s4] =	ssyncset.done $0x0  }
0x53: {  	[sflag:s4] =	ssyncadd.s32 $0xFFFFFF80  }
0x54: {  	[tilespmem:s6], [sflag:$0x1] =	stream.indirect.gather [hbm4b:s2+s6], $0x80, s3, s6, $0xb8;
	[tilespmem:$0x4080] =	vst v63  }
0x55: {  	_ =	swait.ge [sflag:s7], $0x4000  }
0x56: {  	[sflag:s7] =	ssyncset.done $0x0  }
0x57: {  	s20 =	sadd.s32 $0x78A00, s23;
	[sflag:s7] =	ssyncadd.s32 $0xFFFFC000  }
0x58: {  	[hbm4b:s20+s3] =	stream.linear.scatter [tilespmem:s6], [sflag:$0x2], $0x4000, $0x38;
	[tilespmem:$0x4080] =	vst v63  }
0x59: {  	_ =	swait.ge [sflag:s4], $0x4000  }
0x5a: {  	[sflag:s4] =	ssyncset.done $0x0  }
0x5b: {  	s22 =	ssub.s32 $0x2, s22;
	s21 =	sadd.s32 $0x74A70, s21;
	[sflag:s4] =	ssyncadd.s32 $0xFFFFC000  }
0x5c: {  	[tilespmem:s3], [sflag:$0x2] =	stream.linear.gather [hbm4b:s21+s3], $0x80, $0x38;
	[tilespmem:$0x4080] =	vst v63  }
0x5d: {  	s24 =	sshrl.u32 s22, $0x1;
	_ =	swait.ge [sflag:s4], $0x80  }
0x5e: {  	s22 =	ssub.s32 s22, s24;
	[sflag:s4] =	ssyncset.done $0x0  }
0x5f: {  	s24 =	smax.u32 s22, $0x1;
	[sflag:s4] =	ssyncadd.s32 $0xFFFFFF80  }
0x60: {  	[tilespmem:s6], [sflag:$0x1] =	stream.indirect.gather [hbm4b:s2+s6], $0x80, s3, s6, $0xb8;
	[tilespmem:$0x4080] =	vst v63  }
0x61: {  	p0 =	sne.s32 s24, $0x1;
	_ =	swait.ge [sflag:s7], $0x4000  }
.Ltmp0:
0x62: {  	[sflag:s7] =	ssyncset.done $0x0;
	(pc) =	sbr.rel @!p0 .LBB2_2-.Ltmp0, $4  }
0x63: {  	s22 =	sadd.s32 $0x79200, s23;
	[sflag:s7] =	ssyncadd.s32 $0xFFFFC000  }
0x64: {  	[hbm4b:s22+s3] =	stream.linear.scatter [tilespmem:s6], [sflag:$0x2], $0x4000, $0x38;
	[tilespmem:$0x4080] =	vst v63  }
0x65: {  	_ =	swait.ge [sflag:s4], $0x4000  }
0x66: {  	s23 =	sadd.s32 $0xFFFFFFFF, s24;
	[sflag:s4] =	ssyncset.done $0x0  }
.LBB2_1:
0x67: {  	p0 =	sne.s32 s23, $0x1;
	s23 =	sadd.s32 $0xFFFFFFFF, s23;
	[sflag:s4] =	ssyncadd.s32 $0xFFFFC000  }
0x68: {  	[tilespmem:s3], [sflag:$0x2] =	stream.linear.gather [hbm4b:s5+s3], $0x80, $0x38;
	[tilespmem:$0x4080] =	vst v63  }
0x69: {  	_ =	swait.ge [sflag:s4], $0x80  }
0x6a: {  	[sflag:s4] =	ssyncset.done $0x0  }
0x6b: {  	[sflag:s4] =	ssyncadd.s32 $0xFFFFFF80  }
0x6c: {  	[tilespmem:s6], [sflag:$0x1] =	stream.indirect.gather [hbm4b:s2+s6], $0x80, s3, s6, $0xb8;
	[tilespmem:$0x4080] =	vst v63  }
0x6d: {  	_ =	swait.ge [sflag:s7], $0x4000  }
0x6e: {  	[sflag:s7] =	ssyncset.done $0x0  }
0x6f: {  	[sflag:s7] =	ssyncadd.s32 $0xFFFFC000  }
0x70: {  	[hbm4b:s8+s3] =	stream.linear.scatter [tilespmem:s6], [sflag:$0x2], $0x4000, $0x38;
	[tilespmem:$0x4080] =	vst v63  }
0x71: {  	_ =	swait.ge [sflag:s4], $0x4000  }
0x72: {  	[sflag:s4] =	ssyncset.done $0x0  }
0x73: {  	[sflag:s4] =	ssyncadd.s32 $0xFFFFC000  }
0x74: {  	[tilespmem:s3], [sflag:$0x2] =	stream.linear.gather [hbm4b:s9+s3], $0x80, $0x38;
	[tilespmem:$0x4080] =	vst v63  }
0x75: {  	_ =	swait.ge [sflag:s4], $0x80  }
0x76: {  	[sflag:s4] =	ssyncset.done $0x0  }
0x77: {  	[sflag:s4] =	ssyncadd.s32 $0xFFFFFF80  }
0x78: {  	[tilespmem:s6], [sflag:$0x1] =	stream.indirect.gather [hbm4b:s2+s6], $0x80, s3, s6, $0xb8;
	[tilespmem:$0x4080] =	vst v63  }
0x79: {  	_ =	swait.ge [sflag:s7], $0x4000  }
0x7a: {  	[sflag:s7] =	ssyncset.done $0x0  }
0x7b: {  	[sflag:s7] =	ssyncadd.s32 $0xFFFFC000  }
0x7c: {  	[hbm4b:s10+s3] =	stream.linear.scatter [tilespmem:s6], [sflag:$0x2], $0x4000, $0x38;
	[tilespmem:$0x4080] =	vst v63  }
0x7d: {  	_ =	swait.ge [sflag:s4], $0x4000  }
0x7e: {  	[sflag:s4] =	ssyncset.done $0x0  }
0x7f: {  	[sflag:s4] =	ssyncadd.s32 $0xFFFFC000  }
0x80: {  	[tilespmem:s3], [sflag:$0x2] =	stream.linear.gather [hbm4b:s11+s3], $0x80, $0x38;
	[tilespmem:$0x4080] =	vst v63  }
0x81: {  	_ =	swait.ge [sflag:s4], $0x80  }
0x82: {  	[sflag:s4] =	ssyncset.done $0x0  }
0x83: {  	[sflag:s4] =	ssyncadd.s32 $0xFFFFFF80  }
0x84: {  	[tilespmem:s6], [sflag:$0x1] =	stream.indirect.gather [hbm4b:s2+s6], $0x80, s3, s6, $0xb8;
	[tilespmem:$0x4080] =	vst v63  }
0x85: {  	_ =	swait.ge [sflag:s7], $0x4000  }
0x86: {  	[sflag:s7] =	ssyncset.done $0x0  }
0x87: {  	[sflag:s7] =	ssyncadd.s32 $0xFFFFC000  }
0x88: {  	[hbm4b:s12+s3] =	stream.linear.scatter [tilespmem:s6], [sflag:$0x2], $0x4000, $0x38;
	[tilespmem:$0x4080] =	vst v63  }
0x89: {  	_ =	swait.ge [sflag:s4], $0x4000  }
0x8a: {  	[sflag:s4] =	ssyncset.done $0x0  }
0x8b: {  	[sflag:s4] =	ssyncadd.s32 $0xFFFFC000  }
0x8c: {  	[tilespmem:s3], [sflag:$0x2] =	stream.linear.gather [hbm4b:s13+s3], $0x80, $0x38;
	[tilespmem:$0x4080] =	vst v63  }
0x8d: {  	_ =	swait.ge [sflag:s4], $0x80  }
0x8e: {  	[sflag:s4] =	ssyncset.done $0x0  }
0x8f: {  	[sflag:s4] =	ssyncadd.s32 $0xFFFFFF80  }
0x90: {  	[tilespmem:s6], [sflag:$0x1] =	stream.indirect.gather [hbm4b:s2+s6], $0x80, s3, s6, $0xb8;
	[tilespmem:$0x4080] =	vst v63  }
0x91: {  	_ =	swait.ge [sflag:s7], $0x4000  }
0x92: {  	[sflag:s7] =	ssyncset.done $0x0  }
0x93: {  	[sflag:s7] =	ssyncadd.s32 $0xFFFFC000  }
0x94: {  	[hbm4b:s14+s3] =	stream.linear.scatter [tilespmem:s6], [sflag:$0x2], $0x4000, $0x38;
	[tilespmem:$0x4080] =	vst v63  }
0x95: {  	_ =	swait.ge [sflag:s4], $0x4000  }
0x96: {  	[sflag:s4] =	ssyncset.done $0x0  }
0x97: {  	[sflag:s4] =	ssyncadd.s32 $0xFFFFC000  }
0x98: {  	[tilespmem:s3], [sflag:$0x2] =	stream.linear.gather [hbm4b:s15+s3], $0x80, $0x38;
	[tilespmem:$0x4080] =	vst v63  }
0x99: {  	_ =	swait.ge [sflag:s4], $0x80  }
0x9a: {  	[sflag:s4] =	ssyncset.done $0x0  }
0x9b: {  	[sflag:s4] =	ssyncadd.s32 $0xFFFFFF80  }
0x9c: {  	[tilespmem:s6], [sflag:$0x1] =	stream.indirect.gather [hbm4b:s2+s6], $0x80, s3, s6, $0xb8;
	[tilespmem:$0x4080] =	vst v63  }
0x9d: {  	_ =	swait.ge [sflag:s7], $0x4000  }
0x9e: {  	[sflag:s7] =	ssyncset.done $0x0  }
0x9f: {  	[sflag:s7] =	ssyncadd.s32 $0xFFFFC000  }
0xa0: {  	[hbm4b:s16+s3] =	stream.linear.scatter [tilespmem:s6], [sflag:$0x2], $0x4000, $0x38;
	[tilespmem:$0x4080] =	vst v63  }
0xa1: {  	_ =	swait.ge [sflag:s4], $0x4000  }
0xa2: {  	[sflag:s4] =	ssyncset.done $0x0  }
0xa3: {  	[sflag:s4] =	ssyncadd.s32 $0xFFFFC000  }
0xa4: {  	[tilespmem:s3], [sflag:$0x2] =	stream.linear.gather [hbm4b:s17+s3], $0x80, $0x38;
	[tilespmem:$0x4080] =	vst v63  }
0xa5: {  	_ =	swait.ge [sflag:s4], $0x80  }
0xa6: {  	[sflag:s4] =	ssyncset.done $0x0  }
0xa7: {  	[sflag:s4] =	ssyncadd.s32 $0xFFFFFF80  }
0xa8: {  	[tilespmem:s6], [sflag:$0x1] =	stream.indirect.gather [hbm4b:s2+s6], $0x80, s3, s6, $0xb8;
	[tilespmem:$0x4080] =	vst v63  }
0xa9: {  	_ =	swait.ge [sflag:s7], $0x4000  }
0xaa: {  	[sflag:s7] =	ssyncset.done $0x0  }
0xab: {  	[sflag:s7] =	ssyncadd.s32 $0xFFFFC000  }
0xac: {  	[hbm4b:s18+s3] =	stream.linear.scatter [tilespmem:s6], [sflag:$0x2], $0x4000, $0x38;
	[tilespmem:$0x4080] =	vst v63  }
0xad: {  	_ =	swait.ge [sflag:s4], $0x4000  }
0xae: {  	[sflag:s4] =	ssyncset.done $0x0  }
0xaf: {  	[sflag:s4] =	ssyncadd.s32 $0xFFFFC000  }
0xb0: {  	[tilespmem:s3], [sflag:$0x2] =	stream.linear.gather [hbm4b:s19+s3], $0x80, $0x38;
	[tilespmem:$0x4080] =	vst v63  }
0xb1: {  	_ =	swait.ge [sflag:s4], $0x80  }
0xb2: {  	[sflag:s4] =	ssyncset.done $0x0  }
0xb3: {  	[sflag:s4] =	ssyncadd.s32 $0xFFFFFF80  }
0xb4: {  	[tilespmem:s6], [sflag:$0x1] =	stream.indirect.gather [hbm4b:s2+s6], $0x80, s3, s6, $0xb8;
	[tilespmem:$0x4080] =	vst v63  }
0xb5: {  	_ =	swait.ge [sflag:s7], $0x4000  }
0xb6: {  	[sflag:s7] =	ssyncset.done $0x0  }
0xb7: {  	[sflag:s7] =	ssyncadd.s32 $0xFFFFC000  }
0xb8: {  	[hbm4b:s20+s3] =	stream.linear.scatter [tilespmem:s6], [sflag:$0x2], $0x4000, $0x38;
	[tilespmem:$0x4080] =	vst v63  }
0xb9: {  	_ =	swait.ge [sflag:s4], $0x4000  }
0xba: {  	[sflag:s4] =	ssyncset.done $0x0  }
0xbb: {  	[sflag:s4] =	ssyncadd.s32 $0xFFFFC000  }
0xbc: {  	[tilespmem:s3], [sflag:$0x2] =	stream.linear.gather [hbm4b:s21+s3], $0x80, $0x38;
	[tilespmem:$0x4080] =	vst v63  }
0xbd: {  	_ =	swait.ge [sflag:s4], $0x80  }
0xbe: {  	[sflag:s4] =	ssyncset.done $0x0  }
0xbf: {  	[sflag:s4] =	ssyncadd.s32 $0xFFFFFF80  }
0xc0: {  	[tilespmem:s6], [sflag:$0x1] =	stream.indirect.gather [hbm4b:s2+s6], $0x80, s3, s6, $0xb8;
	[tilespmem:$0x4080] =	vst v63  }
0xc1: {  	_ =	swait.ge [sflag:s7], $0x4000  }
.Ltmp1:
0xc2: {  	[sflag:s7] =	ssyncset.done $0x0;
	(pc) =	sbr.rel @p0 .LBB2_1-.Ltmp1, $4  }
0xc3: {  	[sflag:s7] =	ssyncadd.s32 $0xFFFFC000  }
0xc4: {  	[hbm4b:s22+s3] =	stream.linear.scatter [tilespmem:s6], [sflag:$0x2], $0x4000, $0x38;
	[tilespmem:$0x4080] =	vst v63  }
0xc5: {  	_ =	swait.ge [sflag:s4], $0x4000  }
0xc6: {  	[sflag:s4] =	ssyncset.done $0x0  }
.LBB2_2:
0xc7: {  	[sflag:s4] =	ssyncadd.s32 $0xFFFFC000  }
0xc8: {  	_ =	sfence.sel $0x180000  }
0xc9: {  	[bflag:$0x0] =	sbarrier.arrive $0xFFFF  }
0xca: {  	p0 =	sne.s32 s0, $0x0;
	_ =	strace $0x90000050  }
0xcb: {  	s0 =	sadd.s32 @!p0 $0x100000, s1;
	[bflag:$0x2] =	sbarrier.arrive $0xFFFF  }
0xcc: {  	[sflag:s0] =	ssyncadd.tile.s32 @!p0 $0x1;
	_ =	shalt  }
.Lfunc_end2:
_tile_overlayer_lowered:
.L_overlay_start_2:
0xcd: {  	(tag) =	ssettag $0x2  }
0xce: {  	s0 =	rddreg [dreg:$0x0];
	s2 =	stileid.u32  }
0xcf: {  	s1 =	rddreg [dreg:$0x1];
	p0 =	sne.s32 s2, $0x0  }
0xd0: {  	s3 =	rddreg [dreg:$0x2];
	[bflag:$0x3] =	sbarrier.arrive $0xFFFF;
	s2 =	simm.s32 @!p0 $0x1C02  }
0xd1: {  	[timem:s3], [sflag:s2] =	dma.local @!p0 [hbm:s0], s1  }
0xd2: {  	s0 =	simm.s32 @!p0 $0x2  }
0xd3: {  	_ =	swait.ge @!p0 [sflag:s0], s1  }
0xd4: {  	s1 =	ssub.s32 @!p0 $0x0, s1;
	[sflag:s0] =	ssyncset.done @!p0 $0x0  }
0xd5: {  	[sflag:s0] =	ssyncadd.s32 @!p0 s1  }
0xd6: {  	[bflag:$0x3] =	sbarrier.arrive $0xFFFF  }
0xd7: {  	_ =	shalt  }

</sc_bundles>
